<compile_context>
chip_gen: v7x
topology: tpu7x:2x2x1
jax: 0.10.2.dev20260603
libtpu: 0.0.44.dev20260713+nightly
codegen_flags: <defaults>
</compile_context>

<pallas_src>
import functools

import jax
import jax.numpy as jnp
from jax import lax
from jax.experimental import pallas as pl
from jax.experimental.pallas import tpu as pltpu
from jax.experimental.pallas import tpu_sc as plsc

_N = 10000
_E = 160000
_H = 128
_R2E = 2 * _E
_CH = 80
_NT = 16
_NP = 10240
_NPT = _NP // _NT
_EPS = 1e-5

_f32 = jnp.float32


def _sc_mesh():
    return plsc.VectorSubcoreMesh(core_axis_name="c", subcore_axis_name="s")


def _k1_body(era, idx2_h, zz,
             se_o, t_o,
             idx0_v, idx1_v, rows0_v, rows1_v, tab_sh,
             si0, si1, sr0, sr1):
    c = lax.axis_index("c")
    s = lax.axis_index("s")
    pltpu.sync_copy(zz, tab_sh.at[pl.ds(s * _NPT, _NPT)])
    plsc.subcore_barrier()

    rpt = _R2E // _NT
    nch = rpt // _CH
    ibase = c * _R2E
    bufs = ((idx0_v, rows0_v, si0, sr0), (idx1_v, rows1_v, si1, sr1))

    def issue(jj, b):
        idx_v, rows_v, si, sr = bufs[b]
        r0 = s * rpt + jj * _CH
        pltpu.async_copy(idx2_h.at[pl.ds(ibase + r0, _CH)], idx_v, si)
        pltpu.async_copy(era.at[pl.ds(r0, _CH)], rows_v, sr)

    def wait(jj, b):
        idx_v, rows_v, si, sr = bufs[b]
        r0 = s * rpt + jj * _CH
        pltpu.make_async_copy(idx2_h.at[pl.ds(ibase + r0, _CH)],
                              idx_v, si).wait()
        pltpu.make_async_copy(era.at[pl.ds(r0, _CH)], rows_v, sr).wait()

    issue(0, 0)

    def outer(j2, carry):
        for b in range(2):
            jj = 2 * j2 + b

            @pl.when(jj + 1 < nch)
            def _():
                issue(jj + 1, 1 - b)

            wait(jj, b)
            idx_v, rows_v, _, _ = bufs[b]
            pltpu.sync_copy(rows_v, tab_sh.at[idx_v], add=True)
        return carry

    lax.fori_loop(0, nch // 2, outer, 0)
    plsc.subcore_barrier()

    @pl.when(c == 0)
    def _():
        pltpu.sync_copy(tab_sh.at[pl.ds(s * _NPT, _NPT)],
                        se_o.at[pl.ds(s * _NPT, _NPT)])

    @pl.when(c == 1)
    def _():
        pltpu.sync_copy(tab_sh.at[pl.ds(s * _NPT, _NPT)],
                        t_o.at[pl.ds(s * _NPT, _NPT)])


def _run_k1(edge_rep, idx2):
    zz = jnp.zeros((_NPT, _H), _f32)
    fn = pl.kernel(
        _k1_body,
        out_type=(jax.ShapeDtypeStruct((_NP, _H), _f32),
                  jax.ShapeDtypeStruct((_NP, _H), _f32)),
        mesh=_sc_mesh(),
        scratch_types=[
            pltpu.VMEM((_CH,), jnp.int32),
            pltpu.VMEM((_CH,), jnp.int32),
            pltpu.VMEM((_CH, _H), _f32),
            pltpu.VMEM((_CH, _H), _f32),
            pltpu.VMEM_SHARED((_NP, _H), _f32),
            pltpu.SemaphoreType.DMA,
            pltpu.SemaphoreType.DMA,
            pltpu.SemaphoreType.DMA,
            pltpu.SemaphoreType.DMA,
        ],
    )
    return fn(edge_rep, idx2, zz)


def _kd_body(atoms_h, zz, oo,
             d0_o, d1_o,
             idx0_v, idx1_v, ones_v, tab_sh, si0, si1):
    c = lax.axis_index("c")
    s = lax.axis_index("s")
    pltpu.sync_copy(zz, tab_sh.at[pl.ds(s * _NPT, _NPT)])
    pltpu.sync_copy(oo, ones_v)
    plsc.subcore_barrier()

    rpc = _R2E // 2
    rpt = rpc // _NT
    nch = rpt // _CH
    bufs = ((idx0_v, si0), (idx1_v, si1))

    def issue(jj, b):
        idx_v, si = bufs[b]
        r0 = c * rpc + s * rpt + jj * _CH
        pltpu.async_copy(atoms_h.at[pl.ds(r0, _CH)], idx_v, si)

    def wait(jj, b):
        idx_v, si = bufs[b]
        r0 = c * rpc + s * rpt + jj * _CH
        pltpu.make_async_copy(atoms_h.at[pl.ds(r0, _CH)], idx_v, si).wait()

    issue(0, 0)

    def outer(j2, carry):
        for b in range(2):
            jj = 2 * j2 + b

            @pl.when(jj + 1 < nch)
            def _():
                issue(jj + 1, 1 - b)

            @pl.when(jj < nch)
            def _():
                wait(jj, b)
                idx_v, _ = bufs[b]
                pltpu.sync_copy(ones_v, tab_sh.at[idx_v], add=True)
        return carry

    lax.fori_loop(0, (nch + 1) // 2, outer, 0)
    plsc.subcore_barrier()

    @pl.when(c == 0)
    def _():
        pltpu.sync_copy(tab_sh.at[pl.ds(s * _NPT, _NPT)],
                        d0_o.at[pl.ds(s * _NPT, _NPT)])

    @pl.when(c == 1)
    def _():
        pltpu.sync_copy(tab_sh.at[pl.ds(s * _NPT, _NPT)],
                        d1_o.at[pl.ds(s * _NPT, _NPT)])


def _run_kd(atoms):
    zz = jnp.zeros((_NPT, _H), _f32)
    oo = jnp.ones((_CH, _H), _f32)
    fn = pl.kernel(
        _kd_body,
        out_type=(jax.ShapeDtypeStruct((_NP, _H), _f32),
                  jax.ShapeDtypeStruct((_NP, _H), _f32)),
        mesh=_sc_mesh(),
        scratch_types=[
            pltpu.VMEM((_CH,), jnp.int32),
            pltpu.VMEM((_CH,), jnp.int32),
            pltpu.VMEM((_CH, _H), _f32),
            pltpu.VMEM_SHARED((_NP, _H), _f32),
            pltpu.SemaphoreType.DMA,
            pltpu.SemaphoreType.DMA,
        ],
    )
    return fn(atoms, zz, oo)


def _k2_body(tab2_h, atoms_h, aoth_h, zz,
             u_o, v_o,
             idxd0, idxs0, idxd1, idxs1, idxd2, idxs2,
             rows0_v, rows1_v, rows2_v, tab_sh,
             sl0, sl1, sl2, sg0, sg1, sg2, ss0, ss1, ss2):
    c = lax.axis_index("c")
    s = lax.axis_index("s")
    pltpu.sync_copy(zz, tab_sh.at[pl.ds(s * _NPT, _NPT)])
    plsc.subcore_barrier()

    rpt = _R2E // _NT
    nch = rpt // _CH
    off = c * _NP
    bufs = ((idxd0, idxs0, rows0_v, sl0, sg0, ss0),
            (idxd1, idxs1, rows1_v, sl1, sg1, ss1),
            (idxd2, idxs2, rows2_v, sl2, sg2, ss2))

    def issue_l(jj, b):
        idxd, idxs, _, sl, _, _ = bufs[b]
        r0 = s * rpt + jj * _CH
        pltpu.async_copy(atoms_h.at[pl.ds(r0, _CH)], idxd, sl)
        pltpu.async_copy(aoth_h.at[pl.ds(r0, _CH)], idxs, sl)

    def wait_l(jj, b):
        idxd, idxs, _, sl, _, _ = bufs[b]
        r0 = s * rpt + jj * _CH
        pltpu.make_async_copy(atoms_h.at[pl.ds(r0, _CH)], idxd, sl).wait()
        pltpu.make_async_copy(aoth_h.at[pl.ds(r0, _CH)], idxs, sl).wait()

    def wait_s(b):
        idxd, _, rows_v, _, _, ss = bufs[b]
        pltpu.make_async_copy(rows_v, tab_sh.at[idxd], ss).wait()

    issue_l(0, 0)
    issue_l(1, 1)

    def outer(j3, carry):
        for b in range(3):
            jj = 3 * j3 + b

            @pl.when(jj < nch)
            def _():
                wait_l(jj, b)
                idxd, idxs, rows_v, _, sg, ss = bufs[b]
                for k in range(_CH // 16):
                    sl_ = pl.ds(k * 16, 16)
                    idxs[sl_] = idxs[sl_] + off
                pltpu.async_copy(tab2_h.at[idxs], rows_v, sg).wait()
                pltpu.async_copy(rows_v, tab_sh.at[idxd], ss, add=True)

                @pl.when(jj + 2 < nch)
                def _():
                    @pl.when(jj >= 1)
                    def _():
                        wait_s((b - 1) % 3)

                    issue_l(jj + 2, (b + 2) % 3)
        return carry

    lax.fori_loop(0, (nch + 2) // 3, outer, 0)
    wait_s((nch - 3) % 3)
    wait_s((nch - 2) % 3)
    wait_s((nch - 1) % 3)
    plsc.subcore_barrier()

    @pl.when(c == 0)
    def _():
        pltpu.sync_copy(tab_sh.at[pl.ds(s * _NPT, _NPT)],
                        u_o.at[pl.ds(s * _NPT, _NPT)])

    @pl.when(c == 1)
    def _():
        pltpu.sync_copy(tab_sh.at[pl.ds(s * _NPT, _NPT)],
                        v_o.at[pl.ds(s * _NPT, _NPT)])


def _run_k2(tab2, atoms, aoth):
    zz = jnp.zeros((_NPT, _H), _f32)
    fn = pl.kernel(
        _k2_body,
        out_type=(jax.ShapeDtypeStruct((_NP, _H), _f32),
                  jax.ShapeDtypeStruct((_NP, _H), _f32)),
        mesh=_sc_mesh(),
        scratch_types=(
            [pltpu.VMEM((_CH,), jnp.int32)] * 6
            + [pltpu.VMEM((_CH, _H), _f32)] * 3
            + [pltpu.VMEM_SHARED((_NP, _H), _f32)]
            + [pltpu.SemaphoreType.DMA] * 9
        ),
    )
    return fn(tab2, atoms, aoth, zz)


_bf16 = jnp.bfloat16


def _k3_body(ya_h, yb_h, atoms_h, aoth_h, ga_o, gb_o,
             idxa0, idxb0, idxa1, idxb1, bufa0, bufb0, bufa1, bufb1,
             sl0, sl1, sg0, sg1, sw0, sw1):
    c = lax.axis_index("c")
    s = lax.axis_index("s")
    wid = s * 2 + c
    rpw = _R2E // 32
    nch = rpw // _CH
    bufs = ((idxa0, idxb0, bufa0, bufb0, sl0, sg0, sw0),
            (idxa1, idxb1, bufa1, bufb1, sl1, sg1, sw1))

    def issue_l(jj, b):
        idxa, idxb, _, _, sl, _, _ = bufs[b]
        r0 = wid * rpw + jj * _CH
        pltpu.async_copy(atoms_h.at[pl.ds(r0, _CH)], idxa, sl)
        pltpu.async_copy(aoth_h.at[pl.ds(r0, _CH)], idxb, sl)

    def wait_l(jj, b):
        idxa, idxb, _, _, sl, _, _ = bufs[b]
        r0 = wid * rpw + jj * _CH
        pltpu.make_async_copy(atoms_h.at[pl.ds(r0, _CH)], idxa, sl).wait()
        pltpu.make_async_copy(aoth_h.at[pl.ds(r0, _CH)], idxb, sl).wait()

    def issue_g(b):
        idxa, idxb, bufa, bufb, _, sg, _ = bufs[b]
        pltpu.async_copy(ya_h.at[idxa], bufa, sg)
        pltpu.async_copy(yb_h.at[idxb], bufb, sg)

    def wait_g(b):
        idxa, idxb, bufa, bufb, _, sg, _ = bufs[b]
        pltpu.make_async_copy(ya_h.at[idxa], bufa, sg).wait()
        pltpu.make_async_copy(yb_h.at[idxb], bufb, sg).wait()

    def issue_w(jj, b):
        _, _, bufa, bufb, _, _, sw = bufs[b]
        r0 = wid * rpw + jj * _CH
        pltpu.async_copy(bufa, ga_o.at[pl.ds(r0, _CH)], sw)
        pltpu.async_copy(bufb, gb_o.at[pl.ds(r0, _CH)], sw)

    def wait_w(jj, b):
        _, _, bufa, bufb, _, _, sw = bufs[b]
        r0 = wid * rpw + jj * _CH
        pltpu.make_async_copy(bufa, ga_o.at[pl.ds(r0, _CH)], sw).wait()
        pltpu.make_async_copy(bufb, gb_o.at[pl.ds(r0, _CH)], sw).wait()

    issue_l(0, 0)
    wait_l(0, 0)
    issue_g(0)
    issue_l(1, 1)

    def outer(j2, carry):
        for b in range(2):
            jj = 2 * j2 + b

            @pl.when(jj < nch)
            def _():
                wait_g(b)

                @pl.when(jj + 1 < nch)
                def _():
                    wait_l(jj + 1, 1 - b)

                    @pl.when(jj >= 1)
                    def _():
                        wait_w(jj - 1, 1 - b)

                    issue_g(1 - b)

                    @pl.when(jj + 2 < nch)
                    def _():
                        issue_l(jj + 2, b)

                issue_w(jj, b)
        return carry

    lax.fori_loop(0, (nch + 1) // 2, outer, 0)
    wait_w(nch - 2, (nch - 2) % 2)
    wait_w(nch - 1, (nch - 1) % 2)


def _run_k3(ya, yb, atoms, aoth):
    fn = pl.kernel(
        _k3_body,
        out_type=(jax.ShapeDtypeStruct((_R2E, _H), jnp.int32),
                  jax.ShapeDtypeStruct((_R2E, _H), jnp.int32)),
        mesh=_sc_mesh(),
        scratch_types=[
            pltpu.VMEM((_CH,), jnp.int32),
            pltpu.VMEM((_CH,), jnp.int32),
            pltpu.VMEM((_CH,), jnp.int32),
            pltpu.VMEM((_CH,), jnp.int32),
            pltpu.VMEM((_CH, _H), jnp.int32),
            pltpu.VMEM((_CH, _H), jnp.int32),
            pltpu.VMEM((_CH, _H), jnp.int32),
            pltpu.VMEM((_CH, _H), jnp.int32),
            pltpu.SemaphoreType.DMA,
            pltpu.SemaphoreType.DMA,
            pltpu.SemaphoreType.DMA,
            pltpu.SemaphoreType.DMA,
            pltpu.SemaphoreType.DMA,
            pltpu.SemaphoreType.DMA,
        ],
    )
    return fn(ya, yb, atoms, aoth)


def _dot(a, b, precision=lax.Precision.HIGHEST):
    return lax.dot_general(a, b, (((1,), (0,)), ((), ())),
                           preferred_element_type=_f32,
                           precision=precision)


def _wsplit(w):
    return [w[i * _H:(i + 1) * _H] for i in range(7)]


def _pack_bf16_pair(lo_f, hi_f):
    def rnd(x):
        w = lax.bitcast_convert_type(x, jnp.int32)
        return (w + 0x7FFF + ((w >> 16) & 1)) >> 16
    return (rnd(hi_f) << 16) | (rnd(lo_f) & 0xFFFF)


def _feat_body(se_ref, t_ref, u_ref, v_ref, nr_ref, d0_ref, d1_ref, ew1_ref,
               ya_ref, yb_ref, xn_ref):
    w = _wsplit(ew1_ref[...])
    b_m = w[1] + w[2] + w[3] + w[4]
    c_m = w[1] + w[3]
    d_m = w[1] + w[2]
    f_m = w[5] + w[6]
    g_m = w[5]
    se = se_ref[...]
    t = t_ref[...]
    nr = nr_ref[...]
    d = d0_ref[...][:, 0:1] + d1_ref[...][:, 0:1]
    d2 = d * d
    ya = _dot(d * se, b_m) + _dot(t, c_m) + _dot(d * nr, f_m)
    yb = _dot(se, d_m) + _dot(nr, g_m)
    ya_ref[...] = _pack_bf16_pair(ya[:, :_H], ya[:, _H:])
    yb_ref[...] = _pack_bf16_pair(yb[:, :_H], yb[:, _H:])
    xn_ref[...] = jnp.concatenate(
        [nr, d2 * se, d * t, u_ref[...], se, d2 * nr, v_ref[...]], axis=1)


def _run_feat(se, t, u, v, nr, d0, d1, ew1):
    nb, blk = 10, _N // 10
    grid = (nb,)
    io128 = pl.BlockSpec((blk, _H), lambda i: (i, 0))
    return pl.pallas_call(
        _feat_body,
        grid=grid,
        in_specs=[io128, io128, io128, io128, io128, io128, io128,
                  pl.BlockSpec((7 * _H, 2 * _H), lambda i: (0, 0))],
        out_specs=[pl.BlockSpec((blk, _H), lambda i: (i, 0)),
                   pl.BlockSpec((blk, _H), lambda i: (i, 0)),
                   pl.BlockSpec((blk, 7 * _H), lambda i: (i, 0))],
        out_shape=[jax.ShapeDtypeStruct((_N, _H), jnp.int32),
                   jax.ShapeDtypeStruct((_N, _H), jnp.int32),
                   jax.ShapeDtypeStruct((_N, 7 * _H), _f32)],
    )(se, t, u, v, nr, d0, d1, ew1)


def _bn_coeffs(stats_ref, g_ref, b_ref, n):
    sums = stats_ref[0:1, :]
    sqs = stats_ref[1:2, :]
    mean = sums * (1.0 / n)
    var = sqs * (1.0 / n) - mean * mean
    scale = g_ref[...] * lax.rsqrt(var + _EPS)
    shift = b_ref[...] - mean * scale
    return scale, shift


def _unpack_g(g_ref):
    w = g_ref[...]
    lo = lax.bitcast_convert_type(w << 16, _f32)
    hi = lax.bitcast_convert_type((w >> 16) << 16, _f32)
    return jnp.concatenate([lo, hi], axis=1)


def _ep1_body(er_ref, ga_ref, gb_ref, ew1_ref, h1_ref, stats_ref, acc_ref):
    i = pl.program_id(0)

    @pl.when(i == 0)
    def _():
        acc_ref[...] = jnp.zeros_like(acc_ref)

    w = ew1_ref[...]
    a_m = w[0:_H] + w[_H:2 * _H]
    h = (_dot(er_ref[...], a_m, precision=lax.Precision.DEFAULT)
         + _unpack_g(ga_ref) + _unpack_g(gb_ref))
    acc_ref[0:1, :] += jnp.sum(h, axis=0, keepdims=True)
    acc_ref[1:2, :] += jnp.sum(h * h, axis=0, keepdims=True)
    h1_ref[...] = _pack_bf16_pair(h[:, :_H], h[:, _H:])
    stats_ref[...] = acc_ref[...]


def _run_ep1(er, ga, gb, ew1, blk=2000):
    nb = _R2E // blk
    return pl.pallas_call(
        _ep1_body,
        grid=(nb,),
        in_specs=[pl.BlockSpec((blk, _H), lambda i: (i, 0)),
                  pl.BlockSpec((blk, _H), lambda i: (i, 0)),
                  pl.BlockSpec((blk, _H), lambda i: (i, 0)),
                  pl.BlockSpec((7 * _H, 2 * _H), lambda i: (0, 0))],
        out_specs=[pl.BlockSpec((blk, _H), lambda i: (i, 0)),
                   pl.BlockSpec((8, 2 * _H), lambda i: (0, 0))],
        out_shape=[jax.ShapeDtypeStruct((_R2E, _H), jnp.int32),
                   jax.ShapeDtypeStruct((8, 2 * _H), _f32)],
        scratch_shapes=[pltpu.VMEM((8, 2 * _H), _f32)],
    )(er, ga, gb, ew1)


def _ep2_body(h1_ref, st1_ref, g1_ref, b1_ref, w2_ref,
              h2_ref, stats_ref, acc_ref):
    i = pl.program_id(0)

    @pl.when(i == 0)
    def _():
        acc_ref[...] = jnp.zeros_like(acc_ref)

    h = _unpack_g(h1_ref)
    scale, shift = _bn_coeffs(st1_ref, g1_ref, b1_ref, float(_R2E))
    r = jnp.maximum(h * scale + shift, 0.0)
    h2 = _dot(r, w2_ref[...], precision=lax.Precision.DEFAULT)
    acc_ref[0:1, :] += jnp.sum(h2, axis=0, keepdims=True)
    acc_ref[1:2, :] += jnp.sum(h2 * h2, axis=0, keepdims=True)
    h2_ref[...] = _pack_bf16_pair(h2[:, :_H // 2], h2[:, _H // 2:])
    stats_ref[...] = acc_ref[...]


def _run_ep2(h1p, st1, g1, b1, w2, blk=2000):
    nb = _R2E // blk
    return pl.pallas_call(
        _ep2_body,
        grid=(nb,),
        in_specs=[pl.BlockSpec((blk, _H), lambda i: (i, 0)),
                  pl.BlockSpec((8, 2 * _H), lambda i: (0, 0)),
                  pl.BlockSpec((1, 2 * _H), lambda i: (0, 0)),
                  pl.BlockSpec((1, 2 * _H), lambda i: (0, 0)),
                  pl.BlockSpec((2 * _H, _H), lambda i: (0, 0))],
        out_specs=[pl.BlockSpec((blk, _H // 2), lambda i: (i, 0)),
                   pl.BlockSpec((8, _H), lambda i: (0, 0))],
        out_shape=[jax.ShapeDtypeStruct((_R2E, _H // 2), jnp.int32),
                   jax.ShapeDtypeStruct((8, _H), _f32)],
        scratch_shapes=[pltpu.VMEM((8, _H), _f32)],
    )(h1p, st1, g1, b1, w2)


def _run_p3(h2, st2, g2, b2, n_rows, blk):
    nb = h2.shape[0] // blk
    n = float(n_rows)

    def _p3_body(h2_ref, st2_ref, g2_ref, b2_ref, out_ref):
        scale, shift = _bn_coeffs(st2_ref, g2_ref, b2_ref, n)
        out_ref[...] = jnp.maximum(h2_ref[...] * scale + shift, 0.0)

    return pl.pallas_call(
        _p3_body,
        grid=(nb,),
        in_specs=[pl.BlockSpec((blk, _H), lambda i: (i, 0)),
                  pl.BlockSpec((8, _H), lambda i: (0, 0)),
                  pl.BlockSpec((1, _H), lambda i: (0, 0)),
                  pl.BlockSpec((1, _H), lambda i: (0, 0))],
        out_specs=pl.BlockSpec((blk, _H), lambda i: (i, 0)),
        out_shape=jax.ShapeDtypeStruct((h2.shape[0], _H), _f32),
    )(h2, st2, g2, b2)


def _run_p3_packed(h2p, st2, g2, b2, n_rows, blk):
    nb = h2p.shape[0] // blk
    n = float(n_rows)

    def _p3_body(h2_ref, st2_ref, g2_ref, b2_ref, out_ref):
        w = h2_ref[...]
        lo = lax.bitcast_convert_type(w << 16, _f32)
        hi = lax.bitcast_convert_type((w >> 16) << 16, _f32)
        h2 = jnp.concatenate([lo, hi], axis=1)
        scale, shift = _bn_coeffs(st2_ref, g2_ref, b2_ref, n)
        out_ref[...] = jnp.maximum(h2 * scale + shift, 0.0)

    return pl.pallas_call(
        _p3_body,
        grid=(nb,),
        in_specs=[pl.BlockSpec((blk, _H // 2), lambda i: (i, 0)),
                  pl.BlockSpec((8, _H), lambda i: (0, 0)),
                  pl.BlockSpec((1, _H), lambda i: (0, 0)),
                  pl.BlockSpec((1, _H), lambda i: (0, 0))],
        out_specs=pl.BlockSpec((blk, _H), lambda i: (i, 0)),
        out_shape=jax.ShapeDtypeStruct((h2p.shape[0], _H), _f32),
    )(h2p, st2, g2, b2)


def _np1_body(xn_ref, nw1_ref, h1_ref, stats_ref, acc_ref):
    i = pl.program_id(0)

    @pl.when(i == 0)
    def _():
        acc_ref[...] = jnp.zeros_like(acc_ref)

    w = _wsplit(nw1_ref[...])
    wcat = jnp.concatenate(
        [w[0], w[1] + w[2] + w[3] + w[4], w[1] + w[3], w[1] + w[2],
         w[1], w[5] + w[6], w[5]], axis=0)
    h = _dot(xn_ref[...], wcat)
    acc_ref[0:1, :] += jnp.sum(h, axis=0, keepdims=True)
    acc_ref[1:2, :] += jnp.sum(h * h, axis=0, keepdims=True)
    h1_ref[...] = h
    stats_ref[...] = acc_ref[...]


def _run_np1(xn, nw1):
    nb, blk = 10, _N // 10
    return pl.pallas_call(
        _np1_body,
        grid=(nb,),
        in_specs=[pl.BlockSpec((blk, 7 * _H), lambda i: (i, 0)),
                  pl.BlockSpec((7 * _H, 2 * _H), lambda i: (0, 0))],
        out_specs=[pl.BlockSpec((blk, 2 * _H), lambda i: (i, 0)),
                   pl.BlockSpec((8, 2 * _H), lambda i: (0, 0))],
        out_shape=[jax.ShapeDtypeStruct((_N, 2 * _H), _f32),
                   jax.ShapeDtypeStruct((8, 2 * _H), _f32)],
        scratch_shapes=[pltpu.VMEM((8, 2 * _H), _f32)],
    )(xn, nw1)


def _np2_body(h1_ref, st1_ref, g1_ref, b1_ref, w2_ref,
              h2_ref, stats_ref, acc_ref):
    i = pl.program_id(0)

    @pl.when(i == 0)
    def _():
        acc_ref[...] = jnp.zeros_like(acc_ref)

    scale, shift = _bn_coeffs(st1_ref, g1_ref, b1_ref, float(_N))
    r = jnp.maximum(h1_ref[...] * scale + shift, 0.0)
    h2 = _dot(r, w2_ref[...])
    acc_ref[0:1, :] += jnp.sum(h2, axis=0, keepdims=True)
    acc_ref[1:2, :] += jnp.sum(h2 * h2, axis=0, keepdims=True)
    h2_ref[...] = h2
    stats_ref[...] = acc_ref[...]


def _run_np2(h1, st1, g1, b1, w2):
    nb, blk = 10, _N // 10
    return pl.pallas_call(
        _np2_body,
        grid=(nb,),
        in_specs=[pl.BlockSpec((blk, 2 * _H), lambda i: (i, 0)),
                  pl.BlockSpec((8, 2 * _H), lambda i: (0, 0)),
                  pl.BlockSpec((1, 2 * _H), lambda i: (0, 0)),
                  pl.BlockSpec((1, 2 * _H), lambda i: (0, 0)),
                  pl.BlockSpec((2 * _H, _H), lambda i: (0, 0))],
        out_specs=[pl.BlockSpec((blk, _H), lambda i: (i, 0)),
                   pl.BlockSpec((8, _H), lambda i: (0, 0))],
        out_shape=[jax.ShapeDtypeStruct((_N, _H), _f32),
                   jax.ShapeDtypeStruct((8, _H), _f32)],
        scratch_shapes=[pltpu.VMEM((8, _H), _f32)],
    )(h1, st1, g1, b1, w2)


def kernel(node_rep, edge_rep, edge_index,
           node_W1, node_g1, node_b1, node_W2, node_g2, node_b2,
           edge_W1, edge_g1, edge_b1, edge_W2, edge_g2, edge_b2):
    u, v = edge_index[0], edge_index[1]
    atoms = jnp.stack([u, v], axis=1).reshape(-1).astype(jnp.int32)
    aoth = jnp.stack([v, u], axis=1).reshape(-1).astype(jnp.int32)

    idx2 = jnp.concatenate([atoms, aoth])
    se, t = _run_k1(edge_rep, idx2)
    d0, d1 = _run_kd(atoms)
    tab2 = jnp.concatenate(
        [se, node_rep, jnp.zeros((_NP - _N, _H), _f32)], axis=0)
    uu, vv = _run_k2(tab2, atoms, aoth)
    ya, yb, xn = _run_feat(se[:_N], t[:_N], uu[:_N], vv[:_N],
                           node_rep, d0[:_N], d1[:_N], edge_W1)
    ga, gb = _run_k3(ya, yb, atoms, aoth)

    eg1 = edge_g1.reshape(1, -1)
    eb1 = edge_b1.reshape(1, -1)
    h1p, st1 = _run_ep1(edge_rep, ga, gb, edge_W1)
    h2p, st2 = _run_ep2(h1p, st1, eg1, eb1, edge_W2)
    edge_out = _run_p3_packed(h2p, st2, edge_g2.reshape(1, -1),
                              edge_b2.reshape(1, -1), _R2E, 2000)

    nst1_h1 = _run_np1(xn, node_W1)
    h1n, nst1 = nst1_h1
    h2n, nst2 = _run_np2(h1n, nst1, node_g1.reshape(1, -1),
                         node_b1.reshape(1, -1), node_W2)
    node_out = _run_p3(h2n, nst2, node_g2.reshape(1, -1),
                       node_b2.reshape(1, -1), _N, 1000)

    return (node_out, edge_out)

# --- scband reference (transcript-rebuilt; emitter-appended) ---
"""Pipeline reference for scband-edge-node-50869592655541 (READ-ONLY COPY).

The authoritative reference and input builder live on the scoring server;
editing this copy changes nothing except your own understanding.
"""

import jax, jax.numpy as jnp
import numpy as np

N = 10000
E = 160000
H = 128


def setup_inputs(seed: int = 0) -> dict:
    key = jax.random.key(seed)
    ks = jax.random.split(key, 8)
    d_in, d_mid = 7 * H, 2 * H
    inp = {
        "node_rep": jax.random.normal(ks[0], (N, H), dtype=jnp.float32),
        "edge_rep": jax.random.normal(ks[1], (2 * E, H), dtype=jnp.float32),
        "edge_index": jax.random.randint(ks[2], (2, E), 0, N, dtype=jnp.int32),
        "node_W1": jax.random.normal(ks[3], (d_in, d_mid), dtype=jnp.float32) / np.sqrt(d_in),
        "node_g1": jnp.ones((d_mid,), jnp.float32),
        "node_b1": jnp.zeros((d_mid,), jnp.float32),
        "node_W2": jax.random.normal(ks[4], (d_mid, H), dtype=jnp.float32) / np.sqrt(d_mid),
        "node_g2": jnp.ones((H,), jnp.float32),
        "node_b2": jnp.zeros((H,), jnp.float32),
        "edge_W1": jax.random.normal(ks[5], (d_in, d_mid), dtype=jnp.float32) / np.sqrt(d_in),
        "edge_g1": jnp.ones((d_mid,), jnp.float32),
        "edge_b1": jnp.zeros((d_mid,), jnp.float32),
        "edge_W2": jax.random.normal(ks[6], (d_mid, H), dtype=jnp.float32) / np.sqrt(d_mid),
        "edge_g2": jnp.ones((H,), jnp.float32),
        "edge_b2": jnp.zeros((H,), jnp.float32),
    }
    return inp


def _bn(x, g, b):
    # BatchNorm1d in training mode: batch statistics, biased variance, eps=1e-5
    m = jnp.mean(x, axis=0)
    v = jnp.var(x, axis=0)
    return (x - m) / jnp.sqrt(v + 1e-5) * g + b


def _mlp(x, W1, g1, b1, W2, g2, b2):
    h = jax.nn.relu(_bn(x @ W1, g1, b1))
    return jax.nn.relu(_bn(h @ W2, g2, b2))


def reference(node_rep, edge_rep, edge_index,
              node_W1, node_g1, node_b1, node_W2, node_g2, node_b2,
              edge_W1, edge_g1, edge_b1, edge_W2, edge_g2, edge_b2):
    u, v = edge_index[0], edge_index[1]
    # ptens order-1 edge layer row layout: edge e -> rows 2e (atom u_e), 2e+1 (atom v_e)
    atoms = jnp.stack([u, v], axis=1).reshape(-1)            # [2E] atom (node id) of each row
    rows_other = jnp.arange(2 * E).reshape(E, 2)[:, ::-1].reshape(-1)  # row of the other endpoint

    def gather11(src):
        # subgraphlayer1b.gather_from_ptensors (edge->edge): linmaps1->1 over the atom
        # intersection gives 2 maps -> channels double.
        # id map: out[row(e,w)] = sum_{e' ni w} src[row(e',w)]
        # bc map: out[row(e,w)] = id map + src[row(e, other(w))] (simple-graph assumption)
        S = jax.ops.segment_sum(src, atoms, num_segments=N)
        out_id = S[atoms]
        out_bc = out_id + src[rows_other]
        return jnp.concatenate([out_bc, out_id], axis=-1)

    # gather node(order0) -> edge(order1): row(e,w) = node_rep[w]
    node2edge = gather11(node_rep[atoms])                    # [2E, 2H]
    edge2edge = gather11(gather11(edge_rep))                 # [2E, 4H]
    # cat_channels then gather edge(order1) -> node(order0): reduce rows by atom
    edge2node = jax.ops.segment_sum(
        jnp.concatenate([edge2edge, node2edge], axis=-1), atoms, num_segments=N)  # [N, 6H]

    edge_out = _mlp(jnp.concatenate([edge_rep, edge2edge, node2edge], axis=-1),
                    edge_W1, edge_g1, edge_b1, edge_W2, edge_g2, edge_b2)  # [2E, H]
    # edge_dropout / node_dropout: eval mode -> identity
    node_out = _mlp(jnp.concatenate([node_rep, edge2node], axis=-1),
                    node_W1, node_g1, node_b1, node_W2, node_g2, node_b2)  # [N, H]
    return (node_out, edge_out)

if __name__ == "__main__":
    import jax
    _d = setup_inputs()
    print(jax.jit(kernel)(*tuple(_d.values())))

</pallas_src>

<mosaic_0001>
#map = affine_map<(d0, d1) -> (0, 0)>
#map1 = affine_map<(d0, d1) -> (0)>
module attributes {stable_mosaic.version = 14 : i64} {
  func.func @_k3_body(%arg0: i32, %arg1: i32, %arg2: memref<10000x128xi32, #tpu.memory_space<hbm>>, %arg3: memref<10000x128xi32, #tpu.memory_space<hbm>>, %arg4: memref<320000xi32, #tpu.memory_space<hbm>>, %arg5: memref<320000xi32, #tpu.memory_space<hbm>>, %arg6: memref<320000x128xi32, #tpu.memory_space<hbm>>, %arg7: memref<320000x128xi32, #tpu.memory_space<hbm>>, %arg8: memref<80xi32, #tpu.memory_space<vmem>>, %arg9: memref<80xi32, #tpu.memory_space<vmem>>, %arg10: memref<80xi32, #tpu.memory_space<vmem>>, %arg11: memref<80xi32, #tpu.memory_space<vmem>>, %arg12: memref<80x128xi32, #tpu.memory_space<vmem>>, %arg13: memref<80x128xi32, #tpu.memory_space<vmem>>, %arg14: memref<80x128xi32, #tpu.memory_space<vmem>>, %arg15: memref<80x128xi32, #tpu.memory_space<vmem>>, %arg16: memref<!tpu.dma_semaphore, #tpu.memory_space<semaphore_mem>>, %arg17: memref<!tpu.dma_semaphore, #tpu.memory_space<semaphore_mem>>, %arg18: memref<!tpu.dma_semaphore, #tpu.memory_space<semaphore_mem>>, %arg19: memref<!tpu.dma_semaphore, #tpu.memory_space<semaphore_mem>>, %arg20: memref<!tpu.dma_semaphore, #tpu.memory_space<semaphore_mem>>, %arg21: memref<!tpu.dma_semaphore, #tpu.memory_space<semaphore_mem>>) attributes {dimension_semantics = [#tpu.dimension_semantics<core_parallel>, #tpu.dimension_semantics<subcore_parallel>], iteration_bounds = array<i64: 2, 16>, scalar_prefetch = 0 : i64, scratch_operands = 14 : i64, tpu.core_type = #tpu.core_type<sc_vector_subcore>, window_params = [{transform_indices = #map}, {transform_indices = #map}, {transform_indices = #map1}, {transform_indices = #map1}, {transform_indices = #map}, {transform_indices = #map}]} {
    %mul3A = arith.constant 2 : i32
    %mul3A_0 = arith.muli %arg1, %mul3A : i32
    %add3A = arith.addi %mul3A_0, %arg0 : i32
    %mul3A_1 = arith.constant 10000 : i32
    %mul3A_2 = arith.muli %add3A, %mul3A_1 : i32
    %add3A_3 = arith.constant 0 : i32
    %add3A_4 = arith.addi %mul3A_2, %add3A_3 : i32
    %dma_start3A = tpu.memref_slice %arg4[%add3A_4] : memref<320000xi32, #tpu.memory_space<hbm>> -> memref<80xi32, #tpu.memory_space<hbm>>
    %dma_start3A_5 = tpu.memref_slice %arg4[%add3A_4] : memref<320000xi32, #tpu.memory_space<hbm>> -> memref<80xi32, #tpu.memory_space<hbm>>
    tpu.enqueue_dma source(%dma_start3A_5 : memref<80xi32, #tpu.memory_space<hbm>>) target(%arg8 : memref<80xi32, #tpu.memory_space<vmem>>) target_semaphore(%arg16 : memref<!tpu.dma_semaphore, #tpu.memory_space<semaphore_mem>>)
    %dma_start3A_6 = tpu.memref_slice %arg5[%add3A_4] : memref<320000xi32, #tpu.memory_space<hbm>> -> memref<80xi32, #tpu.memory_space<hbm>>
    %dma_start3A_7 = tpu.memref_slice %arg5[%add3A_4] : memref<320000xi32, #tpu.memory_space<hbm>> -> memref<80xi32, #tpu.memory_space<hbm>>
    tpu.enqueue_dma source(%dma_start3A_7 : memref<80xi32, #tpu.memory_space<hbm>>) target(%arg9 : memref<80xi32, #tpu.memory_space<vmem>>) target_semaphore(%arg16 : memref<!tpu.dma_semaphore, #tpu.memory_space<semaphore_mem>>)
    %mul3A_8 = arith.constant 10000 : i32
    %mul3A_9 = arith.muli %add3A, %mul3A_8 : i32
    %add3A_10 = arith.constant 0 : i32
    %add3A_11 = arith.addi %mul3A_9, %add3A_10 : i32
    %dma_wait3A = tpu.memref_slice %arg4[%add3A_11] : memref<320000xi32, #tpu.memory_space<hbm>> -> memref<80xi32, #tpu.memory_space<hbm>>
    %dma_wait3A_12 = tpu.memref_slice %arg4[%add3A_11] : memref<320000xi32, #tpu.memory_space<hbm>> -> memref<80xi32, #tpu.memory_space<hbm>>
    tpu.wait_dma2 semaphore(%arg16 : memref<!tpu.dma_semaphore, #tpu.memory_space<semaphore_mem>>) src(%dma_wait3A_12 : memref<80xi32, #tpu.memory_space<hbm>>) dst(%arg8 : memref<80xi32, #tpu.memory_space<vmem>>)
    %dma_wait3A_13 = tpu.memref_slice %arg5[%add3A_11] : memref<320000xi32, #tpu.memory_space<hbm>> -> memref<80xi32, #tpu.memory_space<hbm>>
    %dma_wait3A_14 = tpu.memref_slice %arg5[%add3A_11] : memref<320000xi32, #tpu.memory_space<hbm>> -> memref<80xi32, #tpu.memory_space<hbm>>
    tpu.wait_dma2 semaphore(%arg16 : memref<!tpu.dma_semaphore, #tpu.memory_space<semaphore_mem>>) src(%dma_wait3A_14 : memref<80xi32, #tpu.memory_space<hbm>>) dst(%arg9 : memref<80xi32, #tpu.memory_space<vmem>>)
    %dma_start3A_15 = arith.constant 0 : i32
    %dma_start3A_16 = arith.constant 0 : i32
    %dma_start3A_17 = tpu.memref_slice %arg2[%dma_start3A_15, %dma_start3A_16] : memref<10000x128xi32, #tpu.memory_space<hbm>> -> memref<10000x128xi32, #tpu.memory_space<hbm>>
    tpu.enqueue_indirect_dma source(%dma_start3A_17 : memref<10000x128xi32, #tpu.memory_space<hbm>>) target(%arg12 : memref<80x128xi32, #tpu.memory_space<vmem>>) offsets(%arg8 : memref<80xi32, #tpu.memory_space<vmem>>) semaphore(%arg18 : memref<!tpu.dma_semaphore, #tpu.memory_space<semaphore_mem>>)
    %dma_start3A_18 = arith.constant 0 : i32
    %dma_start3A_19 = arith.constant 0 : i32
    %dma_start3A_20 = tpu.memref_slice %arg3[%dma_start3A_18, %dma_start3A_19] : memref<10000x128xi32, #tpu.memory_space<hbm>> -> memref<10000x128xi32, #tpu.memory_space<hbm>>
    tpu.enqueue_indirect_dma source(%dma_start3A_20 : memref<10000x128xi32, #tpu.memory_space<hbm>>) target(%arg13 : memref<80x128xi32, #tpu.memory_space<vmem>>) offsets(%arg9 : memref<80xi32, #tpu.memory_space<vmem>>) semaphore(%arg18 : memref<!tpu.dma_semaphore, #tpu.memory_space<semaphore_mem>>)
    %mul3A_21 = arith.constant 10000 : i32
    %mul3A_22 = arith.muli %add3A, %mul3A_21 : i32
    %add3A_23 = arith.constant 80 : i32
    %add3A_24 = arith.addi %mul3A_22, %add3A_23 : i32
    %dma_start3A_25 = tpu.memref_slice %arg4[%add3A_24] : memref<320000xi32, #tpu.memory_space<hbm>> -> memref<80xi32, #tpu.memory_space<hbm>>
    %dma_start3A_26 = tpu.memref_slice %arg4[%add3A_24] : memref<320000xi32, #tpu.memory_space<hbm>> -> memref<80xi32, #tpu.memory_space<hbm>>
    tpu.enqueue_dma source(%dma_start3A_26 : memref<80xi32, #tpu.memory_space<hbm>>) target(%arg10 : memref<80xi32, #tpu.memory_space<vmem>>) target_semaphore(%arg17 : memref<!tpu.dma_semaphore, #tpu.memory_space<semaphore_mem>>)
    %dma_start3A_27 = tpu.memref_slice %arg5[%add3A_24] : memref<320000xi32, #tpu.memory_space<hbm>> -> memref<80xi32, #tpu.memory_space<hbm>>
    %dma_start3A_28 = tpu.memref_slice %arg5[%add3A_24] : memref<320000xi32, #tpu.memory_space<hbm>> -> memref<80xi32, #tpu.memory_space<hbm>>
    tpu.enqueue_dma source(%dma_start3A_28 : memref<80xi32, #tpu.memory_space<hbm>>) target(%arg11 : memref<80xi32, #tpu.memory_space<vmem>>) target_semaphore(%arg17 : memref<!tpu.dma_semaphore, #tpu.memory_space<semaphore_mem>>)
    %scan3A = arith.constant 0 : i32
    %scan3A_29 = arith.constant 0 : i32
    %scan3A_30 = arith.constant 63 : i32
    %scan3A_31 = arith.addi %scan3A_29, %scan3A_30 : i32
    %scan3A_32 = arith.constant 1 : i32
    scf.for %scan3A_58 = %scan3A_29 to %scan3A_31 step %scan3A_32  : i32 {
      %mul3A_59 = arith.constant 2 : i32
      %mul3A_60 = arith.muli %mul3A_59, %scan3A_58 : i32
      %add3A_61 = arith.constant 0 : i32
      %add3A_62 = arith.addi %mul3A_60, %add3A_61 : i32
      %lt3A = arith.constant 125 : i32
      %lt3A_63 = arith.cmpi slt, %add3A_62, %lt3A : i32
      %convert_element_type3A = arith.extui %lt3A_63 : i1 to i32
      %cond3A = arith.constant 0 : i32
      %cond3A_64 = arith.cmpi ne, %convert_element_type3A, %cond3A : i32
      scf.if %cond3A_64 {
        %dma_wait3A_74 = arith.constant 0 : i32
        %dma_wait3A_75 = arith.constant 0 : i32
        %dma_wait3A_76 = tpu.memref_slice %arg2[%dma_wait3A_74, %dma_wait3A_75] : memref<10000x128xi32, #tpu.memory_space<hbm>> -> memref<10000x128xi32, #tpu.memory_space<hbm>>
        tpu.wait_indirect_dma semaphore(%arg18 : memref<!tpu.dma_semaphore, #tpu.memory_space<semaphore_mem>>) src(%dma_wait3A_76 : memref<10000x128xi32, #tpu.memory_space<hbm>>) dst(%arg12 : memref<80x128xi32, #tpu.memory_space<vmem>>)
        %dma_wait3A_77 = arith.constant 0 : i32
        %dma_wait3A_78 = arith.constant 0 : i32
        %dma_wait3A_79 = tpu.memref_slice %arg3[%dma_wait3A_77, %dma_wait3A_78] : memref<10000x128xi32, #tpu.memory_space<hbm>> -> memref<10000x128xi32, #tpu.memory_space<hbm>>
        tpu.wait_indirect_dma semaphore(%arg18 : memref<!tpu.dma_semaphore, #tpu.memory_space<semaphore_mem>>) src(%dma_wait3A_79 : memref<10000x128xi32, #tpu.memory_space<hbm>>) dst(%arg13 : memref<80x128xi32, #tpu.memory_space<vmem>>)
        %add3A_80 = arith.constant 1 : i32
        %add3A_81 = arith.addi %add3A_62, %add3A_80 : i32
        %lt3A_82 = arith.constant 125 : i32
        %lt3A_83 = arith.cmpi slt, %add3A_81, %lt3A_82 : i32
        %convert_element_type3A_84 = arith.extui %lt3A_83 : i1 to i32
        %cond3A_85 = arith.constant 0 : i32
        %cond3A_86 = arith.cmpi ne, %convert_element_type3A_84, %cond3A_85 : i32
        scf.if %cond3A_86 {
          %add3A_100 = arith.constant 1 : i32
          %add3A_101 = arith.addi %add3A_62, %add3A_100 : i32
          %mul3A_102 = arith.constant 10000 : i32
          %mul3A_103 = arith.muli %add3A, %mul3A_102 : i32
          %mul3A_104 = arith.constant 80 : i32
          %mul3A_105 = arith.muli %add3A_101, %mul3A_104 : i32
          %add3A_106 = arith.addi %mul3A_103, %mul3A_105 : i32
          %dma_wait3A_107 = tpu.memref_slice %arg4[%add3A_106] : memref<320000xi32, #tpu.memory_space<hbm>> -> memref<80xi32, #tpu.memory_space<hbm>>
          %dma_wait3A_108 = tpu.memref_slice %arg4[%add3A_106] : memref<320000xi32, #tpu.memory_space<hbm>> -> memref<80xi32, #tpu.memory_space<hbm>>
          tpu.wait_dma2 semaphore(%arg17 : memref<!tpu.dma_semaphore, #tpu.memory_space<semaphore_mem>>) src(%dma_wait3A_108 : memref<80xi32, #tpu.memory_space<hbm>>) dst(%arg10 : memref<80xi32, #tpu.memory_space<vmem>>)
          %dma_wait3A_109 = tpu.memref_slice %arg5[%add3A_106] : memref<320000xi32, #tpu.memory_space<hbm>> -> memref<80xi32, #tpu.memory_space<hbm>>
          %dma_wait3A_110 = tpu.memref_slice %arg5[%add3A_106] : memref<320000xi32, #tpu.memory_space<hbm>> -> memref<80xi32, #tpu.memory_space<hbm>>
          tpu.wait_dma2 semaphore(%arg17 : memref<!tpu.dma_semaphore, #tpu.memory_space<semaphore_mem>>) src(%dma_wait3A_110 : memref<80xi32, #tpu.memory_space<hbm>>) dst(%arg11 : memref<80xi32, #tpu.memory_space<vmem>>)
          %ge3A = arith.constant 1 : i32
          %ge3A_111 = arith.cmpi sge, %add3A_62, %ge3A : i32
          %convert_element_type3A_112 = arith.extui %ge3A_111 : i1 to i32
          %cond3A_113 = arith.constant 0 : i32
          %cond3A_114 = arith.cmpi ne, %convert_element_type3A_112, %cond3A_113 : i32
          scf.if %cond3A_114 {
            %sub3A = arith.constant 1 : i32
            %sub3A_128 = arith.subi %add3A_62, %sub3A : i32
            %mul3A_129 = arith.constant 10000 : i32
            %mul3A_130 = arith.muli %add3A, %mul3A_129 : i32
            %mul3A_131 = arith.constant 80 : i32
            %mul3A_132 = arith.muli %sub3A_128, %mul3A_131 : i32
            %add3A_133 = arith.addi %mul3A_130, %mul3A_132 : i32
            %dma_wait3A_134 = arith.constant 0 : i32
            %dma_wait3A_135 = tpu.memref_slice %arg6[%add3A_133, %dma_wait3A_134] : memref<320000x128xi32, #tpu.memory_space<hbm>> -> memref<80x128xi32, #tpu.memory_space<hbm>>
            %dma_wait3A_136 = arith.constant 0 : i32
            %dma_wait3A_137 = tpu.memref_slice %arg6[%add3A_133, %dma_wait3A_136] : memref<320000x128xi32, #tpu.memory_space<hbm>> -> memref<80x128xi32, #tpu.memory_space<hbm>>
            tpu.wait_dma2 semaphore(%arg21 : memref<!tpu.dma_semaphore, #tpu.memory_space<semaphore_mem>>) src(%arg14 : memref<80x128xi32, #tpu.memory_space<vmem>>) dst(%dma_wait3A_137 : memref<80x128xi32, #tpu.memory_space<hbm>>)
            %dma_wait3A_138 = arith.constant 0 : i32
            %dma_wait3A_139 = tpu.memref_slice %arg7[%add3A_133, %dma_wait3A_138] : memref<320000x128xi32, #tpu.memory_space<hbm>> -> memref<80x128xi32, #tpu.memory_space<hbm>>
            %dma_wait3A_140 = arith.constant 0 : i32
            %dma_wait3A_141 = tpu.memref_slice %arg7[%add3A_133, %dma_wait3A_140] : memref<320000x128xi32, #tpu.memory_space<hbm>> -> memref<80x128xi32, #tpu.memory_space<hbm>>
            tpu.wait_dma2 semaphore(%arg21 : memref<!tpu.dma_semaphore, #tpu.memory_space<semaphore_mem>>) src(%arg15 : memref<80x128xi32, #tpu.memory_space<vmem>>) dst(%dma_wait3A_141 : memref<80x128xi32, #tpu.memory_space<hbm>>)
          } else {
          }
          %dma_start3A_115 = arith.constant 0 : i32
          %dma_start3A_116 = arith.constant 0 : i32
          %dma_start3A_117 = tpu.memref_slice %arg2[%dma_start3A_115, %dma_start3A_116] : memref<10000x128xi32, #tpu.memory_space<hbm>> -> memref<10000x128xi32, #tpu.memory_space<hbm>>
          tpu.enqueue_indirect_dma source(%dma_start3A_117 : memref<10000x128xi32, #tpu.memory_space<hbm>>) target(%arg14 : memref<80x128xi32, #tpu.memory_space<vmem>>) offsets(%arg10 : memref<80xi32, #tpu.memory_space<vmem>>) semaphore(%arg19 : memref<!tpu.dma_semaphore, #tpu.memory_space<semaphore_mem>>)
          %dma_start3A_118 = arith.constant 0 : i32
          %dma_start3A_119 = arith.constant 0 : i32
          %dma_start3A_120 = tpu.memref_slice %arg3[%dma_start3A_118, %dma_start3A_119] : memref<10000x128xi32, #tpu.memory_space<hbm>> -> memref<10000x128xi32, #tpu.memory_space<hbm>>
          tpu.enqueue_indirect_dma source(%dma_start3A_120 : memref<10000x128xi32, #tpu.memory_space<hbm>>) target(%arg15 : memref<80x128xi32, #tpu.memory_space<vmem>>) offsets(%arg11 : memref<80xi32, #tpu.memory_space<vmem>>) semaphore(%arg19 : memref<!tpu.dma_semaphore, #tpu.memory_space<semaphore_mem>>)
          %add3A_121 = arith.constant 2 : i32
          %add3A_122 = arith.addi %add3A_62, %add3A_121 : i32
          %lt3A_123 = arith.constant 125 : i32
          %lt3A_124 = arith.cmpi slt, %add3A_122, %lt3A_123 : i32
          %convert_element_type3A_125 = arith.extui %lt3A_124 : i1 to i32
          %cond3A_126 = arith.constant 0 : i32
          %cond3A_127 = arith.cmpi ne, %convert_element_type3A_125, %cond3A_126 : i32
          scf.if %cond3A_127 {
            %add3A_128 = arith.constant 2 : i32
            %add3A_129 = arith.addi %add3A_62, %add3A_128 : i32
            %mul3A_130 = arith.constant 10000 : i32
            %mul3A_131 = arith.muli %add3A, %mul3A_130 : i32
            %mul3A_132 = arith.constant 80 : i32
            %mul3A_133 = arith.muli %add3A_129, %mul3A_132 : i32
            %add3A_134 = arith.addi %mul3A_131, %mul3A_133 : i32
            %dma_start3A_135 = tpu.memref_slice %arg4[%add3A_134] : memref<320000xi32, #tpu.memory_space<hbm>> -> memref<80xi32, #tpu.memory_space<hbm>>
            %dma_start3A_136 = tpu.memref_slice %arg4[%add3A_134] : memref<320000xi32, #tpu.memory_space<hbm>> -> memref<80xi32, #tpu.memory_space<hbm>>
            tpu.enqueue_dma source(%dma_start3A_136 : memref<80xi32, #tpu.memory_space<hbm>>) target(%arg8 : memref<80xi32, #tpu.memory_space<vmem>>) target_semaphore(%arg16 : memref<!tpu.dma_semaphore, #tpu.memory_space<semaphore_mem>>)
            %dma_start3A_137 = tpu.memref_slice %arg5[%add3A_134] : memref<320000xi32, #tpu.memory_space<hbm>> -> memref<80xi32, #tpu.memory_space<hbm>>
            %dma_start3A_138 = tpu.memref_slice %arg5[%add3A_134] : memref<320000xi32, #tpu.memory_space<hbm>> -> memref<80xi32, #tpu.memory_space<hbm>>
            tpu.enqueue_dma source(%dma_start3A_138 : memref<80xi32, #tpu.memory_space<hbm>>) target(%arg9 : memref<80xi32, #tpu.memory_space<vmem>>) target_semaphore(%arg16 : memref<!tpu.dma_semaphore, #tpu.memory_space<semaphore_mem>>)
          } else {
          }
        } else {
        }
        %mul3A_87 = arith.constant 10000 : i32
        %mul3A_88 = arith.muli %add3A, %mul3A_87 : i32
        %mul3A_89 = arith.constant 80 : i32
        %mul3A_90 = arith.muli %add3A_62, %mul3A_89 : i32
        %add3A_91 = arith.addi %mul3A_88, %mul3A_90 : i32
        %dma_start3A_92 = arith.constant 0 : i32
        %dma_start3A_93 = tpu.memref_slice %arg6[%add3A_91, %dma_start3A_92] : memref<320000x128xi32, #tpu.memory_space<hbm>> -> memref<80x128xi32, #tpu.memory_space<hbm>>
        %dma_start3A_94 = arith.constant 0 : i32
        %dma_start3A_95 = tpu.memref_slice %arg6[%add3A_91, %dma_start3A_94] : memref<320000x128xi32, #tpu.memory_space<hbm>> -> memref<80x128xi32, #tpu.memory_space<hbm>>
        tpu.enqueue_dma source(%arg12 : memref<80x128xi32, #tpu.memory_space<vmem>>) target(%dma_start3A_95 : memref<80x128xi32, #tpu.memory_space<hbm>>) target_semaphore(%arg20 : memref<!tpu.dma_semaphore, #tpu.memory_space<semaphore_mem>>)
        %dma_start3A_96 = arith.constant 0 : i32
        %dma_start3A_97 = tpu.memref_slice %arg7[%add3A_91, %dma_start3A_96] : memref<320000x128xi32, #tpu.memory_space<hbm>> -> memref<80x128xi32, #tpu.memory_space<hbm>>
        %dma_start3A_98 = arith.constant 0 : i32
        %dma_start3A_99 = tpu.memref_slice %arg7[%add3A_91, %dma_start3A_98] : memref<320000x128xi32, #tpu.memory_space<hbm>> -> memref<80x128xi32, #tpu.memory_space<hbm>>
        tpu.enqueue_dma source(%arg13 : memref<80x128xi32, #tpu.memory_space<vmem>>) target(%dma_start3A_99 : memref<80x128xi32, #tpu.memory_space<hbm>>) target_semaphore(%arg20 : memref<!tpu.dma_semaphore, #tpu.memory_space<semaphore_mem>>)
      } else {
      }
      %mul3A_65 = arith.constant 2 : i32
      %mul3A_66 = arith.muli %mul3A_65, %scan3A_58 : i32
      %add3A_67 = arith.constant 1 : i32
      %add3A_68 = arith.addi %mul3A_66, %add3A_67 : i32
      %lt3A_69 = arith.constant 125 : i32
      %lt3A_70 = arith.cmpi slt, %add3A_68, %lt3A_69 : i32
      %convert_element_type3A_71 = arith.extui %lt3A_70 : i1 to i32
      %cond3A_72 = arith.constant 0 : i32
      %cond3A_73 = arith.cmpi ne, %convert_element_type3A_71, %cond3A_72 : i32
      scf.if %cond3A_73 {
        %dma_wait3A_74 = arith.constant 0 : i32
        %dma_wait3A_75 = arith.constant 0 : i32
        %dma_wait3A_76 = tpu.memref_slice %arg2[%dma_wait3A_74, %dma_wait3A_75] : memref<10000x128xi32, #tpu.memory_space<hbm>> -> memref<10000x128xi32, #tpu.memory_space<hbm>>
        tpu.wait_indirect_dma semaphore(%arg19 : memref<!tpu.dma_semaphore, #tpu.memory_space<semaphore_mem>>) src(%dma_wait3A_76 : memref<10000x128xi32, #tpu.memory_space<hbm>>) dst(%arg14 : memref<80x128xi32, #tpu.memory_space<vmem>>)
        %dma_wait3A_77 = arith.constant 0 : i32
        %dma_wait3A_78 = arith.constant 0 : i32
        %dma_wait3A_79 = tpu.memref_slice %arg3[%dma_wait3A_77, %dma_wait3A_78] : memref<10000x128xi32, #tpu.memory_space<hbm>> -> memref<10000x128xi32, #tpu.memory_space<hbm>>
        tpu.wait_indirect_dma semaphore(%arg19 : memref<!tpu.dma_semaphore, #tpu.memory_space<semaphore_mem>>) src(%dma_wait3A_79 : memref<10000x128xi32, #tpu.memory_space<hbm>>) dst(%arg15 : memref<80x128xi32, #tpu.memory_space<vmem>>)
        %add3A_80 = arith.constant 1 : i32
        %add3A_81 = arith.addi %add3A_68, %add3A_80 : i32
        %lt3A_82 = arith.constant 125 : i32
        %lt3A_83 = arith.cmpi slt, %add3A_81, %lt3A_82 : i32
        %convert_element_type3A_84 = arith.extui %lt3A_83 : i1 to i32
        %cond3A_85 = arith.constant 0 : i32
        %cond3A_86 = arith.cmpi ne, %convert_element_type3A_84, %cond3A_85 : i32
        scf.if %cond3A_86 {
          %add3A_100 = arith.constant 1 : i32
          %add3A_101 = arith.addi %add3A_68, %add3A_100 : i32
          %mul3A_102 = arith.constant 10000 : i32
          %mul3A_103 = arith.muli %add3A, %mul3A_102 : i32
          %mul3A_104 = arith.constant 80 : i32
          %mul3A_105 = arith.muli %add3A_101, %mul3A_104 : i32
          %add3A_106 = arith.addi %mul3A_103, %mul3A_105 : i32
          %dma_wait3A_107 = tpu.memref_slice %arg4[%add3A_106] : memref<320000xi32, #tpu.memory_space<hbm>> -> memref<80xi32, #tpu.memory_space<hbm>>
          %dma_wait3A_108 = tpu.memref_slice %arg4[%add3A_106] : memref<320000xi32, #tpu.memory_space<hbm>> -> memref<80xi32, #tpu.memory_space<hbm>>
          tpu.wait_dma2 semaphore(%arg16 : memref<!tpu.dma_semaphore, #tpu.memory_space<semaphore_mem>>) src(%dma_wait3A_108 : memref<80xi32, #tpu.memory_space<hbm>>) dst(%arg8 : memref<80xi32, #tpu.memory_space<vmem>>)
          %dma_wait3A_109 = tpu.memref_slice %arg5[%add3A_106] : memref<320000xi32, #tpu.memory_space<hbm>> -> memref<80xi32, #tpu.memory_space<hbm>>
          %dma_wait3A_110 = tpu.memref_slice %arg5[%add3A_106] : memref<320000xi32, #tpu.memory_space<hbm>> -> memref<80xi32, #tpu.memory_space<hbm>>
          tpu.wait_dma2 semaphore(%arg16 : memref<!tpu.dma_semaphore, #tpu.memory_space<semaphore_mem>>) src(%dma_wait3A_110 : memref<80xi32, #tpu.memory_space<hbm>>) dst(%arg9 : memref<80xi32, #tpu.memory_space<vmem>>)
          %ge3A = arith.constant 1 : i32
          %ge3A_111 = arith.cmpi sge, %add3A_68, %ge3A : i32
          %convert_element_type3A_112 = arith.extui %ge3A_111 : i1 to i32
          %cond3A_113 = arith.constant 0 : i32
          %cond3A_114 = arith.cmpi ne, %convert_element_type3A_112, %cond3A_113 : i32
          scf.if %cond3A_114 {
            %sub3A = arith.constant 1 : i32
            %sub3A_128 = arith.subi %add3A_68, %sub3A : i32
            %mul3A_129 = arith.constant 10000 : i32
            %mul3A_130 = arith.muli %add3A, %mul3A_129 : i32
            %mul3A_131 = arith.constant 80 : i32
            %mul3A_132 = arith.muli %sub3A_128, %mul3A_131 : i32
            %add3A_133 = arith.addi %mul3A_130, %mul3A_132 : i32
            %dma_wait3A_134 = arith.constant 0 : i32
            %dma_wait3A_135 = tpu.memref_slice %arg6[%add3A_133, %dma_wait3A_134] : memref<320000x128xi32, #tpu.memory_space<hbm>> -> memref<80x128xi32, #tpu.memory_space<hbm>>
            %dma_wait3A_136 = arith.constant 0 : i32
            %dma_wait3A_137 = tpu.memref_slice %arg6[%add3A_133, %dma_wait3A_136] : memref<320000x128xi32, #tpu.memory_space<hbm>> -> memref<80x128xi32, #tpu.memory_space<hbm>>
            tpu.wait_dma2 semaphore(%arg20 : memref<!tpu.dma_semaphore, #tpu.memory_space<semaphore_mem>>) src(%arg12 : memref<80x128xi32, #tpu.memory_space<vmem>>) dst(%dma_wait3A_137 : memref<80x128xi32, #tpu.memory_space<hbm>>)
            %dma_wait3A_138 = arith.constant 0 : i32
            %dma_wait3A_139 = tpu.memref_slice %arg7[%add3A_133, %dma_wait3A_138] : memref<320000x128xi32, #tpu.memory_space<hbm>> -> memref<80x128xi32, #tpu.memory_space<hbm>>
            %dma_wait3A_140 = arith.constant 0 : i32
            %dma_wait3A_141 = tpu.memref_slice %arg7[%add3A_133, %dma_wait3A_140] : memref<320000x128xi32, #tpu.memory_space<hbm>> -> memref<80x128xi32, #tpu.memory_space<hbm>>
            tpu.wait_dma2 semaphore(%arg20 : memref<!tpu.dma_semaphore, #tpu.memory_space<semaphore_mem>>) src(%arg13 : memref<80x128xi32, #tpu.memory_space<vmem>>) dst(%dma_wait3A_141 : memref<80x128xi32, #tpu.memory_space<hbm>>)
          } else {
          }
          %dma_start3A_115 = arith.constant 0 : i32
          %dma_start3A_116 = arith.constant 0 : i32
          %dma_start3A_117 = tpu.memref_slice %arg2[%dma_start3A_115, %dma_start3A_116] : memref<10000x128xi32, #tpu.memory_space<hbm>> -> memref<10000x128xi32, #tpu.memory_space<hbm>>
          tpu.enqueue_indirect_dma source(%dma_start3A_117 : memref<10000x128xi32, #tpu.memory_space<hbm>>) target(%arg12 : memref<80x128xi32, #tpu.memory_space<vmem>>) offsets(%arg8 : memref<80xi32, #tpu.memory_space<vmem>>) semaphore(%arg18 : memref<!tpu.dma_semaphore, #tpu.memory_space<semaphore_mem>>)
          %dma_start3A_118 = arith.constant 0 : i32
          %dma_start3A_119 = arith.constant 0 : i32
          %dma_start3A_120 = tpu.memref_slice %arg3[%dma_start3A_118, %dma_start3A_119] : memref<10000x128xi32, #tpu.memory_space<hbm>> -> memref<10000x128xi32, #tpu.memory_space<hbm>>
          tpu.enqueue_indirect_dma source(%dma_start3A_120 : memref<10000x128xi32, #tpu.memory_space<hbm>>) target(%arg13 : memref<80x128xi32, #tpu.memory_space<vmem>>) offsets(%arg9 : memref<80xi32, #tpu.memory_space<vmem>>) semaphore(%arg18 : memref<!tpu.dma_semaphore, #tpu.memory_space<semaphore_mem>>)
          %add3A_121 = arith.constant 2 : i32
          %add3A_122 = arith.addi %add3A_68, %add3A_121 : i32
          %lt3A_123 = arith.constant 125 : i32
          %lt3A_124 = arith.cmpi slt, %add3A_122, %lt3A_123 : i32
          %convert_element_type3A_125 = arith.extui %lt3A_124 : i1 to i32
          %cond3A_126 = arith.constant 0 : i32
          %cond3A_127 = arith.cmpi ne, %convert_element_type3A_125, %cond3A_126 : i32
          scf.if %cond3A_127 {
            %add3A_128 = arith.constant 2 : i32
            %add3A_129 = arith.addi %add3A_68, %add3A_128 : i32
            %mul3A_130 = arith.constant 10000 : i32
            %mul3A_131 = arith.muli %add3A, %mul3A_130 : i32
            %mul3A_132 = arith.constant 80 : i32
            %mul3A_133 = arith.muli %add3A_129, %mul3A_132 : i32
            %add3A_134 = arith.addi %mul3A_131, %mul3A_133 : i32
            %dma_start3A_135 = tpu.memref_slice %arg4[%add3A_134] : memref<320000xi32, #tpu.memory_space<hbm>> -> memref<80xi32, #tpu.memory_space<hbm>>
            %dma_start3A_136 = tpu.memref_slice %arg4[%add3A_134] : memref<320000xi32, #tpu.memory_space<hbm>> -> memref<80xi32, #tpu.memory_space<hbm>>
            tpu.enqueue_dma source(%dma_start3A_136 : memref<80xi32, #tpu.memory_space<hbm>>) target(%arg10 : memref<80xi32, #tpu.memory_space<vmem>>) target_semaphore(%arg17 : memref<!tpu.dma_semaphore, #tpu.memory_space<semaphore_mem>>)
            %dma_start3A_137 = tpu.memref_slice %arg5[%add3A_134] : memref<320000xi32, #tpu.memory_space<hbm>> -> memref<80xi32, #tpu.memory_space<hbm>>
            %dma_start3A_138 = tpu.memref_slice %arg5[%add3A_134] : memref<320000xi32, #tpu.memory_space<hbm>> -> memref<80xi32, #tpu.memory_space<hbm>>
            tpu.enqueue_dma source(%dma_start3A_138 : memref<80xi32, #tpu.memory_space<hbm>>) target(%arg11 : memref<80xi32, #tpu.memory_space<vmem>>) target_semaphore(%arg17 : memref<!tpu.dma_semaphore, #tpu.memory_space<semaphore_mem>>)
          } else {
          }
        } else {
        }
        %mul3A_87 = arith.constant 10000 : i32
        %mul3A_88 = arith.muli %add3A, %mul3A_87 : i32
        %mul3A_89 = arith.constant 80 : i32
        %mul3A_90 = arith.muli %add3A_68, %mul3A_89 : i32
        %add3A_91 = arith.addi %mul3A_88, %mul3A_90 : i32
        %dma_start3A_92 = arith.constant 0 : i32
        %dma_start3A_93 = tpu.memref_slice %arg6[%add3A_91, %dma_start3A_92] : memref<320000x128xi32, #tpu.memory_space<hbm>> -> memref<80x128xi32, #tpu.memory_space<hbm>>
        %dma_start3A_94 = arith.constant 0 : i32
        %dma_start3A_95 = tpu.memref_slice %arg6[%add3A_91, %dma_start3A_94] : memref<320000x128xi32, #tpu.memory_space<hbm>> -> memref<80x128xi32, #tpu.memory_space<hbm>>
        tpu.enqueue_dma source(%arg14 : memref<80x128xi32, #tpu.memory_space<vmem>>) target(%dma_start3A_95 : memref<80x128xi32, #tpu.memory_space<hbm>>) target_semaphore(%arg21 : memref<!tpu.dma_semaphore, #tpu.memory_space<semaphore_mem>>)
        %dma_start3A_96 = arith.constant 0 : i32
        %dma_start3A_97 = tpu.memref_slice %arg7[%add3A_91, %dma_start3A_96] : memref<320000x128xi32, #tpu.memory_space<hbm>> -> memref<80x128xi32, #tpu.memory_space<hbm>>
        %dma_start3A_98 = arith.constant 0 : i32
        %dma_start3A_99 = tpu.memref_slice %arg7[%add3A_91, %dma_start3A_98] : memref<320000x128xi32, #tpu.memory_space<hbm>> -> memref<80x128xi32, #tpu.memory_space<hbm>>
        tpu.enqueue_dma source(%arg15 : memref<80x128xi32, #tpu.memory_space<vmem>>) target(%dma_start3A_99 : memref<80x128xi32, #tpu.memory_space<hbm>>) target_semaphore(%arg21 : memref<!tpu.dma_semaphore, #tpu.memory_space<semaphore_mem>>)
      } else {
      }
    }
    %scan3A_33 = arith.constant 63 : i32
    %mul3A_34 = arith.constant 10000 : i32
    %mul3A_35 = arith.muli %add3A, %mul3A_34 : i32
    %add3A_36 = arith.constant 9840 : i32
    %add3A_37 = arith.addi %mul3A_35, %add3A_36 : i32
    %dma_wait3A_38 = arith.constant 0 : i32
    %dma_wait3A_39 = tpu.memref_slice %arg6[%add3A_37, %dma_wait3A_38] : memref<320000x128xi32, #tpu.memory_space<hbm>> -> memref<80x128xi32, #tpu.memory_space<hbm>>
    %dma_wait3A_40 = arith.constant 0 : i32
    %dma_wait3A_41 = tpu.memref_slice %arg6[%add3A_37, %dma_wait3A_40] : memref<320000x128xi32, #tpu.memory_space<hbm>> -> memref<80x128xi32, #tpu.memory_space<hbm>>
    tpu.wait_dma2 semaphore(%arg21 : memref<!tpu.dma_semaphore, #tpu.memory_space<semaphore_mem>>) src(%arg14 : memref<80x128xi32, #tpu.memory_space<vmem>>) dst(%dma_wait3A_41 : memref<80x128xi32, #tpu.memory_space<hbm>>)
    %dma_wait3A_42 = arith.constant 0 : i32
    %dma_wait3A_43 = tpu.memref_slice %arg7[%add3A_37, %dma_wait3A_42] : memref<320000x128xi32, #tpu.memory_space<hbm>> -> memref<80x128xi32, #tpu.memory_space<hbm>>
    %dma_wait3A_44 = arith.constant 0 : i32
    %dma_wait3A_45 = tpu.memref_slice %arg7[%add3A_37, %dma_wait3A_44] : memref<320000x128xi32, #tpu.memory_space<hbm>> -> memref<80x128xi32, #tpu.memory_space<hbm>>
    tpu.wait_dma2 semaphore(%arg21 : memref<!tpu.dma_semaphore, #tpu.memory_space<semaphore_mem>>) src(%arg15 : memref<80x128xi32, #tpu.memory_space<vmem>>) dst(%dma_wait3A_45 : memref<80x128xi32, #tpu.memory_space<hbm>>)
    %mul3A_46 = arith.constant 10000 : i32
    %mul3A_47 = arith.muli %add3A, %mul3A_46 : i32
    %add3A_48 = arith.constant 9920 : i32
    %add3A_49 = arith.addi %mul3A_47, %add3A_48 : i32
    %dma_wait3A_50 = arith.constant 0 : i32
    %dma_wait3A_51 = tpu.memref_slice %arg6[%add3A_49, %dma_wait3A_50] : memref<320000x128xi32, #tpu.memory_space<hbm>> -> memref<80x128xi32, #tpu.memory_space<hbm>>
    %dma_wait3A_52 = arith.constant 0 : i32
    %dma_wait3A_53 = tpu.memref_slice %arg6[%add3A_49, %dma_wait3A_52] : memref<320000x128xi32, #tpu.memory_space<hbm>> -> memref<80x128xi32, #tpu.memory_space<hbm>>
    tpu.wait_dma2 semaphore(%arg20 : memref<!tpu.dma_semaphore, #tpu.memory_space<semaphore_mem>>) src(%arg12 : memref<80x128xi32, #tpu.memory_space<vmem>>) dst(%dma_wait3A_53 : memref<80x128xi32, #tpu.memory_space<hbm>>)
    %dma_wait3A_54 = arith.constant 0 : i32
    %dma_wait3A_55 = tpu.memref_slice %arg7[%add3A_49, %dma_wait3A_54] : memref<320000x128xi32, #tpu.memory_space<hbm>> -> memref<80x128xi32, #tpu.memory_space<hbm>>
    %dma_wait3A_56 = arith.constant 0 : i32
    %dma_wait3A_57 = tpu.memref_slice %arg7[%add3A_49, %dma_wait3A_56] : memref<320000x128xi32, #tpu.memory_space<hbm>> -> memref<80x128xi32, #tpu.memory_space<hbm>>
    tpu.wait_dma2 semaphore(%arg20 : memref<!tpu.dma_semaphore, #tpu.memory_space<semaphore_mem>>) src(%arg13 : memref<80x128xi32, #tpu.memory_space<vmem>>) dst(%dma_wait3A_57 : memref<80x128xi32, #tpu.memory_space<hbm>>)
    return
  }
}

#map = affine_map<(d0, d1) -> (0)>
#map1 = affine_map<(d0, d1) -> (0, 0)>
module attributes {stable_mosaic.version = 14 : i64} {
  func.func @_kd_body(%arg0: i32, %arg1: i32, %arg2: memref<320000xi32, #tpu.memory_space<hbm>>, %arg3: memref<640x128xf32, #tpu.memory_space<hbm>>, %arg4: memref<80x128xf32, #tpu.memory_space<hbm>>, %arg5: memref<10240x128xf32, #tpu.memory_space<hbm>>, %arg6: memref<10240x128xf32, #tpu.memory_space<hbm>>, %arg7: memref<80xi32, #tpu.memory_space<vmem>>, %arg8: memref<80xi32, #tpu.memory_space<vmem>>, %arg9: memref<80x128xf32, #tpu.memory_space<vmem>>, %arg10: memref<10240x128xf32, #tpu.memory_space<vmem_shared>>, %arg11: memref<!tpu.dma_semaphore, #tpu.memory_space<semaphore_mem>>, %arg12: memref<!tpu.dma_semaphore, #tpu.memory_space<semaphore_mem>>) attributes {dimension_semantics = [#tpu.dimension_semantics<core_parallel>, #tpu.dimension_semantics<subcore_parallel>], iteration_bounds = array<i64: 2, 16>, scalar_prefetch = 0 : i64, scratch_operands = 6 : i64, tpu.core_type = #tpu.core_type<sc_vector_subcore>, window_params = [{transform_indices = #map}, {transform_indices = #map1}, {transform_indices = #map1}, {transform_indices = #map1}, {transform_indices = #map1}]} {
    %mul3A = arith.constant 640 : i32
    %mul3A_0 = arith.muli %arg1, %mul3A : i32
    "tpu.region"() ({
      %run_scoped3A = tpu.sem_alloc : memref<!tpu.dma_semaphore, #tpu.memory_space<semaphore_mem>>
      %dma_start3A_21 = arith.constant 0 : i32
      %dma_start3A_22 = tpu.memref_slice %arg10[%mul3A_0, %dma_start3A_21] : memref<10240x128xf32, #tpu.memory_space<vmem_shared>> -> memref<640x128xf32, #tpu.memory_space<vmem_shared>>
      tpu.enqueue_dma source(%arg3 : memref<640x128xf32, #tpu.memory_space<hbm>>) target(%dma_start3A_22 : memref<640x128xf32, #tpu.memory_space<vmem_shared>>) target_semaphore(%run_scoped3A : memref<!tpu.dma_semaphore, #tpu.memory_space<semaphore_mem>>)
      %dma_wait3A = arith.constant 0 : i32
      %dma_wait3A_23 = tpu.memref_slice %arg10[%mul3A_0, %dma_wait3A] : memref<10240x128xf32, #tpu.memory_space<vmem_shared>> -> memref<640x128xf32, #tpu.memory_space<vmem_shared>>
      tpu.wait_dma2 semaphore(%run_scoped3A : memref<!tpu.dma_semaphore, #tpu.memory_space<semaphore_mem>>) src(%arg3 : memref<640x128xf32, #tpu.memory_space<hbm>>) dst(%dma_wait3A_23 : memref<640x128xf32, #tpu.memory_space<vmem_shared>>)
      tpu.yield
    }) : () -> ()
    "tpu.region"() ({
      %run_scoped3A = tpu.sem_alloc : memref<!tpu.dma_semaphore, #tpu.memory_space<semaphore_mem>>
      tpu.enqueue_dma source(%arg4 : memref<80x128xf32, #tpu.memory_space<hbm>>) target(%arg9 : memref<80x128xf32, #tpu.memory_space<vmem>>) target_semaphore(%run_scoped3A : memref<!tpu.dma_semaphore, #tpu.memory_space<semaphore_mem>>)
      tpu.wait_dma2 semaphore(%run_scoped3A : memref<!tpu.dma_semaphore, #tpu.memory_space<semaphore_mem>>) src(%arg4 : memref<80x128xf32, #tpu.memory_space<hbm>>) dst(%arg9 : memref<80x128xf32, #tpu.memory_space<vmem>>)
      tpu.yield
    }) : () -> ()
    %barrier3A = arith.constant 0 : index
    tpu.barrier barrier_id(%barrier3A)
    %mul3A_1 = arith.constant 160000 : i32
    %mul3A_2 = arith.muli %arg0, %mul3A_1 : i32
    %mul3A_3 = arith.constant 10000 : i32
    %mul3A_4 = arith.muli %arg1, %mul3A_3 : i32
    %add3A = arith.addi %mul3A_2, %mul3A_4 : i32
    %add3A_5 = arith.constant 0 : i32
    %add3A_6 = arith.addi %add3A, %add3A_5 : i32
    %dma_start3A = tpu.memref_slice %arg2[%add3A_6] : memref<320000xi32, #tpu.memory_space<hbm>> -> memref<80xi32, #tpu.memory_space<hbm>>
    %dma_start3A_7 = tpu.memref_slice %arg2[%add3A_6] : memref<320000xi32, #tpu.memory_space<hbm>> -> memref<80xi32, #tpu.memory_space<hbm>>
    tpu.enqueue_dma source(%dma_start3A_7 : memref<80xi32, #tpu.memory_space<hbm>>) target(%arg7 : memref<80xi32, #tpu.memory_space<vmem>>) target_semaphore(%arg11 : memref<!tpu.dma_semaphore, #tpu.memory_space<semaphore_mem>>)
    %scan3A = arith.constant 0 : i32
    %scan3A_8 = arith.constant 0 : i32
    %scan3A_9 = arith.constant 63 : i32
    %scan3A_10 = arith.addi %scan3A_8, %scan3A_9 : i32
    %scan3A_11 = arith.constant 1 : i32
    scf.for %scan3A_21 = %scan3A_8 to %scan3A_10 step %scan3A_11  : i32 {
      %mul3A_22 = arith.constant 2 : i32
      %mul3A_23 = arith.muli %mul3A_22, %scan3A_21 : i32
      %add3A_24 = arith.constant 0 : i32
      %add3A_25 = arith.addi %mul3A_23, %add3A_24 : i32
      %add3A_26 = arith.constant 1 : i32
      %add3A_27 = arith.addi %add3A_25, %add3A_26 : i32
      %lt3A = arith.constant 125 : i32
      %lt3A_28 = arith.cmpi slt, %add3A_27, %lt3A : i32
      %convert_element_type3A_29 = arith.extui %lt3A_28 : i1 to i32
      %cond3A_30 = arith.constant 0 : i32
      %cond3A_31 = arith.cmpi ne, %convert_element_type3A_29, %cond3A_30 : i32
      scf.if %cond3A_31 {
        %add3A_53 = arith.constant 1 : i32
        %add3A_54 = arith.addi %add3A_25, %add3A_53 : i32
        %mul3A_55 = arith.constant 160000 : i32
        %mul3A_56 = arith.muli %arg0, %mul3A_55 : i32
        %mul3A_57 = arith.constant 10000 : i32
        %mul3A_58 = arith.muli %arg1, %mul3A_57 : i32
        %add3A_59 = arith.addi %mul3A_56, %mul3A_58 : i32
        %mul3A_60 = arith.constant 80 : i32
        %mul3A_61 = arith.muli %add3A_54, %mul3A_60 : i32
        %add3A_62 = arith.addi %add3A_59, %mul3A_61 : i32
        %dma_start3A_63 = tpu.memref_slice %arg2[%add3A_62] : memref<320000xi32, #tpu.memory_space<hbm>> -> memref<80xi32, #tpu.memory_space<hbm>>
        %dma_start3A_64 = tpu.memref_slice %arg2[%add3A_62] : memref<320000xi32, #tpu.memory_space<hbm>> -> memref<80xi32, #tpu.memory_space<hbm>>
        tpu.enqueue_dma source(%dma_start3A_64 : memref<80xi32, #tpu.memory_space<hbm>>) target(%arg8 : memref<80xi32, #tpu.memory_space<vmem>>) target_semaphore(%arg12 : memref<!tpu.dma_semaphore, #tpu.memory_space<semaphore_mem>>)
      } else {
      }
      %lt3A_32 = arith.constant 125 : i32
      %lt3A_33 = arith.cmpi slt, %add3A_25, %lt3A_32 : i32
      %convert_element_type3A_34 = arith.extui %lt3A_33 : i1 to i32
      %cond3A_35 = arith.constant 0 : i32
      %cond3A_36 = arith.cmpi ne, %convert_element_type3A_34, %cond3A_35 : i32
      scf.if %cond3A_36 {
        %mul3A_53 = arith.constant 160000 : i32
        %mul3A_54 = arith.muli %arg0, %mul3A_53 : i32
        %mul3A_55 = arith.constant 10000 : i32
        %mul3A_56 = arith.muli %arg1, %mul3A_55 : i32
        %add3A_57 = arith.addi %mul3A_54, %mul3A_56 : i32
        %mul3A_58 = arith.constant 80 : i32
        %mul3A_59 = arith.muli %add3A_25, %mul3A_58 : i32
        %add3A_60 = arith.addi %add3A_57, %mul3A_59 : i32
        %dma_wait3A = tpu.memref_slice %arg2[%add3A_60] : memref<320000xi32, #tpu.memory_space<hbm>> -> memref<80xi32, #tpu.memory_space<hbm>>
        %dma_wait3A_61 = tpu.memref_slice %arg2[%add3A_60] : memref<320000xi32, #tpu.memory_space<hbm>> -> memref<80xi32, #tpu.memory_space<hbm>>
        tpu.wait_dma2 semaphore(%arg11 : memref<!tpu.dma_semaphore, #tpu.memory_space<semaphore_mem>>) src(%dma_wait3A_61 : memref<80xi32, #tpu.memory_space<hbm>>) dst(%arg7 : memref<80xi32, #tpu.memory_space<vmem>>)
        "tpu.region"() ({
          %run_scoped3A = tpu.sem_alloc : memref<!tpu.dma_semaphore, #tpu.memory_space<semaphore_mem>>
          %dma_start3A_62 = arith.constant 0 : i32
          %dma_start3A_63 = arith.constant 0 : i32
          %dma_start3A_64 = tpu.memref_slice %arg10[%dma_start3A_62, %dma_start3A_63] : memref<10240x128xf32, #tpu.memory_space<vmem_shared>> -> memref<10240x128xf32, #tpu.memory_space<vmem_shared>>
          tpu.enqueue_indirect_dma source(%arg9 : memref<80x128xf32, #tpu.memory_space<vmem>>) target(%dma_start3A_64 : memref<10240x128xf32, #tpu.memory_space<vmem_shared>>) offsets(%arg7 : memref<80xi32, #tpu.memory_space<vmem>>) semaphore(%run_scoped3A : memref<!tpu.dma_semaphore, #tpu.memory_space<semaphore_mem>>) {add = true}
          %dma_wait3A_65 = arith.constant 0 : i32
          %dma_wait3A_66 = arith.constant 0 : i32
          %dma_wait3A_67 = tpu.memref_slice %arg10[%dma_wait3A_65, %dma_wait3A_66] : memref<10240x128xf32, #tpu.memory_space<vmem_shared>> -> memref<10240x128xf32, #tpu.memory_space<vmem_shared>>
          tpu.wait_indirect_dma semaphore(%run_scoped3A : memref<!tpu.dma_semaphore, #tpu.memory_space<semaphore_mem>>) src(%arg9 : memref<80x128xf32, #tpu.memory_space<vmem>>) dst(%dma_wait3A_67 : memref<10240x128xf32, #tpu.memory_space<vmem_shared>>)
          tpu.yield
        }) : () -> ()
      } else {
      }
      %mul3A_37 = arith.constant 2 : i32
      %mul3A_38 = arith.muli %mul3A_37, %scan3A_21 : i32
      %add3A_39 = arith.constant 1 : i32
      %add3A_40 = arith.addi %mul3A_38, %add3A_39 : i32
      %add3A_41 = arith.constant 1 : i32
      %add3A_42 = arith.addi %add3A_40, %add3A_41 : i32
      %lt3A_43 = arith.constant 125 : i32
      %lt3A_44 = arith.cmpi slt, %add3A_42, %lt3A_43 : i32
      %convert_element_type3A_45 = arith.extui %lt3A_44 : i1 to i32
      %cond3A_46 = arith.constant 0 : i32
      %cond3A_47 = arith.cmpi ne, %convert_element_type3A_45, %cond3A_46 : i32
      scf.if %cond3A_47 {
        %add3A_53 = arith.constant 1 : i32
        %add3A_54 = arith.addi %add3A_40, %add3A_53 : i32
        %mul3A_55 = arith.constant 160000 : i32
        %mul3A_56 = arith.muli %arg0, %mul3A_55 : i32
        %mul3A_57 = arith.constant 10000 : i32
        %mul3A_58 = arith.muli %arg1, %mul3A_57 : i32
        %add3A_59 = arith.addi %mul3A_56, %mul3A_58 : i32
        %mul3A_60 = arith.constant 80 : i32
        %mul3A_61 = arith.muli %add3A_54, %mul3A_60 : i32
        %add3A_62 = arith.addi %add3A_59, %mul3A_61 : i32
        %dma_start3A_63 = tpu.memref_slice %arg2[%add3A_62] : memref<320000xi32, #tpu.memory_space<hbm>> -> memref<80xi32, #tpu.memory_space<hbm>>
        %dma_start3A_64 = tpu.memref_slice %arg2[%add3A_62] : memref<320000xi32, #tpu.memory_space<hbm>> -> memref<80xi32, #tpu.memory_space<hbm>>
        tpu.enqueue_dma source(%dma_start3A_64 : memref<80xi32, #tpu.memory_space<hbm>>) target(%arg7 : memref<80xi32, #tpu.memory_space<vmem>>) target_semaphore(%arg11 : memref<!tpu.dma_semaphore, #tpu.memory_space<semaphore_mem>>)
      } else {
      }
      %lt3A_48 = arith.constant 125 : i32
      %lt3A_49 = arith.cmpi slt, %add3A_40, %lt3A_48 : i32
      %convert_element_type3A_50 = arith.extui %lt3A_49 : i1 to i32
      %cond3A_51 = arith.constant 0 : i32
      %cond3A_52 = arith.cmpi ne, %convert_element_type3A_50, %cond3A_51 : i32
      scf.if %cond3A_52 {
        %mul3A_53 = arith.constant 160000 : i32
        %mul3A_54 = arith.muli %arg0, %mul3A_53 : i32
        %mul3A_55 = arith.constant 10000 : i32
        %mul3A_56 = arith.muli %arg1, %mul3A_55 : i32
        %add3A_57 = arith.addi %mul3A_54, %mul3A_56 : i32
        %mul3A_58 = arith.constant 80 : i32
        %mul3A_59 = arith.muli %add3A_40, %mul3A_58 : i32
        %add3A_60 = arith.addi %add3A_57, %mul3A_59 : i32
        %dma_wait3A = tpu.memref_slice %arg2[%add3A_60] : memref<320000xi32, #tpu.memory_space<hbm>> -> memref<80xi32, #tpu.memory_space<hbm>>
        %dma_wait3A_61 = tpu.memref_slice %arg2[%add3A_60] : memref<320000xi32, #tpu.memory_space<hbm>> -> memref<80xi32, #tpu.memory_space<hbm>>
        tpu.wait_dma2 semaphore(%arg12 : memref<!tpu.dma_semaphore, #tpu.memory_space<semaphore_mem>>) src(%dma_wait3A_61 : memref<80xi32, #tpu.memory_space<hbm>>) dst(%arg8 : memref<80xi32, #tpu.memory_space<vmem>>)
        "tpu.region"() ({
          %run_scoped3A = tpu.sem_alloc : memref<!tpu.dma_semaphore, #tpu.memory_space<semaphore_mem>>
          %dma_start3A_62 = arith.constant 0 : i32
          %dma_start3A_63 = arith.constant 0 : i32
          %dma_start3A_64 = tpu.memref_slice %arg10[%dma_start3A_62, %dma_start3A_63] : memref<10240x128xf32, #tpu.memory_space<vmem_shared>> -> memref<10240x128xf32, #tpu.memory_space<vmem_shared>>
          tpu.enqueue_indirect_dma source(%arg9 : memref<80x128xf32, #tpu.memory_space<vmem>>) target(%dma_start3A_64 : memref<10240x128xf32, #tpu.memory_space<vmem_shared>>) offsets(%arg8 : memref<80xi32, #tpu.memory_space<vmem>>) semaphore(%run_scoped3A : memref<!tpu.dma_semaphore, #tpu.memory_space<semaphore_mem>>) {add = true}
          %dma_wait3A_65 = arith.constant 0 : i32
          %dma_wait3A_66 = arith.constant 0 : i32
          %dma_wait3A_67 = tpu.memref_slice %arg10[%dma_wait3A_65, %dma_wait3A_66] : memref<10240x128xf32, #tpu.memory_space<vmem_shared>> -> memref<10240x128xf32, #tpu.memory_space<vmem_shared>>
          tpu.wait_indirect_dma semaphore(%run_scoped3A : memref<!tpu.dma_semaphore, #tpu.memory_space<semaphore_mem>>) src(%arg9 : memref<80x128xf32, #tpu.memory_space<vmem>>) dst(%dma_wait3A_67 : memref<10240x128xf32, #tpu.memory_space<vmem_shared>>)
          tpu.yield
        }) : () -> ()
      } else {
      }
    }
    %scan3A_12 = arith.constant 63 : i32
    %barrier3A_13 = arith.constant 0 : index
    tpu.barrier barrier_id(%barrier3A_13)
    %eq3A = arith.constant 0 : i32
    %eq3A_14 = arith.cmpi eq, %arg0, %eq3A : i32
    %convert_element_type3A = arith.extui %eq3A_14 : i1 to i32
    %cond3A = arith.constant 0 : i32
    %cond3A_15 = arith.cmpi ne, %convert_element_type3A, %cond3A : i32
    scf.if %cond3A_15 {
      %mul3A_21 = arith.constant 640 : i32
      %mul3A_22 = arith.muli %arg1, %mul3A_21 : i32
      %mul3A_23 = arith.constant 640 : i32
      %mul3A_24 = arith.muli %arg1, %mul3A_23 : i32
      "tpu.region"() ({
        %run_scoped3A = tpu.sem_alloc : memref<!tpu.dma_semaphore, #tpu.memory_space<semaphore_mem>>
        %dma_start3A_25 = arith.constant 0 : i32
        %dma_start3A_26 = tpu.memref_slice %arg5[%mul3A_24, %dma_start3A_25] : memref<10240x128xf32, #tpu.memory_space<hbm>> -> memref<640x128xf32, #tpu.memory_space<hbm>>
        %dma_start3A_27 = arith.constant 0 : i32
        %dma_start3A_28 = tpu.memref_slice %arg10[%mul3A_22, %dma_start3A_27] : memref<10240x128xf32, #tpu.memory_space<vmem_shared>> -> memref<640x128xf32, #tpu.memory_space<vmem_shared>>
        tpu.enqueue_dma source(%dma_start3A_28 : memref<640x128xf32, #tpu.memory_space<vmem_shared>>) target(%dma_start3A_26 : memref<640x128xf32, #tpu.memory_space<hbm>>) target_semaphore(%run_scoped3A : memref<!tpu.dma_semaphore, #tpu.memory_space<semaphore_mem>>)
        %dma_wait3A = arith.constant 0 : i32
        %dma_wait3A_29 = tpu.memref_slice %arg5[%mul3A_24, %dma_wait3A] : memref<10240x128xf32, #tpu.memory_space<hbm>> -> memref<640x128xf32, #tpu.memory_space<hbm>>
        %dma_wait3A_30 = arith.constant 0 : i32
        %dma_wait3A_31 = tpu.memref_slice %arg10[%mul3A_22, %dma_wait3A_30] : memref<10240x128xf32, #tpu.memory_space<vmem_shared>> -> memref<640x128xf32, #tpu.memory_space<vmem_shared>>
        tpu.wait_dma2 semaphore(%run_scoped3A : memref<!tpu.dma_semaphore, #tpu.memory_space<semaphore_mem>>) src(%dma_wait3A_31 : memref<640x128xf32, #tpu.memory_space<vmem_shared>>) dst(%dma_wait3A_29 : memref<640x128xf32, #tpu.memory_space<hbm>>)
        tpu.yield
      }) : () -> ()
    } else {
    }
    %eq3A_16 = arith.constant 1 : i32
    %eq3A_17 = arith.cmpi eq, %arg0, %eq3A_16 : i32
    %convert_element_type3A_18 = arith.extui %eq3A_17 : i1 to i32
    %cond3A_19 = arith.constant 0 : i32
    %cond3A_20 = arith.cmpi ne, %convert_element_type3A_18, %cond3A_19 : i32
    scf.if %cond3A_20 {
      %mul3A_21 = arith.constant 640 : i32
      %mul3A_22 = arith.muli %arg1, %mul3A_21 : i32
      %mul3A_23 = arith.constant 640 : i32
      %mul3A_24 = arith.muli %arg1, %mul3A_23 : i32
      "tpu.region"() ({
        %run_scoped3A = tpu.sem_alloc : memref<!tpu.dma_semaphore, #tpu.memory_space<semaphore_mem>>
        %dma_start3A_25 = arith.constant 0 : i32
        %dma_start3A_26 = tpu.memref_slice %arg6[%mul3A_24, %dma_start3A_25] : memref<10240x128xf32, #tpu.memory_space<hbm>> -> memref<640x128xf32, #tpu.memory_space<hbm>>
        %dma_start3A_27 = arith.constant 0 : i32
        %dma_start3A_28 = tpu.memref_slice %arg10[%mul3A_22, %dma_start3A_27] : memref<10240x128xf32, #tpu.memory_space<vmem_shared>> -> memref<640x128xf32, #tpu.memory_space<vmem_shared>>
        tpu.enqueue_dma source(%dma_start3A_28 : memref<640x128xf32, #tpu.memory_space<vmem_shared>>) target(%dma_start3A_26 : memref<640x128xf32, #tpu.memory_space<hbm>>) target_semaphore(%run_scoped3A : memref<!tpu.dma_semaphore, #tpu.memory_space<semaphore_mem>>)
        %dma_wait3A = arith.constant 0 : i32
        %dma_wait3A_29 = tpu.memref_slice %arg6[%mul3A_24, %dma_wait3A] : memref<10240x128xf32, #tpu.memory_space<hbm>> -> memref<640x128xf32, #tpu.memory_space<hbm>>
        %dma_wait3A_30 = arith.constant 0 : i32
        %dma_wait3A_31 = tpu.memref_slice %arg10[%mul3A_22, %dma_wait3A_30] : memref<10240x128xf32, #tpu.memory_space<vmem_shared>> -> memref<640x128xf32, #tpu.memory_space<vmem_shared>>
        tpu.wait_dma2 semaphore(%run_scoped3A : memref<!tpu.dma_semaphore, #tpu.memory_space<semaphore_mem>>) src(%dma_wait3A_31 : memref<640x128xf32, #tpu.memory_space<vmem_shared>>) dst(%dma_wait3A_29 : memref<640x128xf32, #tpu.memory_space<hbm>>)
        tpu.yield
      }) : () -> ()
    } else {
    }
    return
  }
}

#map = affine_map<(d0, d1) -> (0, 0)>
#map1 = affine_map<(d0, d1) -> (0)>
module attributes {stable_mosaic.version = 14 : i64} {
  func.func @_k2_body(%arg0: i32, %arg1: i32, %arg2: memref<20480x128xf32, #tpu.memory_space<hbm>>, %arg3: memref<320000xi32, #tpu.memory_space<hbm>>, %arg4: memref<320000xi32, #tpu.memory_space<hbm>>, %arg5: memref<640x128xf32, #tpu.memory_space<hbm>>, %arg6: memref<10240x128xf32, #tpu.memory_space<hbm>>, %arg7: memref<10240x128xf32, #tpu.memory_space<hbm>>, %arg8: memref<80xi32, #tpu.memory_space<vmem>>, %arg9: memref<80xi32, #tpu.memory_space<vmem>>, %arg10: memref<80xi32, #tpu.memory_space<vmem>>, %arg11: memref<80xi32, #tpu.memory_space<vmem>>, %arg12: memref<80xi32, #tpu.memory_space<vmem>>, %arg13: memref<80xi32, #tpu.memory_space<vmem>>, %arg14: memref<80x128xf32, #tpu.memory_space<vmem>>, %arg15: memref<80x128xf32, #tpu.memory_space<vmem>>, %arg16: memref<80x128xf32, #tpu.memory_space<vmem>>, %arg17: memref<10240x128xf32, #tpu.memory_space<vmem_shared>>, %arg18: memref<!tpu.dma_semaphore, #tpu.memory_space<semaphore_mem>>, %arg19: memref<!tpu.dma_semaphore, #tpu.memory_space<semaphore_mem>>, %arg20: memref<!tpu.dma_semaphore, #tpu.memory_space<semaphore_mem>>, %arg21: memref<!tpu.dma_semaphore, #tpu.memory_space<semaphore_mem>>, %arg22: memref<!tpu.dma_semaphore, #tpu.memory_space<semaphore_mem>>, %arg23: memref<!tpu.dma_semaphore, #tpu.memory_space<semaphore_mem>>, %arg24: memref<!tpu.dma_semaphore, #tpu.memory_space<semaphore_mem>>, %arg25: memref<!tpu.dma_semaphore, #tpu.memory_space<semaphore_mem>>, %arg26: memref<!tpu.dma_semaphore, #tpu.memory_space<semaphore_mem>>) attributes {dimension_semantics = [#tpu.dimension_semantics<core_parallel>, #tpu.dimension_semantics<subcore_parallel>], iteration_bounds = array<i64: 2, 16>, scalar_prefetch = 0 : i64, scratch_operands = 19 : i64, tpu.core_type = #tpu.core_type<sc_vector_subcore>, window_params = [{transform_indices = #map}, {transform_indices = #map1}, {transform_indices = #map1}, {transform_indices = #map}, {transform_indices = #map}, {transform_indices = #map}]} {
    %mul3A = arith.constant 640 : i32
    %mul3A_0 = arith.muli %arg1, %mul3A : i32
    "tpu.region"() ({
      %run_scoped3A = tpu.sem_alloc : memref<!tpu.dma_semaphore, #tpu.memory_space<semaphore_mem>>
      %dma_start3A_38 = arith.constant 0 : i32
      %dma_start3A_39 = tpu.memref_slice %arg17[%mul3A_0, %dma_start3A_38] : memref<10240x128xf32, #tpu.memory_space<vmem_shared>> -> memref<640x128xf32, #tpu.memory_space<vmem_shared>>
      tpu.enqueue_dma source(%arg5 : memref<640x128xf32, #tpu.memory_space<hbm>>) target(%dma_start3A_39 : memref<640x128xf32, #tpu.memory_space<vmem_shared>>) target_semaphore(%run_scoped3A : memref<!tpu.dma_semaphore, #tpu.memory_space<semaphore_mem>>)
      %dma_wait3A_40 = arith.constant 0 : i32
      %dma_wait3A_41 = tpu.memref_slice %arg17[%mul3A_0, %dma_wait3A_40] : memref<10240x128xf32, #tpu.memory_space<vmem_shared>> -> memref<640x128xf32, #tpu.memory_space<vmem_shared>>
      tpu.wait_dma2 semaphore(%run_scoped3A : memref<!tpu.dma_semaphore, #tpu.memory_space<semaphore_mem>>) src(%arg5 : memref<640x128xf32, #tpu.memory_space<hbm>>) dst(%dma_wait3A_41 : memref<640x128xf32, #tpu.memory_space<vmem_shared>>)
      tpu.yield
    }) : () -> ()
    %barrier3A = arith.constant 0 : index
    tpu.barrier barrier_id(%barrier3A)
    %mul3A_1 = arith.constant 10240 : i32
    %mul3A_2 = arith.muli %arg0, %mul3A_1 : i32
    %mul3A_3 = arith.constant 20000 : i32
    %mul3A_4 = arith.muli %arg1, %mul3A_3 : i32
    %add3A = arith.constant 0 : i32
    %add3A_5 = arith.addi %mul3A_4, %add3A : i32
    %dma_start3A = tpu.memref_slice %arg3[%add3A_5] : memref<320000xi32, #tpu.memory_space<hbm>> -> memref<80xi32, #tpu.memory_space<hbm>>
    %dma_start3A_6 = tpu.memref_slice %arg3[%add3A_5] : memref<320000xi32, #tpu.memory_space<hbm>> -> memref<80xi32, #tpu.memory_space<hbm>>
    tpu.enqueue_dma source(%dma_start3A_6 : memref<80xi32, #tpu.memory_space<hbm>>) target(%arg8 : memref<80xi32, #tpu.memory_space<vmem>>) target_semaphore(%arg18 : memref<!tpu.dma_semaphore, #tpu.memory_space<semaphore_mem>>)
    %dma_start3A_7 = tpu.memref_slice %arg4[%add3A_5] : memref<320000xi32, #tpu.memory_space<hbm>> -> memref<80xi32, #tpu.memory_space<hbm>>
    %dma_start3A_8 = tpu.memref_slice %arg4[%add3A_5] : memref<320000xi32, #tpu.memory_space<hbm>> -> memref<80xi32, #tpu.memory_space<hbm>>
    tpu.enqueue_dma source(%dma_start3A_8 : memref<80xi32, #tpu.memory_space<hbm>>) target(%arg9 : memref<80xi32, #tpu.memory_space<vmem>>) target_semaphore(%arg18 : memref<!tpu.dma_semaphore, #tpu.memory_space<semaphore_mem>>)
    %mul3A_9 = arith.constant 20000 : i32
    %mul3A_10 = arith.muli %arg1, %mul3A_9 : i32
    %add3A_11 = arith.constant 80 : i32
    %add3A_12 = arith.addi %mul3A_10, %add3A_11 : i32
    %dma_start3A_13 = tpu.memref_slice %arg3[%add3A_12] : memref<320000xi32, #tpu.memory_space<hbm>> -> memref<80xi32, #tpu.memory_space<hbm>>
    %dma_start3A_14 = tpu.memref_slice %arg3[%add3A_12] : memref<320000xi32, #tpu.memory_space<hbm>> -> memref<80xi32, #tpu.memory_space<hbm>>
    tpu.enqueue_dma source(%dma_start3A_14 : memref<80xi32, #tpu.memory_space<hbm>>) target(%arg10 : memref<80xi32, #tpu.memory_space<vmem>>) target_semaphore(%arg19 : memref<!tpu.dma_semaphore, #tpu.memory_space<semaphore_mem>>)
    %dma_start3A_15 = tpu.memref_slice %arg4[%add3A_12] : memref<320000xi32, #tpu.memory_space<hbm>> -> memref<80xi32, #tpu.memory_space<hbm>>
    %dma_start3A_16 = tpu.memref_slice %arg4[%add3A_12] : memref<320000xi32, #tpu.memory_space<hbm>> -> memref<80xi32, #tpu.memory_space<hbm>>
    tpu.enqueue_dma source(%dma_start3A_16 : memref<80xi32, #tpu.memory_space<hbm>>) target(%arg11 : memref<80xi32, #tpu.memory_space<vmem>>) target_semaphore(%arg19 : memref<!tpu.dma_semaphore, #tpu.memory_space<semaphore_mem>>)
    %scan3A = arith.constant 0 : i32
    %scan3A_17 = arith.constant 0 : i32
    %scan3A_18 = arith.constant 84 : i32
    %scan3A_19 = arith.addi %scan3A_17, %scan3A_18 : i32
    %scan3A_20 = arith.constant 1 : i32
    scf.for %scan3A_38 = %scan3A_17 to %scan3A_19 step %scan3A_20  : i32 {
      %mul3A_39 = arith.constant 3 : i32
      %mul3A_40 = arith.muli %mul3A_39, %scan3A_38 : i32
      %add3A_41 = arith.constant 0 : i32
      %add3A_42 = arith.addi %mul3A_40, %add3A_41 : i32
      %lt3A = arith.constant 250 : i32
      %lt3A_43 = arith.cmpi slt, %add3A_42, %lt3A : i32
      %convert_element_type3A_44 = arith.extui %lt3A_43 : i1 to i32
      %cond3A_45 = arith.constant 0 : i32
      %cond3A_46 = arith.cmpi ne, %convert_element_type3A_44, %cond3A_45 : i32
      scf.if %cond3A_46 {
        %mul3A_65 = arith.constant 20000 : i32
        %mul3A_66 = arith.muli %arg1, %mul3A_65 : i32
        %mul3A_67 = arith.constant 80 : i32
        %mul3A_68 = arith.muli %add3A_42, %mul3A_67 : i32
        %add3A_69 = arith.addi %mul3A_66, %mul3A_68 : i32
        %dma_wait3A_70 = tpu.memref_slice %arg3[%add3A_69] : memref<320000xi32, #tpu.memory_space<hbm>> -> memref<80xi32, #tpu.memory_space<hbm>>
        %dma_wait3A_71 = tpu.memref_slice %arg3[%add3A_69] : memref<320000xi32, #tpu.memory_space<hbm>> -> memref<80xi32, #tpu.memory_space<hbm>>
        tpu.wait_dma2 semaphore(%arg18 : memref<!tpu.dma_semaphore, #tpu.memory_space<semaphore_mem>>) src(%dma_wait3A_71 : memref<80xi32, #tpu.memory_space<hbm>>) dst(%arg8 : memref<80xi32, #tpu.memory_space<vmem>>)
        %dma_wait3A_72 = tpu.memref_slice %arg4[%add3A_69] : memref<320000xi32, #tpu.memory_space<hbm>> -> memref<80xi32, #tpu.memory_space<hbm>>
        %dma_wait3A_73 = tpu.memref_slice %arg4[%add3A_69] : memref<320000xi32, #tpu.memory_space<hbm>> -> memref<80xi32, #tpu.memory_space<hbm>>
        tpu.wait_dma2 semaphore(%arg18 : memref<!tpu.dma_semaphore, #tpu.memory_space<semaphore_mem>>) src(%dma_wait3A_73 : memref<80xi32, #tpu.memory_space<hbm>>) dst(%arg9 : memref<80xi32, #tpu.memory_space<vmem>>)
        %get3A = arith.constant 0 : index
        %get3A_74 = tpu.vector_load %arg9[%get3A] {strides = array<i32>} : memref<80xi32, #tpu.memory_space<vmem>>, vector<16xi32>,
        %get3A_75 = vector.shape_cast %get3A_74 : vector<16xi32> to vector<16xi32>
        %add3A_76 = vector.broadcast %mul3A_2 : i32 to vector<16xi32>
        %add3A_77 = arith.addi %get3A_75, %add3A_76 : vector<16xi32>
        %swap3A = arith.constant 0 : index
        %swap3A_78 = tpu.vector_load %arg9[%swap3A] {strides = array<i32>} : memref<80xi32, #tpu.memory_space<vmem>>, vector<16xi32>,
        %swap3A_79 = vector.shape_cast %swap3A_78 : vector<16xi32> to vector<16xi32>
        %swap3A_80 = vector.shape_cast %add3A_77 : vector<16xi32> to vector<16xi32>
        tpu.vector_store %arg9[%swap3A], %swap3A_80 {strides = array<i32>} : memref<80xi32, #tpu.memory_space<vmem>>, vector<16xi32>,
        %get3A_81 = arith.constant 16 : index
        %get3A_82 = tpu.vector_load %arg9[%get3A_81] {strides = array<i32>} : memref<80xi32, #tpu.memory_space<vmem>>, vector<16xi32>,
        %get3A_83 = vector.shape_cast %get3A_82 : vector<16xi32> to vector<16xi32>
        %add3A_84 = vector.broadcast %mul3A_2 : i32 to vector<16xi32>
        %add3A_85 = arith.addi %get3A_83, %add3A_84 : vector<16xi32>
        %swap3A_86 = arith.constant 16 : index
        %swap3A_87 = tpu.vector_load %arg9[%swap3A_86] {strides = array<i32>} : memref<80xi32, #tpu.memory_space<vmem>>, vector<16xi32>,
        %swap3A_88 = vector.shape_cast %swap3A_87 : vector<16xi32> to vector<16xi32>
        %swap3A_89 = vector.shape_cast %add3A_85 : vector<16xi32> to vector<16xi32>
        tpu.vector_store %arg9[%swap3A_86], %swap3A_89 {strides = array<i32>} : memref<80xi32, #tpu.memory_space<vmem>>, vector<16xi32>,
        %get3A_90 = arith.constant 32 : index
        %get3A_91 = tpu.vector_load %arg9[%get3A_90] {strides = array<i32>} : memref<80xi32, #tpu.memory_space<vmem>>, vector<16xi32>,
        %get3A_92 = vector.shape_cast %get3A_91 : vector<16xi32> to vector<16xi32>
        %add3A_93 = vector.broadcast %mul3A_2 : i32 to vector<16xi32>
        %add3A_94 = arith.addi %get3A_92, %add3A_93 : vector<16xi32>
        %swap3A_95 = arith.constant 32 : index
        %swap3A_96 = tpu.vector_load %arg9[%swap3A_95] {strides = array<i32>} : memref<80xi32, #tpu.memory_space<vmem>>, vector<16xi32>,
        %swap3A_97 = vector.shape_cast %swap3A_96 : vector<16xi32> to vector<16xi32>
        %swap3A_98 = vector.shape_cast %add3A_94 : vector<16xi32> to vector<16xi32>
        tpu.vector_store %arg9[%swap3A_95], %swap3A_98 {strides = array<i32>} : memref<80xi32, #tpu.memory_space<vmem>>, vector<16xi32>,
        %get3A_99 = arith.constant 48 : index
        %get3A_100 = tpu.vector_load %arg9[%get3A_99] {strides = array<i32>} : memref<80xi32, #tpu.memory_space<vmem>>, vector<16xi32>,
        %get3A_101 = vector.shape_cast %get3A_100 : vector<16xi32> to vector<16xi32>
        %add3A_102 = vector.broadcast %mul3A_2 : i32 to vector<16xi32>
        %add3A_103 = arith.addi %get3A_101, %add3A_102 : vector<16xi32>
        %swap3A_104 = arith.constant 48 : index
        %swap3A_105 = tpu.vector_load %arg9[%swap3A_104] {strides = array<i32>} : memref<80xi32, #tpu.memory_space<vmem>>, vector<16xi32>,
        %swap3A_106 = vector.shape_cast %swap3A_105 : vector<16xi32> to vector<16xi32>
        %swap3A_107 = vector.shape_cast %add3A_103 : vector<16xi32> to vector<16xi32>
        tpu.vector_store %arg9[%swap3A_104], %swap3A_107 {strides = array<i32>} : memref<80xi32, #tpu.memory_space<vmem>>, vector<16xi32>,
        %get3A_108 = arith.constant 64 : index
        %get3A_109 = tpu.vector_load %arg9[%get3A_108] {strides = array<i32>} : memref<80xi32, #tpu.memory_space<vmem>>, vector<16xi32>,
        %get3A_110 = vector.shape_cast %get3A_109 : vector<16xi32> to vector<16xi32>
        %add3A_111 = vector.broadcast %mul3A_2 : i32 to vector<16xi32>
        %add3A_112 = arith.addi %get3A_110, %add3A_111 : vector<16xi32>
        %swap3A_113 = arith.constant 64 : index
        %swap3A_114 = tpu.vector_load %arg9[%swap3A_113] {strides = array<i32>} : memref<80xi32, #tpu.memory_space<vmem>>, vector<16xi32>,
        %swap3A_115 = vector.shape_cast %swap3A_114 : vector<16xi32> to vector<16xi32>
        %swap3A_116 = vector.shape_cast %add3A_112 : vector<16xi32> to vector<16xi32>
        tpu.vector_store %arg9[%swap3A_113], %swap3A_116 {strides = array<i32>} : memref<80xi32, #tpu.memory_space<vmem>>, vector<16xi32>,
        %dma_start3A_117 = arith.constant 0 : i32
        %dma_start3A_118 = arith.constant 0 : i32
        %dma_start3A_119 = tpu.memref_slice %arg2[%dma_start3A_117, %dma_start3A_118] : memref<20480x128xf32, #tpu.memory_space<hbm>> -> memref<20480x128xf32, #tpu.memory_space<hbm>>
        tpu.enqueue_indirect_dma source(%dma_start3A_119 : memref<20480x128xf32, #tpu.memory_space<hbm>>) target(%arg14 : memref<80x128xf32, #tpu.memory_space<vmem>>) offsets(%arg9 : memref<80xi32, #tpu.memory_space<vmem>>) semaphore(%arg21 : memref<!tpu.dma_semaphore, #tpu.memory_space<semaphore_mem>>)
        %dma_wait3A_120 = arith.constant 0 : i32
        %dma_wait3A_121 = arith.constant 0 : i32
        %dma_wait3A_122 = tpu.memref_slice %arg2[%dma_wait3A_120, %dma_wait3A_121] : memref<20480x128xf32, #tpu.memory_space<hbm>> -> memref<20480x128xf32, #tpu.memory_space<hbm>>
        tpu.wait_indirect_dma semaphore(%arg21 : memref<!tpu.dma_semaphore, #tpu.memory_space<semaphore_mem>>) src(%dma_wait3A_122 : memref<20480x128xf32, #tpu.memory_space<hbm>>) dst(%arg14 : memref<80x128xf32, #tpu.memory_space<vmem>>)
        %dma_start3A_123 = arith.constant 0 : i32
        %dma_start3A_124 = arith.constant 0 : i32
        %dma_start3A_125 = tpu.memref_slice %arg17[%dma_start3A_123, %dma_start3A_124] : memref<10240x128xf32, #tpu.memory_space<vmem_shared>> -> memref<10240x128xf32, #tpu.memory_space<vmem_shared>>
        tpu.enqueue_indirect_dma source(%arg14 : memref<80x128xf32, #tpu.memory_space<vmem>>) target(%dma_start3A_125 : memref<10240x128xf32, #tpu.memory_space<vmem_shared>>) offsets(%arg8 : memref<80xi32, #tpu.memory_space<vmem>>) semaphore(%arg24 : memref<!tpu.dma_semaphore, #tpu.memory_space<semaphore_mem>>) {add = true}
        %add3A_126 = arith.constant 2 : i32
        %add3A_127 = arith.addi %add3A_42, %add3A_126 : i32
        %lt3A_128 = arith.constant 250 : i32
        %lt3A_129 = arith.cmpi slt, %add3A_127, %lt3A_128 : i32
        %convert_element_type3A_130 = arith.extui %lt3A_129 : i1 to i32
        %cond3A_131 = arith.constant 0 : i32
        %cond3A_132 = arith.cmpi ne, %convert_element_type3A_130, %cond3A_131 : i32
        scf.if %cond3A_132 {
          %ge3A = arith.constant 1 : i32
          %ge3A_133 = arith.cmpi sge, %add3A_42, %ge3A : i32
          %convert_element_type3A_134 = arith.extui %ge3A_133 : i1 to i32
          %cond3A_135 = arith.constant 0 : i32
          %cond3A_136 = arith.cmpi ne, %convert_element_type3A_134, %cond3A_135 : i32
          scf.if %cond3A_136 {
            %dma_wait3A_148 = arith.constant 0 : i32
            %dma_wait3A_149 = arith.constant 0 : i32
            %dma_wait3A_150 = tpu.memref_slice %arg17[%dma_wait3A_148, %dma_wait3A_149] : memref<10240x128xf32, #tpu.memory_space<vmem_shared>> -> memref<10240x128xf32, #tpu.memory_space<vmem_shared>>
            tpu.wait_indirect_dma semaphore(%arg26 : memref<!tpu.dma_semaphore, #tpu.memory_space<semaphore_mem>>) src(%arg16 : memref<80x128xf32, #tpu.memory_space<vmem>>) dst(%dma_wait3A_150 : memref<10240x128xf32, #tpu.memory_space<vmem_shared>>)
          } else {
          }
          %add3A_137 = arith.constant 2 : i32
          %add3A_138 = arith.addi %add3A_42, %add3A_137 : i32
          %mul3A_139 = arith.constant 20000 : i32
          %mul3A_140 = arith.muli %arg1, %mul3A_139 : i32
          %mul3A_141 = arith.constant 80 : i32
          %mul3A_142 = arith.muli %add3A_138, %mul3A_141 : i32
          %add3A_143 = arith.addi %mul3A_140, %mul3A_142 : i32
          %dma_start3A_144 = tpu.memref_slice %arg3[%add3A_143] : memref<320000xi32, #tpu.memory_space<hbm>> -> memref<80xi32, #tpu.memory_space<hbm>>
          %dma_start3A_145 = tpu.memref_slice %arg3[%add3A_143] : memref<320000xi32, #tpu.memory_space<hbm>> -> memref<80xi32, #tpu.memory_space<hbm>>
          tpu.enqueue_dma source(%dma_start3A_145 : memref<80xi32, #tpu.memory_space<hbm>>) target(%arg12 : memref<80xi32, #tpu.memory_space<vmem>>) target_semaphore(%arg20 : memref<!tpu.dma_semaphore, #tpu.memory_space<semaphore_mem>>)
          %dma_start3A_146 = tpu.memref_slice %arg4[%add3A_143] : memref<320000xi32, #tpu.memory_space<hbm>> -> memref<80xi32, #tpu.memory_space<hbm>>
          %dma_start3A_147 = tpu.memref_slice %arg4[%add3A_143] : memref<320000xi32, #tpu.memory_space<hbm>> -> memref<80xi32, #tpu.memory_space<hbm>>
          tpu.enqueue_dma source(%dma_start3A_147 : memref<80xi32, #tpu.memory_space<hbm>>) target(%arg13 : memref<80xi32, #tpu.memory_space<vmem>>) target_semaphore(%arg20 : memref<!tpu.dma_semaphore, #tpu.memory_space<semaphore_mem>>)
        } else {
        }
      } else {
      }
      %mul3A_47 = arith.constant 3 : i32
      %mul3A_48 = arith.muli %mul3A_47, %scan3A_38 : i32
      %add3A_49 = arith.constant 1 : i32
      %add3A_50 = arith.addi %mul3A_48, %add3A_49 : i32
      %lt3A_51 = arith.constant 250 : i32
      %lt3A_52 = arith.cmpi slt, %add3A_50, %lt3A_51 : i32
      %convert_element_type3A_53 = arith.extui %lt3A_52 : i1 to i32
      %cond3A_54 = arith.constant 0 : i32
      %cond3A_55 = arith.cmpi ne, %convert_element_type3A_53, %cond3A_54 : i32
      scf.if %cond3A_55 {
        %mul3A_65 = arith.constant 20000 : i32
        %mul3A_66 = arith.muli %arg1, %mul3A_65 : i32
        %mul3A_67 = arith.constant 80 : i32
        %mul3A_68 = arith.muli %add3A_50, %mul3A_67 : i32
        %add3A_69 = arith.addi %mul3A_66, %mul3A_68 : i32
        %dma_wait3A_70 = tpu.memref_slice %arg3[%add3A_69] : memref<320000xi32, #tpu.memory_space<hbm>> -> memref<80xi32, #tpu.memory_space<hbm>>
        %dma_wait3A_71 = tpu.memref_slice %arg3[%add3A_69] : memref<320000xi32, #tpu.memory_space<hbm>> -> memref<80xi32, #tpu.memory_space<hbm>>
        tpu.wait_dma2 semaphore(%arg19 : memref<!tpu.dma_semaphore, #tpu.memory_space<semaphore_mem>>) src(%dma_wait3A_71 : memref<80xi32, #tpu.memory_space<hbm>>) dst(%arg10 : memref<80xi32, #tpu.memory_space<vmem>>)
        %dma_wait3A_72 = tpu.memref_slice %arg4[%add3A_69] : memref<320000xi32, #tpu.memory_space<hbm>> -> memref<80xi32, #tpu.memory_space<hbm>>
        %dma_wait3A_73 = tpu.memref_slice %arg4[%add3A_69] : memref<320000xi32, #tpu.memory_space<hbm>> -> memref<80xi32, #tpu.memory_space<hbm>>
        tpu.wait_dma2 semaphore(%arg19 : memref<!tpu.dma_semaphore, #tpu.memory_space<semaphore_mem>>) src(%dma_wait3A_73 : memref<80xi32, #tpu.memory_space<hbm>>) dst(%arg11 : memref<80xi32, #tpu.memory_space<vmem>>)
        %get3A = arith.constant 0 : index
        %get3A_74 = tpu.vector_load %arg11[%get3A] {strides = array<i32>} : memref<80xi32, #tpu.memory_space<vmem>>, vector<16xi32>,
        %get3A_75 = vector.shape_cast %get3A_74 : vector<16xi32> to vector<16xi32>
        %add3A_76 = vector.broadcast %mul3A_2 : i32 to vector<16xi32>
        %add3A_77 = arith.addi %get3A_75, %add3A_76 : vector<16xi32>
        %swap3A = arith.constant 0 : index
        %swap3A_78 = tpu.vector_load %arg11[%swap3A] {strides = array<i32>} : memref<80xi32, #tpu.memory_space<vmem>>, vector<16xi32>,
        %swap3A_79 = vector.shape_cast %swap3A_78 : vector<16xi32> to vector<16xi32>
        %swap3A_80 = vector.shape_cast %add3A_77 : vector<16xi32> to vector<16xi32>
        tpu.vector_store %arg11[%swap3A], %swap3A_80 {strides = array<i32>} : memref<80xi32, #tpu.memory_space<vmem>>, vector<16xi32>,
        %get3A_81 = arith.constant 16 : index
        %get3A_82 = tpu.vector_load %arg11[%get3A_81] {strides = array<i32>} : memref<80xi32, #tpu.memory_space<vmem>>, vector<16xi32>,
        %get3A_83 = vector.shape_cast %get3A_82 : vector<16xi32> to vector<16xi32>
        %add3A_84 = vector.broadcast %mul3A_2 : i32 to vector<16xi32>
        %add3A_85 = arith.addi %get3A_83, %add3A_84 : vector<16xi32>
        %swap3A_86 = arith.constant 16 : index
        %swap3A_87 = tpu.vector_load %arg11[%swap3A_86] {strides = array<i32>} : memref<80xi32, #tpu.memory_space<vmem>>, vector<16xi32>,
        %swap3A_88 = vector.shape_cast %swap3A_87 : vector<16xi32> to vector<16xi32>
        %swap3A_89 = vector.shape_cast %add3A_85 : vector<16xi32> to vector<16xi32>
        tpu.vector_store %arg11[%swap3A_86], %swap3A_89 {strides = array<i32>} : memref<80xi32, #tpu.memory_space<vmem>>, vector<16xi32>,
        %get3A_90 = arith.constant 32 : index
        %get3A_91 = tpu.vector_load %arg11[%get3A_90] {strides = array<i32>} : memref<80xi32, #tpu.memory_space<vmem>>, vector<16xi32>,
        %get3A_92 = vector.shape_cast %get3A_91 : vector<16xi32> to vector<16xi32>
        %add3A_93 = vector.broadcast %mul3A_2 : i32 to vector<16xi32>
        %add3A_94 = arith.addi %get3A_92, %add3A_93 : vector<16xi32>
        %swap3A_95 = arith.constant 32 : index
        %swap3A_96 = tpu.vector_load %arg11[%swap3A_95] {strides = array<i32>} : memref<80xi32, #tpu.memory_space<vmem>>, vector<16xi32>,
        %swap3A_97 = vector.shape_cast %swap3A_96 : vector<16xi32> to vector<16xi32>
        %swap3A_98 = vector.shape_cast %add3A_94 : vector<16xi32> to vector<16xi32>
        tpu.vector_store %arg11[%swap3A_95], %swap3A_98 {strides = array<i32>} : memref<80xi32, #tpu.memory_space<vmem>>, vector<16xi32>,
        %get3A_99 = arith.constant 48 : index
        %get3A_100 = tpu.vector_load %arg11[%get3A_99] {strides = array<i32>} : memref<80xi32, #tpu.memory_space<vmem>>, vector<16xi32>,
        %get3A_101 = vector.shape_cast %get3A_100 : vector<16xi32> to vector<16xi32>
        %add3A_102 = vector.broadcast %mul3A_2 : i32 to vector<16xi32>
        %add3A_103 = arith.addi %get3A_101, %add3A_102 : vector<16xi32>
        %swap3A_104 = arith.constant 48 : index
        %swap3A_105 = tpu.vector_load %arg11[%swap3A_104] {strides = array<i32>} : memref<80xi32, #tpu.memory_space<vmem>>, vector<16xi32>,
        %swap3A_106 = vector.shape_cast %swap3A_105 : vector<16xi32> to vector<16xi32>
        %swap3A_107 = vector.shape_cast %add3A_103 : vector<16xi32> to vector<16xi32>
        tpu.vector_store %arg11[%swap3A_104], %swap3A_107 {strides = array<i32>} : memref<80xi32, #tpu.memory_space<vmem>>, vector<16xi32>,
        %get3A_108 = arith.constant 64 : index
        %get3A_109 = tpu.vector_load %arg11[%get3A_108] {strides = array<i32>} : memref<80xi32, #tpu.memory_space<vmem>>, vector<16xi32>,
        %get3A_110 = vector.shape_cast %get3A_109 : vector<16xi32> to vector<16xi32>
        %add3A_111 = vector.broadcast %mul3A_2 : i32 to vector<16xi32>
        %add3A_112 = arith.addi %get3A_110, %add3A_111 : vector<16xi32>
        %swap3A_113 = arith.constant 64 : index
        %swap3A_114 = tpu.vector_load %arg11[%swap3A_113] {strides = array<i32>} : memref<80xi32, #tpu.memory_space<vmem>>, vector<16xi32>,
        %swap3A_115 = vector.shape_cast %swap3A_114 : vector<16xi32> to vector<16xi32>
        %swap3A_116 = vector.shape_cast %add3A_112 : vector<16xi32> to vector<16xi32>
        tpu.vector_store %arg11[%swap3A_113], %swap3A_116 {strides = array<i32>} : memref<80xi32, #tpu.memory_space<vmem>>, vector<16xi32>,
        %dma_start3A_117 = arith.constant 0 : i32
        %dma_start3A_118 = arith.constant 0 : i32
        %dma_start3A_119 = tpu.memref_slice %arg2[%dma_start3A_117, %dma_start3A_118] : memref<20480x128xf32, #tpu.memory_space<hbm>> -> memref<20480x128xf32, #tpu.memory_space<hbm>>
        tpu.enqueue_indirect_dma source(%dma_start3A_119 : memref<20480x128xf32, #tpu.memory_space<hbm>>) target(%arg15 : memref<80x128xf32, #tpu.memory_space<vmem>>) offsets(%arg11 : memref<80xi32, #tpu.memory_space<vmem>>) semaphore(%arg22 : memref<!tpu.dma_semaphore, #tpu.memory_space<semaphore_mem>>)
        %dma_wait3A_120 = arith.constant 0 : i32
        %dma_wait3A_121 = arith.constant 0 : i32
        %dma_wait3A_122 = tpu.memref_slice %arg2[%dma_wait3A_120, %dma_wait3A_121] : memref<20480x128xf32, #tpu.memory_space<hbm>> -> memref<20480x128xf32, #tpu.memory_space<hbm>>
        tpu.wait_indirect_dma semaphore(%arg22 : memref<!tpu.dma_semaphore, #tpu.memory_space<semaphore_mem>>) src(%dma_wait3A_122 : memref<20480x128xf32, #tpu.memory_space<hbm>>) dst(%arg15 : memref<80x128xf32, #tpu.memory_space<vmem>>)
        %dma_start3A_123 = arith.constant 0 : i32
        %dma_start3A_124 = arith.constant 0 : i32
        %dma_start3A_125 = tpu.memref_slice %arg17[%dma_start3A_123, %dma_start3A_124] : memref<10240x128xf32, #tpu.memory_space<vmem_shared>> -> memref<10240x128xf32, #tpu.memory_space<vmem_shared>>
        tpu.enqueue_indirect_dma source(%arg15 : memref<80x128xf32, #tpu.memory_space<vmem>>) target(%dma_start3A_125 : memref<10240x128xf32, #tpu.memory_space<vmem_shared>>) offsets(%arg10 : memref<80xi32, #tpu.memory_space<vmem>>) semaphore(%arg25 : memref<!tpu.dma_semaphore, #tpu.memory_space<semaphore_mem>>) {add = true}
        %add3A_126 = arith.constant 2 : i32
        %add3A_127 = arith.addi %add3A_50, %add3A_126 : i32
        %lt3A_128 = arith.constant 250 : i32
        %lt3A_129 = arith.cmpi slt, %add3A_127, %lt3A_128 : i32
        %convert_element_type3A_130 = arith.extui %lt3A_129 : i1 to i32
        %cond3A_131 = arith.constant 0 : i32
        %cond3A_132 = arith.cmpi ne, %convert_element_type3A_130, %cond3A_131 : i32
        scf.if %cond3A_132 {
          %ge3A = arith.constant 1 : i32
          %ge3A_133 = arith.cmpi sge, %add3A_50, %ge3A : i32
          %convert_element_type3A_134 = arith.extui %ge3A_133 : i1 to i32
          %cond3A_135 = arith.constant 0 : i32
          %cond3A_136 = arith.cmpi ne, %convert_element_type3A_134, %cond3A_135 : i32
          scf.if %cond3A_136 {
            %dma_wait3A_148 = arith.constant 0 : i32
            %dma_wait3A_149 = arith.constant 0 : i32
            %dma_wait3A_150 = tpu.memref_slice %arg17[%dma_wait3A_148, %dma_wait3A_149] : memref<10240x128xf32, #tpu.memory_space<vmem_shared>> -> memref<10240x128xf32, #tpu.memory_space<vmem_shared>>
            tpu.wait_indirect_dma semaphore(%arg24 : memref<!tpu.dma_semaphore, #tpu.memory_space<semaphore_mem>>) src(%arg14 : memref<80x128xf32, #tpu.memory_space<vmem>>) dst(%dma_wait3A_150 : memref<10240x128xf32, #tpu.memory_space<vmem_shared>>)
          } else {
          }
          %add3A_137 = arith.constant 2 : i32
          %add3A_138 = arith.addi %add3A_50, %add3A_137 : i32
          %mul3A_139 = arith.constant 20000 : i32
          %mul3A_140 = arith.muli %arg1, %mul3A_139 : i32
          %mul3A_141 = arith.constant 80 : i32
          %mul3A_142 = arith.muli %add3A_138, %mul3A_141 : i32
          %add3A_143 = arith.addi %mul3A_140, %mul3A_142 : i32
          %dma_start3A_144 = tpu.memref_slice %arg3[%add3A_143] : memref<320000xi32, #tpu.memory_space<hbm>> -> memref<80xi32, #tpu.memory_space<hbm>>
          %dma_start3A_145 = tpu.memref_slice %arg3[%add3A_143] : memref<320000xi32, #tpu.memory_space<hbm>> -> memref<80xi32, #tpu.memory_space<hbm>>
          tpu.enqueue_dma source(%dma_start3A_145 : memref<80xi32, #tpu.memory_space<hbm>>) target(%arg8 : memref<80xi32, #tpu.memory_space<vmem>>) target_semaphore(%arg18 : memref<!tpu.dma_semaphore, #tpu.memory_space<semaphore_mem>>)
          %dma_start3A_146 = tpu.memref_slice %arg4[%add3A_143] : memref<320000xi32, #tpu.memory_space<hbm>> -> memref<80xi32, #tpu.memory_space<hbm>>
          %dma_start3A_147 = tpu.memref_slice %arg4[%add3A_143] : memref<320000xi32, #tpu.memory_space<hbm>> -> memref<80xi32, #tpu.memory_space<hbm>>
          tpu.enqueue_dma source(%dma_start3A_147 : memref<80xi32, #tpu.memory_space<hbm>>) target(%arg9 : memref<80xi32, #tpu.memory_space<vmem>>) target_semaphore(%arg18 : memref<!tpu.dma_semaphore, #tpu.memory_space<semaphore_mem>>)
        } else {
        }
      } else {
      }
      %mul3A_56 = arith.constant 3 : i32
      %mul3A_57 = arith.muli %mul3A_56, %scan3A_38 : i32
      %add3A_58 = arith.constant 2 : i32
      %add3A_59 = arith.addi %mul3A_57, %add3A_58 : i32
      %lt3A_60 = arith.constant 250 : i32
      %lt3A_61 = arith.cmpi slt, %add3A_59, %lt3A_60 : i32
      %convert_element_type3A_62 = arith.extui %lt3A_61 : i1 to i32
      %cond3A_63 = arith.constant 0 : i32
      %cond3A_64 = arith.cmpi ne, %convert_element_type3A_62, %cond3A_63 : i32
      scf.if %cond3A_64 {
        %mul3A_65 = arith.constant 20000 : i32
        %mul3A_66 = arith.muli %arg1, %mul3A_65 : i32
        %mul3A_67 = arith.constant 80 : i32
        %mul3A_68 = arith.muli %add3A_59, %mul3A_67 : i32
        %add3A_69 = arith.addi %mul3A_66, %mul3A_68 : i32
        %dma_wait3A_70 = tpu.memref_slice %arg3[%add3A_69] : memref<320000xi32, #tpu.memory_space<hbm>> -> memref<80xi32, #tpu.memory_space<hbm>>
        %dma_wait3A_71 = tpu.memref_slice %arg3[%add3A_69] : memref<320000xi32, #tpu.memory_space<hbm>> -> memref<80xi32, #tpu.memory_space<hbm>>
        tpu.wait_dma2 semaphore(%arg20 : memref<!tpu.dma_semaphore, #tpu.memory_space<semaphore_mem>>) src(%dma_wait3A_71 : memref<80xi32, #tpu.memory_space<hbm>>) dst(%arg12 : memref<80xi32, #tpu.memory_space<vmem>>)
        %dma_wait3A_72 = tpu.memref_slice %arg4[%add3A_69] : memref<320000xi32, #tpu.memory_space<hbm>> -> memref<80xi32, #tpu.memory_space<hbm>>
        %dma_wait3A_73 = tpu.memref_slice %arg4[%add3A_69] : memref<320000xi32, #tpu.memory_space<hbm>> -> memref<80xi32, #tpu.memory_space<hbm>>
        tpu.wait_dma2 semaphore(%arg20 : memref<!tpu.dma_semaphore, #tpu.memory_space<semaphore_mem>>) src(%dma_wait3A_73 : memref<80xi32, #tpu.memory_space<hbm>>) dst(%arg13 : memref<80xi32, #tpu.memory_space<vmem>>)
        %get3A = arith.constant 0 : index
        %get3A_74 = tpu.vector_load %arg13[%get3A] {strides = array<i32>} : memref<80xi32, #tpu.memory_space<vmem>>, vector<16xi32>,
        %get3A_75 = vector.shape_cast %get3A_74 : vector<16xi32> to vector<16xi32>
        %add3A_76 = vector.broadcast %mul3A_2 : i32 to vector<16xi32>
        %add3A_77 = arith.addi %get3A_75, %add3A_76 : vector<16xi32>
        %swap3A = arith.constant 0 : index
        %swap3A_78 = tpu.vector_load %arg13[%swap3A] {strides = array<i32>} : memref<80xi32, #tpu.memory_space<vmem>>, vector<16xi32>,
        %swap3A_79 = vector.shape_cast %swap3A_78 : vector<16xi32> to vector<16xi32>
        %swap3A_80 = vector.shape_cast %add3A_77 : vector<16xi32> to vector<16xi32>
        tpu.vector_store %arg13[%swap3A], %swap3A_80 {strides = array<i32>} : memref<80xi32, #tpu.memory_space<vmem>>, vector<16xi32>,
        %get3A_81 = arith.constant 16 : index
        %get3A_82 = tpu.vector_load %arg13[%get3A_81] {strides = array<i32>} : memref<80xi32, #tpu.memory_space<vmem>>, vector<16xi32>,
        %get3A_83 = vector.shape_cast %get3A_82 : vector<16xi32> to vector<16xi32>
        %add3A_84 = vector.broadcast %mul3A_2 : i32 to vector<16xi32>
        %add3A_85 = arith.addi %get3A_83, %add3A_84 : vector<16xi32>
        %swap3A_86 = arith.constant 16 : index
        %swap3A_87 = tpu.vector_load %arg13[%swap3A_86] {strides = array<i32>} : memref<80xi32, #tpu.memory_space<vmem>>, vector<16xi32>,
        %swap3A_88 = vector.shape_cast %swap3A_87 : vector<16xi32> to vector<16xi32>
        %swap3A_89 = vector.shape_cast %add3A_85 : vector<16xi32> to vector<16xi32>
        tpu.vector_store %arg13[%swap3A_86], %swap3A_89 {strides = array<i32>} : memref<80xi32, #tpu.memory_space<vmem>>, vector<16xi32>,
        %get3A_90 = arith.constant 32 : index
        %get3A_91 = tpu.vector_load %arg13[%get3A_90] {strides = array<i32>} : memref<80xi32, #tpu.memory_space<vmem>>, vector<16xi32>,
        %get3A_92 = vector.shape_cast %get3A_91 : vector<16xi32> to vector<16xi32>
        %add3A_93 = vector.broadcast %mul3A_2 : i32 to vector<16xi32>
        %add3A_94 = arith.addi %get3A_92, %add3A_93 : vector<16xi32>
        %swap3A_95 = arith.constant 32 : index
        %swap3A_96 = tpu.vector_load %arg13[%swap3A_95] {strides = array<i32>} : memref<80xi32, #tpu.memory_space<vmem>>, vector<16xi32>,
        %swap3A_97 = vector.shape_cast %swap3A_96 : vector<16xi32> to vector<16xi32>
        %swap3A_98 = vector.shape_cast %add3A_94 : vector<16xi32> to vector<16xi32>
        tpu.vector_store %arg13[%swap3A_95], %swap3A_98 {strides = array<i32>} : memref<80xi32, #tpu.memory_space<vmem>>, vector<16xi32>,
        %get3A_99 = arith.constant 48 : index
        %get3A_100 = tpu.vector_load %arg13[%get3A_99] {strides = array<i32>} : memref<80xi32, #tpu.memory_space<vmem>>, vector<16xi32>,
        %get3A_101 = vector.shape_cast %get3A_100 : vector<16xi32> to vector<16xi32>
        %add3A_102 = vector.broadcast %mul3A_2 : i32 to vector<16xi32>
        %add3A_103 = arith.addi %get3A_101, %add3A_102 : vector<16xi32>
        %swap3A_104 = arith.constant 48 : index
        %swap3A_105 = tpu.vector_load %arg13[%swap3A_104] {strides = array<i32>} : memref<80xi32, #tpu.memory_space<vmem>>, vector<16xi32>,
        %swap3A_106 = vector.shape_cast %swap3A_105 : vector<16xi32> to vector<16xi32>
        %swap3A_107 = vector.shape_cast %add3A_103 : vector<16xi32> to vector<16xi32>
        tpu.vector_store %arg13[%swap3A_104], %swap3A_107 {strides = array<i32>} : memref<80xi32, #tpu.memory_space<vmem>>, vector<16xi32>,
        %get3A_108 = arith.constant 64 : index
        %get3A_109 = tpu.vector_load %arg13[%get3A_108] {strides = array<i32>} : memref<80xi32, #tpu.memory_space<vmem>>, vector<16xi32>,
        %get3A_110 = vector.shape_cast %get3A_109 : vector<16xi32> to vector<16xi32>
        %add3A_111 = vector.broadcast %mul3A_2 : i32 to vector<16xi32>
        %add3A_112 = arith.addi %get3A_110, %add3A_111 : vector<16xi32>
        %swap3A_113 = arith.constant 64 : index
        %swap3A_114 = tpu.vector_load %arg13[%swap3A_113] {strides = array<i32>} : memref<80xi32, #tpu.memory_space<vmem>>, vector<16xi32>,
        %swap3A_115 = vector.shape_cast %swap3A_114 : vector<16xi32> to vector<16xi32>
        %swap3A_116 = vector.shape_cast %add3A_112 : vector<16xi32> to vector<16xi32>
        tpu.vector_store %arg13[%swap3A_113], %swap3A_116 {strides = array<i32>} : memref<80xi32, #tpu.memory_space<vmem>>, vector<16xi32>,
        %dma_start3A_117 = arith.constant 0 : i32
        %dma_start3A_118 = arith.constant 0 : i32
        %dma_start3A_119 = tpu.memref_slice %arg2[%dma_start3A_117, %dma_start3A_118] : memref<20480x128xf32, #tpu.memory_space<hbm>> -> memref<20480x128xf32, #tpu.memory_space<hbm>>
        tpu.enqueue_indirect_dma source(%dma_start3A_119 : memref<20480x128xf32, #tpu.memory_space<hbm>>) target(%arg16 : memref<80x128xf32, #tpu.memory_space<vmem>>) offsets(%arg13 : memref<80xi32, #tpu.memory_space<vmem>>) semaphore(%arg23 : memref<!tpu.dma_semaphore, #tpu.memory_space<semaphore_mem>>)
        %dma_wait3A_120 = arith.constant 0 : i32
        %dma_wait3A_121 = arith.constant 0 : i32
        %dma_wait3A_122 = tpu.memref_slice %arg2[%dma_wait3A_120, %dma_wait3A_121] : memref<20480x128xf32, #tpu.memory_space<hbm>> -> memref<20480x128xf32, #tpu.memory_space<hbm>>
        tpu.wait_indirect_dma semaphore(%arg23 : memref<!tpu.dma_semaphore, #tpu.memory_space<semaphore_mem>>) src(%dma_wait3A_122 : memref<20480x128xf32, #tpu.memory_space<hbm>>) dst(%arg16 : memref<80x128xf32, #tpu.memory_space<vmem>>)
        %dma_start3A_123 = arith.constant 0 : i32
        %dma_start3A_124 = arith.constant 0 : i32
        %dma_start3A_125 = tpu.memref_slice %arg17[%dma_start3A_123, %dma_start3A_124] : memref<10240x128xf32, #tpu.memory_space<vmem_shared>> -> memref<10240x128xf32, #tpu.memory_space<vmem_shared>>
        tpu.enqueue_indirect_dma source(%arg16 : memref<80x128xf32, #tpu.memory_space<vmem>>) target(%dma_start3A_125 : memref<10240x128xf32, #tpu.memory_space<vmem_shared>>) offsets(%arg12 : memref<80xi32, #tpu.memory_space<vmem>>) semaphore(%arg26 : memref<!tpu.dma_semaphore, #tpu.memory_space<semaphore_mem>>) {add = true}
        %add3A_126 = arith.constant 2 : i32
        %add3A_127 = arith.addi %add3A_59, %add3A_126 : i32
        %lt3A_128 = arith.constant 250 : i32
        %lt3A_129 = arith.cmpi slt, %add3A_127, %lt3A_128 : i32
        %convert_element_type3A_130 = arith.extui %lt3A_129 : i1 to i32
        %cond3A_131 = arith.constant 0 : i32
        %cond3A_132 = arith.cmpi ne, %convert_element_type3A_130, %cond3A_131 : i32
        scf.if %cond3A_132 {
          %ge3A = arith.constant 1 : i32
          %ge3A_133 = arith.cmpi sge, %add3A_59, %ge3A : i32
          %convert_element_type3A_134 = arith.extui %ge3A_133 : i1 to i32
          %cond3A_135 = arith.constant 0 : i32
          %cond3A_136 = arith.cmpi ne, %convert_element_type3A_134, %cond3A_135 : i32
          scf.if %cond3A_136 {
            %dma_wait3A_148 = arith.constant 0 : i32
            %dma_wait3A_149 = arith.constant 0 : i32
            %dma_wait3A_150 = tpu.memref_slice %arg17[%dma_wait3A_148, %dma_wait3A_149] : memref<10240x128xf32, #tpu.memory_space<vmem_shared>> -> memref<10240x128xf32, #tpu.memory_space<vmem_shared>>
            tpu.wait_indirect_dma semaphore(%arg25 : memref<!tpu.dma_semaphore, #tpu.memory_space<semaphore_mem>>) src(%arg15 : memref<80x128xf32, #tpu.memory_space<vmem>>) dst(%dma_wait3A_150 : memref<10240x128xf32, #tpu.memory_space<vmem_shared>>)
          } else {
          }
          %add3A_137 = arith.constant 2 : i32
          %add3A_138 = arith.addi %add3A_59, %add3A_137 : i32
          %mul3A_139 = arith.constant 20000 : i32
          %mul3A_140 = arith.muli %arg1, %mul3A_139 : i32
          %mul3A_141 = arith.constant 80 : i32
          %mul3A_142 = arith.muli %add3A_138, %mul3A_141 : i32
          %add3A_143 = arith.addi %mul3A_140, %mul3A_142 : i32
          %dma_start3A_144 = tpu.memref_slice %arg3[%add3A_143] : memref<320000xi32, #tpu.memory_space<hbm>> -> memref<80xi32, #tpu.memory_space<hbm>>
          %dma_start3A_145 = tpu.memref_slice %arg3[%add3A_143] : memref<320000xi32, #tpu.memory_space<hbm>> -> memref<80xi32, #tpu.memory_space<hbm>>
          tpu.enqueue_dma source(%dma_start3A_145 : memref<80xi32, #tpu.memory_space<hbm>>) target(%arg10 : memref<80xi32, #tpu.memory_space<vmem>>) target_semaphore(%arg19 : memref<!tpu.dma_semaphore, #tpu.memory_space<semaphore_mem>>)
          %dma_start3A_146 = tpu.memref_slice %arg4[%add3A_143] : memref<320000xi32, #tpu.memory_space<hbm>> -> memref<80xi32, #tpu.memory_space<hbm>>
          %dma_start3A_147 = tpu.memref_slice %arg4[%add3A_143] : memref<320000xi32, #tpu.memory_space<hbm>> -> memref<80xi32, #tpu.memory_space<hbm>>
          tpu.enqueue_dma source(%dma_start3A_147 : memref<80xi32, #tpu.memory_space<hbm>>) target(%arg11 : memref<80xi32, #tpu.memory_space<vmem>>) target_semaphore(%arg19 : memref<!tpu.dma_semaphore, #tpu.memory_space<semaphore_mem>>)
        } else {
        }
      } else {
      }
    }
    %scan3A_21 = arith.constant 84 : i32
    %dma_wait3A = arith.constant 0 : i32
    %dma_wait3A_22 = arith.constant 0 : i32
    %dma_wait3A_23 = tpu.memref_slice %arg17[%dma_wait3A, %dma_wait3A_22] : memref<10240x128xf32, #tpu.memory_space<vmem_shared>> -> memref<10240x128xf32, #tpu.memory_space<vmem_shared>>
    tpu.wait_indirect_dma semaphore(%arg25 : memref<!tpu.dma_semaphore, #tpu.memory_space<semaphore_mem>>) src(%arg15 : memref<80x128xf32, #tpu.memory_space<vmem>>) dst(%dma_wait3A_23 : memref<10240x128xf32, #tpu.memory_space<vmem_shared>>)
    %dma_wait3A_24 = arith.constant 0 : i32
    %dma_wait3A_25 = arith.constant 0 : i32
    %dma_wait3A_26 = tpu.memref_slice %arg17[%dma_wait3A_24, %dma_wait3A_25] : memref<10240x128xf32, #tpu.memory_space<vmem_shared>> -> memref<10240x128xf32, #tpu.memory_space<vmem_shared>>
    tpu.wait_indirect_dma semaphore(%arg26 : memref<!tpu.dma_semaphore, #tpu.memory_space<semaphore_mem>>) src(%arg16 : memref<80x128xf32, #tpu.memory_space<vmem>>) dst(%dma_wait3A_26 : memref<10240x128xf32, #tpu.memory_space<vmem_shared>>)
    %dma_wait3A_27 = arith.constant 0 : i32
    %dma_wait3A_28 = arith.constant 0 : i32
    %dma_wait3A_29 = tpu.memref_slice %arg17[%dma_wait3A_27, %dma_wait3A_28] : memref<10240x128xf32, #tpu.memory_space<vmem_shared>> -> memref<10240x128xf32, #tpu.memory_space<vmem_shared>>
    tpu.wait_indirect_dma semaphore(%arg24 : memref<!tpu.dma_semaphore, #tpu.memory_space<semaphore_mem>>) src(%arg14 : memref<80x128xf32, #tpu.memory_space<vmem>>) dst(%dma_wait3A_29 : memref<10240x128xf32, #tpu.memory_space<vmem_shared>>)
    %barrier3A_30 = arith.constant 0 : index
    tpu.barrier barrier_id(%barrier3A_30)
    %eq3A = arith.constant 0 : i32
    %eq3A_31 = arith.cmpi eq, %arg0, %eq3A : i32
    %convert_element_type3A = arith.extui %eq3A_31 : i1 to i32
    %cond3A = arith.constant 0 : i32
    %cond3A_32 = arith.cmpi ne, %convert_element_type3A, %cond3A : i32
    scf.if %cond3A_32 {
      %mul3A_38 = arith.constant 640 : i32
      %mul3A_39 = arith.muli %arg1, %mul3A_38 : i32
      %mul3A_40 = arith.constant 640 : i32
      %mul3A_41 = arith.muli %arg1, %mul3A_40 : i32
      "tpu.region"() ({
        %run_scoped3A = tpu.sem_alloc : memref<!tpu.dma_semaphore, #tpu.memory_space<semaphore_mem>>
        %dma_start3A_42 = arith.constant 0 : i32
        %dma_start3A_43 = tpu.memref_slice %arg6[%mul3A_41, %dma_start3A_42] : memref<10240x128xf32, #tpu.memory_space<hbm>> -> memref<640x128xf32, #tpu.memory_space<hbm>>
        %dma_start3A_44 = arith.constant 0 : i32
        %dma_start3A_45 = tpu.memref_slice %arg17[%mul3A_39, %dma_start3A_44] : memref<10240x128xf32, #tpu.memory_space<vmem_shared>> -> memref<640x128xf32, #tpu.memory_space<vmem_shared>>
        tpu.enqueue_dma source(%dma_start3A_45 : memref<640x128xf32, #tpu.memory_space<vmem_shared>>) target(%dma_start3A_43 : memref<640x128xf32, #tpu.memory_space<hbm>>) target_semaphore(%run_scoped3A : memref<!tpu.dma_semaphore, #tpu.memory_space<semaphore_mem>>)
        %dma_wait3A_46 = arith.constant 0 : i32
        %dma_wait3A_47 = tpu.memref_slice %arg6[%mul3A_41, %dma_wait3A_46] : memref<10240x128xf32, #tpu.memory_space<hbm>> -> memref<640x128xf32, #tpu.memory_space<hbm>>
        %dma_wait3A_48 = arith.constant 0 : i32
        %dma_wait3A_49 = tpu.memref_slice %arg17[%mul3A_39, %dma_wait3A_48] : memref<10240x128xf32, #tpu.memory_space<vmem_shared>> -> memref<640x128xf32, #tpu.memory_space<vmem_shared>>
        tpu.wait_dma2 semaphore(%run_scoped3A : memref<!tpu.dma_semaphore, #tpu.memory_space<semaphore_mem>>) src(%dma_wait3A_49 : memref<640x128xf32, #tpu.memory_space<vmem_shared>>) dst(%dma_wait3A_47 : memref<640x128xf32, #tpu.memory_space<hbm>>)
        tpu.yield
      }) : () -> ()
    } else {
    }
    %eq3A_33 = arith.constant 1 : i32
    %eq3A_34 = arith.cmpi eq, %arg0, %eq3A_33 : i32
    %convert_element_type3A_35 = arith.extui %eq3A_34 : i1 to i32
    %cond3A_36 = arith.constant 0 : i32
    %cond3A_37 = arith.cmpi ne, %convert_element_type3A_35, %cond3A_36 : i32
    scf.if %cond3A_37 {
      %mul3A_38 = arith.constant 640 : i32
      %mul3A_39 = arith.muli %arg1, %mul3A_38 : i32
      %mul3A_40 = arith.constant 640 : i32
      %mul3A_41 = arith.muli %arg1, %mul3A_40 : i32
      "tpu.region"() ({
        %run_scoped3A = tpu.sem_alloc : memref<!tpu.dma_semaphore, #tpu.memory_space<semaphore_mem>>
        %dma_start3A_42 = arith.constant 0 : i32
        %dma_start3A_43 = tpu.memref_slice %arg7[%mul3A_41, %dma_start3A_42] : memref<10240x128xf32, #tpu.memory_space<hbm>> -> memref<640x128xf32, #tpu.memory_space<hbm>>
        %dma_start3A_44 = arith.constant 0 : i32
        %dma_start3A_45 = tpu.memref_slice %arg17[%mul3A_39, %dma_start3A_44] : memref<10240x128xf32, #tpu.memory_space<vmem_shared>> -> memref<640x128xf32, #tpu.memory_space<vmem_shared>>
        tpu.enqueue_dma source(%dma_start3A_45 : memref<640x128xf32, #tpu.memory_space<vmem_shared>>) target(%dma_start3A_43 : memref<640x128xf32, #tpu.memory_space<hbm>>) target_semaphore(%run_scoped3A : memref<!tpu.dma_semaphore, #tpu.memory_space<semaphore_mem>>)
        %dma_wait3A_46 = arith.constant 0 : i32
        %dma_wait3A_47 = tpu.memref_slice %arg7[%mul3A_41, %dma_wait3A_46] : memref<10240x128xf32, #tpu.memory_space<hbm>> -> memref<640x128xf32, #tpu.memory_space<hbm>>
        %dma_wait3A_48 = arith.constant 0 : i32
        %dma_wait3A_49 = tpu.memref_slice %arg17[%mul3A_39, %dma_wait3A_48] : memref<10240x128xf32, #tpu.memory_space<vmem_shared>> -> memref<640x128xf32, #tpu.memory_space<vmem_shared>>
        tpu.wait_dma2 semaphore(%run_scoped3A : memref<!tpu.dma_semaphore, #tpu.memory_space<semaphore_mem>>) src(%dma_wait3A_49 : memref<640x128xf32, #tpu.memory_space<vmem_shared>>) dst(%dma_wait3A_47 : memref<640x128xf32, #tpu.memory_space<hbm>>)
        tpu.yield
      }) : () -> ()
    } else {
    }
    return
  }
}

#map = affine_map<(d0, d1) -> (0, 0)>
#map1 = affine_map<(d0, d1) -> (0)>
module attributes {stable_mosaic.version = 14 : i64} {
  func.func @_k1_body(%arg0: i32, %arg1: i32, %arg2: memref<320000x128xf32, #tpu.memory_space<hbm>>, %arg3: memref<640000xi32, #tpu.memory_space<hbm>>, %arg4: memref<640x128xf32, #tpu.memory_space<hbm>>, %arg5: memref<10240x128xf32, #tpu.memory_space<hbm>>, %arg6: memref<10240x128xf32, #tpu.memory_space<hbm>>, %arg7: memref<80xi32, #tpu.memory_space<vmem>>, %arg8: memref<80xi32, #tpu.memory_space<vmem>>, %arg9: memref<80x128xf32, #tpu.memory_space<vmem>>, %arg10: memref<80x128xf32, #tpu.memory_space<vmem>>, %arg11: memref<10240x128xf32, #tpu.memory_space<vmem_shared>>, %arg12: memref<!tpu.dma_semaphore, #tpu.memory_space<semaphore_mem>>, %arg13: memref<!tpu.dma_semaphore, #tpu.memory_space<semaphore_mem>>, %arg14: memref<!tpu.dma_semaphore, #tpu.memory_space<semaphore_mem>>, %arg15: memref<!tpu.dma_semaphore, #tpu.memory_space<semaphore_mem>>) attributes {dimension_semantics = [#tpu.dimension_semantics<core_parallel>, #tpu.dimension_semantics<subcore_parallel>], iteration_bounds = array<i64: 2, 16>, scalar_prefetch = 0 : i64, scratch_operands = 9 : i64, tpu.core_type = #tpu.core_type<sc_vector_subcore>, window_params = [{transform_indices = #map}, {transform_indices = #map1}, {transform_indices = #map}, {transform_indices = #map}, {transform_indices = #map}]} {
    %mul3A = arith.constant 640 : i32
    %mul3A_0 = arith.muli %arg1, %mul3A : i32
    "tpu.region"() ({
      %run_scoped3A = tpu.sem_alloc : memref<!tpu.dma_semaphore, #tpu.memory_space<semaphore_mem>>
      %dma_start3A_25 = arith.constant 0 : i32
      %dma_start3A_26 = tpu.memref_slice %arg11[%mul3A_0, %dma_start3A_25] : memref<10240x128xf32, #tpu.memory_space<vmem_shared>> -> memref<640x128xf32, #tpu.memory_space<vmem_shared>>
      tpu.enqueue_dma source(%arg4 : memref<640x128xf32, #tpu.memory_space<hbm>>) target(%dma_start3A_26 : memref<640x128xf32, #tpu.memory_space<vmem_shared>>) target_semaphore(%run_scoped3A : memref<!tpu.dma_semaphore, #tpu.memory_space<semaphore_mem>>)
      %dma_wait3A = arith.constant 0 : i32
      %dma_wait3A_27 = tpu.memref_slice %arg11[%mul3A_0, %dma_wait3A] : memref<10240x128xf32, #tpu.memory_space<vmem_shared>> -> memref<640x128xf32, #tpu.memory_space<vmem_shared>>
      tpu.wait_dma2 semaphore(%run_scoped3A : memref<!tpu.dma_semaphore, #tpu.memory_space<semaphore_mem>>) src(%arg4 : memref<640x128xf32, #tpu.memory_space<hbm>>) dst(%dma_wait3A_27 : memref<640x128xf32, #tpu.memory_space<vmem_shared>>)
      tpu.yield
    }) : () -> ()
    %barrier3A = arith.constant 0 : index
    tpu.barrier barrier_id(%barrier3A)
    %mul3A_1 = arith.constant 320000 : i32
    %mul3A_2 = arith.muli %arg0, %mul3A_1 : i32
    %mul3A_3 = arith.constant 20000 : i32
    %mul3A_4 = arith.muli %arg1, %mul3A_3 : i32
    %add3A = arith.constant 0 : i32
    %add3A_5 = arith.addi %mul3A_4, %add3A : i32
    %add3A_6 = arith.addi %mul3A_2, %add3A_5 : i32
    %dma_start3A = tpu.memref_slice %arg3[%add3A_6] : memref<640000xi32, #tpu.memory_space<hbm>> -> memref<80xi32, #tpu.memory_space<hbm>>
    %dma_start3A_7 = tpu.memref_slice %arg3[%add3A_6] : memref<640000xi32, #tpu.memory_space<hbm>> -> memref<80xi32, #tpu.memory_space<hbm>>
    tpu.enqueue_dma source(%dma_start3A_7 : memref<80xi32, #tpu.memory_space<hbm>>) target(%arg7 : memref<80xi32, #tpu.memory_space<vmem>>) target_semaphore(%arg12 : memref<!tpu.dma_semaphore, #tpu.memory_space<semaphore_mem>>)
    %dma_start3A_8 = arith.constant 0 : i32
    %dma_start3A_9 = tpu.memref_slice %arg2[%add3A_5, %dma_start3A_8] : memref<320000x128xf32, #tpu.memory_space<hbm>> -> memref<80x128xf32, #tpu.memory_space<hbm>>
    %dma_start3A_10 = arith.constant 0 : i32
    %dma_start3A_11 = tpu.memref_slice %arg2[%add3A_5, %dma_start3A_10] : memref<320000x128xf32, #tpu.memory_space<hbm>> -> memref<80x128xf32, #tpu.memory_space<hbm>>
    tpu.enqueue_dma source(%dma_start3A_11 : memref<80x128xf32, #tpu.memory_space<hbm>>) target(%arg9 : memref<80x128xf32, #tpu.memory_space<vmem>>) target_semaphore(%arg14 : memref<!tpu.dma_semaphore, #tpu.memory_space<semaphore_mem>>)
    %scan3A = arith.constant 0 : i32
    %scan3A_12 = arith.constant 0 : i32
    %scan3A_13 = arith.constant 125 : i32
    %scan3A_14 = arith.addi %scan3A_12, %scan3A_13 : i32
    %scan3A_15 = arith.constant 1 : i32
    scf.for %scan3A_25 = %scan3A_12 to %scan3A_14 step %scan3A_15  : i32 {
      %mul3A_26 = arith.constant 2 : i32
      %mul3A_27 = arith.muli %mul3A_26, %scan3A_25 : i32
      %add3A_28 = arith.constant 0 : i32
      %add3A_29 = arith.addi %mul3A_27, %add3A_28 : i32
      %add3A_30 = arith.constant 1 : i32
      %add3A_31 = arith.addi %add3A_29, %add3A_30 : i32
      %lt3A = arith.constant 250 : i32
      %lt3A_32 = arith.cmpi slt, %add3A_31, %lt3A : i32
      %convert_element_type3A_33 = arith.extui %lt3A_32 : i1 to i32
      %cond3A_34 = arith.constant 0 : i32
      %cond3A_35 = arith.cmpi ne, %convert_element_type3A_33, %cond3A_34 : i32
      scf.if %cond3A_35 {
        %add3A_70 = arith.constant 1 : i32
        %add3A_71 = arith.addi %add3A_29, %add3A_70 : i32
        %mul3A_72 = arith.constant 20000 : i32
        %mul3A_73 = arith.muli %arg1, %mul3A_72 : i32
        %mul3A_74 = arith.constant 80 : i32
        %mul3A_75 = arith.muli %add3A_71, %mul3A_74 : i32
        %add3A_76 = arith.addi %mul3A_73, %mul3A_75 : i32
        %add3A_77 = arith.addi %mul3A_2, %add3A_76 : i32
        %dma_start3A_78 = tpu.memref_slice %arg3[%add3A_77] : memref<640000xi32, #tpu.memory_space<hbm>> -> memref<80xi32, #tpu.memory_space<hbm>>
        %dma_start3A_79 = tpu.memref_slice %arg3[%add3A_77] : memref<640000xi32, #tpu.memory_space<hbm>> -> memref<80xi32, #tpu.memory_space<hbm>>
        tpu.enqueue_dma source(%dma_start3A_79 : memref<80xi32, #tpu.memory_space<hbm>>) target(%arg8 : memref<80xi32, #tpu.memory_space<vmem>>) target_semaphore(%arg13 : memref<!tpu.dma_semaphore, #tpu.memory_space<semaphore_mem>>)
        %dma_start3A_80 = arith.constant 0 : i32
        %dma_start3A_81 = tpu.memref_slice %arg2[%add3A_76, %dma_start3A_80] : memref<320000x128xf32, #tpu.memory_space<hbm>> -> memref<80x128xf32, #tpu.memory_space<hbm>>
        %dma_start3A_82 = arith.constant 0 : i32
        %dma_start3A_83 = tpu.memref_slice %arg2[%add3A_76, %dma_start3A_82] : memref<320000x128xf32, #tpu.memory_space<hbm>> -> memref<80x128xf32, #tpu.memory_space<hbm>>
        tpu.enqueue_dma source(%dma_start3A_83 : memref<80x128xf32, #tpu.memory_space<hbm>>) target(%arg10 : memref<80x128xf32, #tpu.memory_space<vmem>>) target_semaphore(%arg15 : memref<!tpu.dma_semaphore, #tpu.memory_space<semaphore_mem>>)
      } else {
      }
      %mul3A_36 = arith.constant 20000 : i32
      %mul3A_37 = arith.muli %arg1, %mul3A_36 : i32
      %mul3A_38 = arith.constant 80 : i32
      %mul3A_39 = arith.muli %add3A_29, %mul3A_38 : i32
      %add3A_40 = arith.addi %mul3A_37, %mul3A_39 : i32
      %add3A_41 = arith.addi %mul3A_2, %add3A_40 : i32
      %dma_wait3A = tpu.memref_slice %arg3[%add3A_41] : memref<640000xi32, #tpu.memory_space<hbm>> -> memref<80xi32, #tpu.memory_space<hbm>>
      %dma_wait3A_42 = tpu.memref_slice %arg3[%add3A_41] : memref<640000xi32, #tpu.memory_space<hbm>> -> memref<80xi32, #tpu.memory_space<hbm>>
      tpu.wait_dma2 semaphore(%arg12 : memref<!tpu.dma_semaphore, #tpu.memory_space<semaphore_mem>>) src(%dma_wait3A_42 : memref<80xi32, #tpu.memory_space<hbm>>) dst(%arg7 : memref<80xi32, #tpu.memory_space<vmem>>)
      %dma_wait3A_43 = arith.constant 0 : i32
      %dma_wait3A_44 = tpu.memref_slice %arg2[%add3A_40, %dma_wait3A_43] : memref<320000x128xf32, #tpu.memory_space<hbm>> -> memref<80x128xf32, #tpu.memory_space<hbm>>
      %dma_wait3A_45 = arith.constant 0 : i32
      %dma_wait3A_46 = tpu.memref_slice %arg2[%add3A_40, %dma_wait3A_45] : memref<320000x128xf32, #tpu.memory_space<hbm>> -> memref<80x128xf32, #tpu.memory_space<hbm>>
      tpu.wait_dma2 semaphore(%arg14 : memref<!tpu.dma_semaphore, #tpu.memory_space<semaphore_mem>>) src(%dma_wait3A_46 : memref<80x128xf32, #tpu.memory_space<hbm>>) dst(%arg9 : memref<80x128xf32, #tpu.memory_space<vmem>>)
      "tpu.region"() ({
        %run_scoped3A = tpu.sem_alloc : memref<!tpu.dma_semaphore, #tpu.memory_space<semaphore_mem>>
        %dma_start3A_70 = arith.constant 0 : i32
        %dma_start3A_71 = arith.constant 0 : i32
        %dma_start3A_72 = tpu.memref_slice %arg11[%dma_start3A_70, %dma_start3A_71] : memref<10240x128xf32, #tpu.memory_space<vmem_shared>> -> memref<10240x128xf32, #tpu.memory_space<vmem_shared>>
        tpu.enqueue_indirect_dma source(%arg9 : memref<80x128xf32, #tpu.memory_space<vmem>>) target(%dma_start3A_72 : memref<10240x128xf32, #tpu.memory_space<vmem_shared>>) offsets(%arg7 : memref<80xi32, #tpu.memory_space<vmem>>) semaphore(%run_scoped3A : memref<!tpu.dma_semaphore, #tpu.memory_space<semaphore_mem>>) {add = true}
        %dma_wait3A_73 = arith.constant 0 : i32
        %dma_wait3A_74 = arith.constant 0 : i32
        %dma_wait3A_75 = tpu.memref_slice %arg11[%dma_wait3A_73, %dma_wait3A_74] : memref<10240x128xf32, #tpu.memory_space<vmem_shared>> -> memref<10240x128xf32, #tpu.memory_space<vmem_shared>>
        tpu.wait_indirect_dma semaphore(%run_scoped3A : memref<!tpu.dma_semaphore, #tpu.memory_space<semaphore_mem>>) src(%arg9 : memref<80x128xf32, #tpu.memory_space<vmem>>) dst(%dma_wait3A_75 : memref<10240x128xf32, #tpu.memory_space<vmem_shared>>)
        tpu.yield
      }) : () -> ()
      %mul3A_47 = arith.constant 2 : i32
      %mul3A_48 = arith.muli %mul3A_47, %scan3A_25 : i32
      %add3A_49 = arith.constant 1 : i32
      %add3A_50 = arith.addi %mul3A_48, %add3A_49 : i32
      %add3A_51 = arith.constant 1 : i32
      %add3A_52 = arith.addi %add3A_50, %add3A_51 : i32
      %lt3A_53 = arith.constant 250 : i32
      %lt3A_54 = arith.cmpi slt, %add3A_52, %lt3A_53 : i32
      %convert_element_type3A_55 = arith.extui %lt3A_54 : i1 to i32
      %cond3A_56 = arith.constant 0 : i32
      %cond3A_57 = arith.cmpi ne, %convert_element_type3A_55, %cond3A_56 : i32
      scf.if %cond3A_57 {
        %add3A_70 = arith.constant 1 : i32
        %add3A_71 = arith.addi %add3A_50, %add3A_70 : i32
        %mul3A_72 = arith.constant 20000 : i32
        %mul3A_73 = arith.muli %arg1, %mul3A_72 : i32
        %mul3A_74 = arith.constant 80 : i32
        %mul3A_75 = arith.muli %add3A_71, %mul3A_74 : i32
        %add3A_76 = arith.addi %mul3A_73, %mul3A_75 : i32
        %add3A_77 = arith.addi %mul3A_2, %add3A_76 : i32
        %dma_start3A_78 = tpu.memref_slice %arg3[%add3A_77] : memref<640000xi32, #tpu.memory_space<hbm>> -> memref<80xi32, #tpu.memory_space<hbm>>
        %dma_start3A_79 = tpu.memref_slice %arg3[%add3A_77] : memref<640000xi32, #tpu.memory_space<hbm>> -> memref<80xi32, #tpu.memory_space<hbm>>
        tpu.enqueue_dma source(%dma_start3A_79 : memref<80xi32, #tpu.memory_space<hbm>>) target(%arg7 : memref<80xi32, #tpu.memory_space<vmem>>) target_semaphore(%arg12 : memref<!tpu.dma_semaphore, #tpu.memory_space<semaphore_mem>>)
        %dma_start3A_80 = arith.constant 0 : i32
        %dma_start3A_81 = tpu.memref_slice %arg2[%add3A_76, %dma_start3A_80] : memref<320000x128xf32, #tpu.memory_space<hbm>> -> memref<80x128xf32, #tpu.memory_space<hbm>>
        %dma_start3A_82 = arith.constant 0 : i32
        %dma_start3A_83 = tpu.memref_slice %arg2[%add3A_76, %dma_start3A_82] : memref<320000x128xf32, #tpu.memory_space<hbm>> -> memref<80x128xf32, #tpu.memory_space<hbm>>
        tpu.enqueue_dma source(%dma_start3A_83 : memref<80x128xf32, #tpu.memory_space<hbm>>) target(%arg9 : memref<80x128xf32, #tpu.memory_space<vmem>>) target_semaphore(%arg14 : memref<!tpu.dma_semaphore, #tpu.memory_space<semaphore_mem>>)
      } else {
      }
      %mul3A_58 = arith.constant 20000 : i32
      %mul3A_59 = arith.muli %arg1, %mul3A_58 : i32
      %mul3A_60 = arith.constant 80 : i32
      %mul3A_61 = arith.muli %add3A_50, %mul3A_60 : i32
      %add3A_62 = arith.addi %mul3A_59, %mul3A_61 : i32
      %add3A_63 = arith.addi %mul3A_2, %add3A_62 : i32
      %dma_wait3A_64 = tpu.memref_slice %arg3[%add3A_63] : memref<640000xi32, #tpu.memory_space<hbm>> -> memref<80xi32, #tpu.memory_space<hbm>>
      %dma_wait3A_65 = tpu.memref_slice %arg3[%add3A_63] : memref<640000xi32, #tpu.memory_space<hbm>> -> memref<80xi32, #tpu.memory_space<hbm>>
      tpu.wait_dma2 semaphore(%arg13 : memref<!tpu.dma_semaphore, #tpu.memory_space<semaphore_mem>>) src(%dma_wait3A_65 : memref<80xi32, #tpu.memory_space<hbm>>) dst(%arg8 : memref<80xi32, #tpu.memory_space<vmem>>)
      %dma_wait3A_66 = arith.constant 0 : i32
      %dma_wait3A_67 = tpu.memref_slice %arg2[%add3A_62, %dma_wait3A_66] : memref<320000x128xf32, #tpu.memory_space<hbm>> -> memref<80x128xf32, #tpu.memory_space<hbm>>
      %dma_wait3A_68 = arith.constant 0 : i32
      %dma_wait3A_69 = tpu.memref_slice %arg2[%add3A_62, %dma_wait3A_68] : memref<320000x128xf32, #tpu.memory_space<hbm>> -> memref<80x128xf32, #tpu.memory_space<hbm>>
      tpu.wait_dma2 semaphore(%arg15 : memref<!tpu.dma_semaphore, #tpu.memory_space<semaphore_mem>>) src(%dma_wait3A_69 : memref<80x128xf32, #tpu.memory_space<hbm>>) dst(%arg10 : memref<80x128xf32, #tpu.memory_space<vmem>>)
      "tpu.region"() ({
        %run_scoped3A = tpu.sem_alloc : memref<!tpu.dma_semaphore, #tpu.memory_space<semaphore_mem>>
        %dma_start3A_70 = arith.constant 0 : i32
        %dma_start3A_71 = arith.constant 0 : i32
        %dma_start3A_72 = tpu.memref_slice %arg11[%dma_start3A_70, %dma_start3A_71] : memref<10240x128xf32, #tpu.memory_space<vmem_shared>> -> memref<10240x128xf32, #tpu.memory_space<vmem_shared>>
        tpu.enqueue_indirect_dma source(%arg10 : memref<80x128xf32, #tpu.memory_space<vmem>>) target(%dma_start3A_72 : memref<10240x128xf32, #tpu.memory_space<vmem_shared>>) offsets(%arg8 : memref<80xi32, #tpu.memory_space<vmem>>) semaphore(%run_scoped3A : memref<!tpu.dma_semaphore, #tpu.memory_space<semaphore_mem>>) {add = true}
        %dma_wait3A_73 = arith.constant 0 : i32
        %dma_wait3A_74 = arith.constant 0 : i32
        %dma_wait3A_75 = tpu.memref_slice %arg11[%dma_wait3A_73, %dma_wait3A_74] : memref<10240x128xf32, #tpu.memory_space<vmem_shared>> -> memref<10240x128xf32, #tpu.memory_space<vmem_shared>>
        tpu.wait_indirect_dma semaphore(%run_scoped3A : memref<!tpu.dma_semaphore, #tpu.memory_space<semaphore_mem>>) src(%arg10 : memref<80x128xf32, #tpu.memory_space<vmem>>) dst(%dma_wait3A_75 : memref<10240x128xf32, #tpu.memory_space<vmem_shared>>)
        tpu.yield
      }) : () -> ()
    }
    %scan3A_16 = arith.constant 125 : i32
    %barrier3A_17 = arith.constant 0 : index
    tpu.barrier barrier_id(%barrier3A_17)
    %eq3A = arith.constant 0 : i32
    %eq3A_18 = arith.cmpi eq, %arg0, %eq3A : i32
    %convert_element_type3A = arith.extui %eq3A_18 : i1 to i32
    %cond3A = arith.constant 0 : i32
    %cond3A_19 = arith.cmpi ne, %convert_element_type3A, %cond3A : i32
    scf.if %cond3A_19 {
      %mul3A_25 = arith.constant 640 : i32
      %mul3A_26 = arith.muli %arg1, %mul3A_25 : i32
      %mul3A_27 = arith.constant 640 : i32
      %mul3A_28 = arith.muli %arg1, %mul3A_27 : i32
      "tpu.region"() ({
        %run_scoped3A = tpu.sem_alloc : memref<!tpu.dma_semaphore, #tpu.memory_space<semaphore_mem>>
        %dma_start3A_29 = arith.constant 0 : i32
        %dma_start3A_30 = tpu.memref_slice %arg5[%mul3A_28, %dma_start3A_29] : memref<10240x128xf32, #tpu.memory_space<hbm>> -> memref<640x128xf32, #tpu.memory_space<hbm>>
        %dma_start3A_31 = arith.constant 0 : i32
        %dma_start3A_32 = tpu.memref_slice %arg11[%mul3A_26, %dma_start3A_31] : memref<10240x128xf32, #tpu.memory_space<vmem_shared>> -> memref<640x128xf32, #tpu.memory_space<vmem_shared>>
        tpu.enqueue_dma source(%dma_start3A_32 : memref<640x128xf32, #tpu.memory_space<vmem_shared>>) target(%dma_start3A_30 : memref<640x128xf32, #tpu.memory_space<hbm>>) target_semaphore(%run_scoped3A : memref<!tpu.dma_semaphore, #tpu.memory_space<semaphore_mem>>)
        %dma_wait3A = arith.constant 0 : i32
        %dma_wait3A_33 = tpu.memref_slice %arg5[%mul3A_28, %dma_wait3A] : memref<10240x128xf32, #tpu.memory_space<hbm>> -> memref<640x128xf32, #tpu.memory_space<hbm>>
        %dma_wait3A_34 = arith.constant 0 : i32
        %dma_wait3A_35 = tpu.memref_slice %arg11[%mul3A_26, %dma_wait3A_34] : memref<10240x128xf32, #tpu.memory_space<vmem_shared>> -> memref<640x128xf32, #tpu.memory_space<vmem_shared>>
        tpu.wait_dma2 semaphore(%run_scoped3A : memref<!tpu.dma_semaphore, #tpu.memory_space<semaphore_mem>>) src(%dma_wait3A_35 : memref<640x128xf32, #tpu.memory_space<vmem_shared>>) dst(%dma_wait3A_33 : memref<640x128xf32, #tpu.memory_space<hbm>>)
        tpu.yield
      }) : () -> ()
    } else {
    }
    %eq3A_20 = arith.constant 1 : i32
    %eq3A_21 = arith.cmpi eq, %arg0, %eq3A_20 : i32
    %convert_element_type3A_22 = arith.extui %eq3A_21 : i1 to i32
    %cond3A_23 = arith.constant 0 : i32
    %cond3A_24 = arith.cmpi ne, %convert_element_type3A_22, %cond3A_23 : i32
    scf.if %cond3A_24 {
      %mul3A_25 = arith.constant 640 : i32
      %mul3A_26 = arith.muli %arg1, %mul3A_25 : i32
      %mul3A_27 = arith.constant 640 : i32
      %mul3A_28 = arith.muli %arg1, %mul3A_27 : i32
      "tpu.region"() ({
        %run_scoped3A = tpu.sem_alloc : memref<!tpu.dma_semaphore, #tpu.memory_space<semaphore_mem>>
        %dma_start3A_29 = arith.constant 0 : i32
        %dma_start3A_30 = tpu.memref_slice %arg6[%mul3A_28, %dma_start3A_29] : memref<10240x128xf32, #tpu.memory_space<hbm>> -> memref<640x128xf32, #tpu.memory_space<hbm>>
        %dma_start3A_31 = arith.constant 0 : i32
        %dma_start3A_32 = tpu.memref_slice %arg11[%mul3A_26, %dma_start3A_31] : memref<10240x128xf32, #tpu.memory_space<vmem_shared>> -> memref<640x128xf32, #tpu.memory_space<vmem_shared>>
        tpu.enqueue_dma source(%dma_start3A_32 : memref<640x128xf32, #tpu.memory_space<vmem_shared>>) target(%dma_start3A_30 : memref<640x128xf32, #tpu.memory_space<hbm>>) target_semaphore(%run_scoped3A : memref<!tpu.dma_semaphore, #tpu.memory_space<semaphore_mem>>)
        %dma_wait3A = arith.constant 0 : i32
        %dma_wait3A_33 = tpu.memref_slice %arg6[%mul3A_28, %dma_wait3A] : memref<10240x128xf32, #tpu.memory_space<hbm>> -> memref<640x128xf32, #tpu.memory_space<hbm>>
        %dma_wait3A_34 = arith.constant 0 : i32
        %dma_wait3A_35 = tpu.memref_slice %arg11[%mul3A_26, %dma_wait3A_34] : memref<10240x128xf32, #tpu.memory_space<vmem_shared>> -> memref<640x128xf32, #tpu.memory_space<vmem_shared>>
        tpu.wait_dma2 semaphore(%run_scoped3A : memref<!tpu.dma_semaphore, #tpu.memory_space<semaphore_mem>>) src(%dma_wait3A_35 : memref<640x128xf32, #tpu.memory_space<vmem_shared>>) dst(%dma_wait3A_33 : memref<640x128xf32, #tpu.memory_space<hbm>>)
        tpu.yield
      }) : () -> ()
    } else {
    }
    return
  }
}

module attributes {stable_mosaic.version = 14 : i64} {
  func.func @_feat_body(%arg0: i32, %arg1: memref<1000x128xf32, #tpu.memory_space<vmem>>, %arg2: memref<1000x128xf32, #tpu.memory_space<vmem>>, %arg3: memref<1000x128xf32, #tpu.memory_space<vmem>>, %arg4: memref<1000x128xf32, #tpu.memory_space<vmem>>, %arg5: memref<1000x128xf32, #tpu.memory_space<vmem>>, %arg6: memref<1000x128xf32, #tpu.memory_space<vmem>>, %arg7: memref<1000x128xf32, #tpu.memory_space<vmem>>, %arg8: memref<896x256xf32, #tpu.memory_space<vmem>>, %arg9: memref<1000x128xi32, #tpu.memory_space<vmem>>, %arg10: memref<1000x128xi32, #tpu.memory_space<vmem>>, %arg11: memref<1000x896xf32, #tpu.memory_space<vmem>>) attributes {dimension_semantics = [#tpu.dimension_semantics<arbitrary>], iteration_bounds = array<i64: 10>, scalar_prefetch = 0 : i64, scratch_operands = 0 : i64, tpu.core_type = #tpu.core_type<tc>, window_params = [{transform_indices = @transform_0, window_bounds = array<i64: 1000, 128>}, {transform_indices = @transform_1, window_bounds = array<i64: 1000, 128>}, {transform_indices = @transform_2, window_bounds = array<i64: 1000, 128>}, {transform_indices = @transform_3, window_bounds = array<i64: 1000, 128>}, {transform_indices = @transform_4, window_bounds = array<i64: 1000, 128>}, {transform_indices = @transform_5, window_bounds = array<i64: 1000, 128>}, {transform_indices = @transform_6, window_bounds = array<i64: 1000, 128>}, {pipeline_mode = #tpu.pipeline_mode<synchronous>, transform_indices = @transform_7, window_bounds = array<i64: 896, 256>}, {transform_indices = @transform_8, window_bounds = array<i64: 1000, 128>}, {transform_indices = @transform_9, window_bounds = array<i64: 1000, 128>}, {transform_indices = @transform_10, window_bounds = array<i64: 1000, 896>}]} {
    %get3A = arith.constant 0 : index
    %get3A_0 = arith.constant 0 : index
    %get3A_1 = vector.load %arg8[%get3A, %get3A_0] : memref<896x256xf32, #tpu.memory_space<vmem>>, vector<896x256xf32>
    %slice3A = vector.extract_strided_slice %get3A_1 {offsets = [128, 0], sizes = [128, 256], strides = [1, 1]} : vector<896x256xf32> to vector<128x256xf32>
    %slice3A_2 = vector.extract_strided_slice %get3A_1 {offsets = [256, 0], sizes = [128, 256], strides = [1, 1]} : vector<896x256xf32> to vector<128x256xf32>
    %slice3A_3 = vector.extract_strided_slice %get3A_1 {offsets = [384, 0], sizes = [128, 256], strides = [1, 1]} : vector<896x256xf32> to vector<128x256xf32>
    %slice3A_4 = vector.extract_strided_slice %get3A_1 {offsets = [512, 0], sizes = [128, 256], strides = [1, 1]} : vector<896x256xf32> to vector<128x256xf32>
    %slice3A_5 = vector.extract_strided_slice %get3A_1 {offsets = [640, 0], sizes = [128, 256], strides = [1, 1]} : vector<896x256xf32> to vector<128x256xf32>
    %slice3A_6 = vector.extract_strided_slice %get3A_1 {offsets = [768, 0], sizes = [128, 256], strides = [1, 1]} : vector<896x256xf32> to vector<128x256xf32>
    %add3A = arith.addf %slice3A, %slice3A_2 : vector<128x256xf32>
    %add3A_7 = arith.addf %add3A, %slice3A_3 : vector<128x256xf32>
    %add3A_8 = arith.addf %add3A_7, %slice3A_4 : vector<128x256xf32>
    %add3A_9 = arith.addf %slice3A, %slice3A_3 : vector<128x256xf32>
    %add3A_10 = arith.addf %slice3A, %slice3A_2 : vector<128x256xf32>
    %add3A_11 = arith.addf %slice3A_5, %slice3A_6 : vector<128x256xf32>
    %get3A_12 = arith.constant 0 : index
    %get3A_13 = arith.constant 0 : index
    %get3A_14 = vector.load %arg1[%get3A_12, %get3A_13] : memref<1000x128xf32, #tpu.memory_space<vmem>>, vector<1000x128xf32>
    %get3A_15 = arith.constant 0 : index
    %get3A_16 = arith.constant 0 : index
    %get3A_17 = vector.load %arg2[%get3A_15, %get3A_16] : memref<1000x128xf32, #tpu.memory_space<vmem>>, vector<1000x128xf32>
    %get3A_18 = arith.constant 0 : index
    %get3A_19 = arith.constant 0 : index
    %get3A_20 = vector.load %arg5[%get3A_18, %get3A_19] : memref<1000x128xf32, #tpu.memory_space<vmem>>, vector<1000x128xf32>
    %get3A_21 = arith.constant 0 : index
    %get3A_22 = arith.constant 0 : index
    %get3A_23 = vector.load %arg6[%get3A_21, %get3A_22] : memref<1000x128xf32, #tpu.memory_space<vmem>>, vector<1000x128xf32>
    %slice3A_24 = vector.extract_strided_slice %get3A_23 {offsets = [0, 0], sizes = [1000, 1], strides = [1, 1]} : vector<1000x128xf32> to vector<1000x1xf32>
    %get3A_25 = arith.constant 0 : index
    %get3A_26 = arith.constant 0 : index
    %get3A_27 = vector.load %arg7[%get3A_25, %get3A_26] : memref<1000x128xf32, #tpu.memory_space<vmem>>, vector<1000x128xf32>
    %slice3A_28 = vector.extract_strided_slice %get3A_27 {offsets = [0, 0], sizes = [1000, 1], strides = [1, 1]} : vector<1000x128xf32> to vector<1000x1xf32>
    %add3A_29 = arith.addf %slice3A_24, %slice3A_28 : vector<1000x1xf32>
    %mul3A = arith.mulf %add3A_29, %add3A_29 : vector<1000x1xf32>
    %mul3A_30 = vector.broadcast %add3A_29 : vector<1000x1xf32> to vector<1000x128xf32>
    %mul3A_31 = arith.mulf %mul3A_30, %get3A_14 : vector<1000x128xf32>
    %dot_general3A = arith.constant dense<0.000000e+00> : vector<1000x256xf32>
    %dot_general3A_32 = tpu.matmul %mul3A_31, %add3A_8, %dot_general3A {dimension_numbers = #tpu.dot_dimension_numbers<[1], [0], [0], [1], [0, 0, 1, 1], [], []>, precision = #tpu.contract_precision<fp32>, transpose_lhs_hint = false} : vector<1000x128xf32>, vector<128x256xf32>, vector<1000x256xf32> -> vector<1000x256xf32>
    %dot_general3A_33 = arith.constant dense<0.000000e+00> : vector<1000x256xf32>
    %dot_general3A_34 = tpu.matmul %get3A_17, %add3A_9, %dot_general3A_33 {dimension_numbers = #tpu.dot_dimension_numbers<[1], [0], [0], [1], [0, 0, 1, 1], [], []>, precision = #tpu.contract_precision<fp32>, transpose_lhs_hint = false} : vector<1000x128xf32>, vector<128x256xf32>, vector<1000x256xf32> -> vector<1000x256xf32>
    %add3A_35 = arith.addf %dot_general3A_32, %dot_general3A_34 : vector<1000x256xf32>
    %mul3A_36 = vector.broadcast %add3A_29 : vector<1000x1xf32> to vector<1000x128xf32>
    %mul3A_37 = arith.mulf %mul3A_36, %get3A_20 : vector<1000x128xf32>
    %dot_general3A_38 = arith.constant dense<0.000000e+00> : vector<1000x256xf32>
    %dot_general3A_39 = tpu.matmul %mul3A_37, %add3A_11, %dot_general3A_38 {dimension_numbers = #tpu.dot_dimension_numbers<[1], [0], [0], [1], [0, 0, 1, 1], [], []>, precision = #tpu.contract_precision<fp32>, transpose_lhs_hint = false} : vector<1000x128xf32>, vector<128x256xf32>, vector<1000x256xf32> -> vector<1000x256xf32>
    %add3A_40 = arith.addf %add3A_35, %dot_general3A_39 : vector<1000x256xf32>
    %dot_general3A_41 = arith.constant dense<0.000000e+00> : vector<1000x256xf32>
    %dot_general3A_42 = tpu.matmul %get3A_14, %add3A_10, %dot_general3A_41 {dimension_numbers = #tpu.dot_dimension_numbers<[1], [0], [0], [1], [0, 0, 1, 1], [], []>, precision = #tpu.contract_precision<fp32>, transpose_lhs_hint = false} : vector<1000x128xf32>, vector<128x256xf32>, vector<1000x256xf32> -> vector<1000x256xf32>
    %dot_general3A_43 = arith.constant dense<0.000000e+00> : vector<1000x256xf32>
    %dot_general3A_44 = tpu.matmul %get3A_20, %slice3A_5, %dot_general3A_43 {dimension_numbers = #tpu.dot_dimension_numbers<[1], [0], [0], [1], [0, 0, 1, 1], [], []>, precision = #tpu.contract_precision<fp32>, transpose_lhs_hint = false} : vector<1000x128xf32>, vector<128x256xf32>, vector<1000x256xf32> -> vector<1000x256xf32>
    %add3A_45 = arith.addf %dot_general3A_42, %dot_general3A_44 : vector<1000x256xf32>
    %slice3A_46 = vector.extract_strided_slice %add3A_40 {offsets = [0, 0], sizes = [1000, 128], strides = [1, 1]} : vector<1000x256xf32> to vector<1000x128xf32>
    %slice3A_47 = vector.extract_strided_slice %add3A_40 {offsets = [0, 128], sizes = [1000, 128], strides = [1, 1]} : vector<1000x256xf32> to vector<1000x128xf32>
    %bitcast_convert_type3A = tpu.bitcast %slice3A_47 : vector<1000x128xf32> -> vector<1000x128xi32>
    %add3A_48 = arith.constant 32767 : i32
    %add3A_49 = vector.broadcast %add3A_48 : i32 to vector<1000x128xi32>
    %add3A_50 = arith.addi %bitcast_convert_type3A, %add3A_49 : vector<1000x128xi32>
    %shift_right_arithmetic3A = arith.constant 16 : i32
    %shift_right_arithmetic3A_51 = vector.broadcast %shift_right_arithmetic3A : i32 to vector<1000x128xi32>
    %shift_right_arithmetic3A_52 = arith.shrsi %bitcast_convert_type3A, %shift_right_arithmetic3A_51 : vector<1000x128xi32>
    %and3A = arith.constant 1 : i32
    %and3A_53 = vector.broadcast %and3A : i32 to vector<1000x128xi32>
    %and3A_54 = arith.andi %shift_right_arithmetic3A_52, %and3A_53 : vector<1000x128xi32>
    %add3A_55 = arith.addi %add3A_50, %and3A_54 : vector<1000x128xi32>
    %shift_right_arithmetic3A_56 = arith.constant 16 : i32
    %shift_right_arithmetic3A_57 = vector.broadcast %shift_right_arithmetic3A_56 : i32 to vector<1000x128xi32>
    %shift_right_arithmetic3A_58 = arith.shrsi %add3A_55, %shift_right_arithmetic3A_57 : vector<1000x128xi32>
    %shift_left3A = arith.constant 16 : i32
    %shift_left3A_59 = vector.broadcast %shift_left3A : i32 to vector<1000x128xi32>
    %shift_left3A_60 = arith.shli %shift_right_arithmetic3A_58, %shift_left3A_59 : vector<1000x128xi32>
    %bitcast_convert_type3A_61 = tpu.bitcast %slice3A_46 : vector<1000x128xf32> -> vector<1000x128xi32>
    %add3A_62 = arith.constant 32767 : i32
    %add3A_63 = vector.broadcast %add3A_62 : i32 to vector<1000x128xi32>
    %add3A_64 = arith.addi %bitcast_convert_type3A_61, %add3A_63 : vector<1000x128xi32>
    %shift_right_arithmetic3A_65 = arith.constant 16 : i32
    %shift_right_arithmetic3A_66 = vector.broadcast %shift_right_arithmetic3A_65 : i32 to vector<1000x128xi32>
    %shift_right_arithmetic3A_67 = arith.shrsi %bitcast_convert_type3A_61, %shift_right_arithmetic3A_66 : vector<1000x128xi32>
    %and3A_68 = arith.constant 1 : i32
    %and3A_69 = vector.broadcast %and3A_68 : i32 to vector<1000x128xi32>
    %and3A_70 = arith.andi %shift_right_arithmetic3A_67, %and3A_69 : vector<1000x128xi32>
    %add3A_71 = arith.addi %add3A_64, %and3A_70 : vector<1000x128xi32>
    %shift_right_arithmetic3A_72 = arith.constant 16 : i32
    %shift_right_arithmetic3A_73 = vector.broadcast %shift_right_arithmetic3A_72 : i32 to vector<1000x128xi32>
    %shift_right_arithmetic3A_74 = arith.shrsi %add3A_71, %shift_right_arithmetic3A_73 : vector<1000x128xi32>
    %and3A_75 = arith.constant 65535 : i32
    %and3A_76 = vector.broadcast %and3A_75 : i32 to vector<1000x128xi32>
    %and3A_77 = arith.andi %shift_right_arithmetic3A_74, %and3A_76 : vector<1000x128xi32>
    %or3A = arith.ori %shift_left3A_60, %and3A_77 : vector<1000x128xi32>
    %swap3A = arith.constant 0 : index
    %swap3A_78 = arith.constant 0 : index
    %swap3A_79 = vector.load %arg9[%swap3A, %swap3A_78] : memref<1000x128xi32, #tpu.memory_space<vmem>>, vector<1000x128xi32>
    tpu.vector_store %arg9[%swap3A, %swap3A_78], %or3A {strides = array<i32>} : memref<1000x128xi32, #tpu.memory_space<vmem>>, vector<1000x128xi32>,
    %slice3A_80 = vector.extract_strided_slice %add3A_45 {offsets = [0, 0], sizes = [1000, 128], strides = [1, 1]} : vector<1000x256xf32> to vector<1000x128xf32>
    %slice3A_81 = vector.extract_strided_slice %add3A_45 {offsets = [0, 128], sizes = [1000, 128], strides = [1, 1]} : vector<1000x256xf32> to vector<1000x128xf32>
    %bitcast_convert_type3A_82 = tpu.bitcast %slice3A_81 : vector<1000x128xf32> -> vector<1000x128xi32>
    %add3A_83 = arith.constant 32767 : i32
    %add3A_84 = vector.broadcast %add3A_83 : i32 to vector<1000x128xi32>
    %add3A_85 = arith.addi %bitcast_convert_type3A_82, %add3A_84 : vector<1000x128xi32>
    %shift_right_arithmetic3A_86 = arith.constant 16 : i32
    %shift_right_arithmetic3A_87 = vector.broadcast %shift_right_arithmetic3A_86 : i32 to vector<1000x128xi32>
    %shift_right_arithmetic3A_88 = arith.shrsi %bitcast_convert_type3A_82, %shift_right_arithmetic3A_87 : vector<1000x128xi32>
    %and3A_89 = arith.constant 1 : i32
    %and3A_90 = vector.broadcast %and3A_89 : i32 to vector<1000x128xi32>
    %and3A_91 = arith.andi %shift_right_arithmetic3A_88, %and3A_90 : vector<1000x128xi32>
    %add3A_92 = arith.addi %add3A_85, %and3A_91 : vector<1000x128xi32>
    %shift_right_arithmetic3A_93 = arith.constant 16 : i32
    %shift_right_arithmetic3A_94 = vector.broadcast %shift_right_arithmetic3A_93 : i32 to vector<1000x128xi32>
    %shift_right_arithmetic3A_95 = arith.shrsi %add3A_92, %shift_right_arithmetic3A_94 : vector<1000x128xi32>
    %shift_left3A_96 = arith.constant 16 : i32
    %shift_left3A_97 = vector.broadcast %shift_left3A_96 : i32 to vector<1000x128xi32>
    %shift_left3A_98 = arith.shli %shift_right_arithmetic3A_95, %shift_left3A_97 : vector<1000x128xi32>
    %bitcast_convert_type3A_99 = tpu.bitcast %slice3A_80 : vector<1000x128xf32> -> vector<1000x128xi32>
    %add3A_100 = arith.constant 32767 : i32
    %add3A_101 = vector.broadcast %add3A_100 : i32 to vector<1000x128xi32>
    %add3A_102 = arith.addi %bitcast_convert_type3A_99, %add3A_101 : vector<1000x128xi32>
    %shift_right_arithmetic3A_103 = arith.constant 16 : i32
    %shift_right_arithmetic3A_104 = vector.broadcast %shift_right_arithmetic3A_103 : i32 to vector<1000x128xi32>
    %shift_right_arithmetic3A_105 = arith.shrsi %bitcast_convert_type3A_99, %shift_right_arithmetic3A_104 : vector<1000x128xi32>
    %and3A_106 = arith.constant 1 : i32
    %and3A_107 = vector.broadcast %and3A_106 : i32 to vector<1000x128xi32>
    %and3A_108 = arith.andi %shift_right_arithmetic3A_105, %and3A_107 : vector<1000x128xi32>
    %add3A_109 = arith.addi %add3A_102, %and3A_108 : vector<1000x128xi32>
    %shift_right_arithmetic3A_110 = arith.constant 16 : i32
    %shift_right_arithmetic3A_111 = vector.broadcast %shift_right_arithmetic3A_110 : i32 to vector<1000x128xi32>
    %shift_right_arithmetic3A_112 = arith.shrsi %add3A_109, %shift_right_arithmetic3A_111 : vector<1000x128xi32>
    %and3A_113 = arith.constant 65535 : i32
    %and3A_114 = vector.broadcast %and3A_113 : i32 to vector<1000x128xi32>
    %and3A_115 = arith.andi %shift_right_arithmetic3A_112, %and3A_114 : vector<1000x128xi32>
    %or3A_116 = arith.ori %shift_left3A_98, %and3A_115 : vector<1000x128xi32>
    %swap3A_117 = arith.constant 0 : index
    %swap3A_118 = arith.constant 0 : index
    %swap3A_119 = vector.load %arg10[%swap3A_117, %swap3A_118] : memref<1000x128xi32, #tpu.memory_space<vmem>>, vector<1000x128xi32>
    tpu.vector_store %arg10[%swap3A_117, %swap3A_118], %or3A_116 {strides = array<i32>} : memref<1000x128xi32, #tpu.memory_space<vmem>>, vector<1000x128xi32>,
    %mul3A_120 = vector.broadcast %mul3A : vector<1000x1xf32> to vector<1000x128xf32>
    %mul3A_121 = arith.mulf %mul3A_120, %get3A_14 : vector<1000x128xf32>
    %mul3A_122 = vector.broadcast %add3A_29 : vector<1000x1xf32> to vector<1000x128xf32>
    %mul3A_123 = arith.mulf %mul3A_122, %get3A_17 : vector<1000x128xf32>
    %get3A_124 = arith.constant 0 : index
    %get3A_125 = arith.constant 0 : index
    %get3A_126 = vector.load %arg3[%get3A_124, %get3A_125] : memref<1000x128xf32, #tpu.memory_space<vmem>>, vector<1000x128xf32>
    %mul3A_127 = vector.broadcast %mul3A : vector<1000x1xf32> to vector<1000x128xf32>
    %mul3A_128 = arith.mulf %mul3A_127, %get3A_20 : vector<1000x128xf32>
    %get3A_129 = arith.constant 0 : index
    %get3A_130 = arith.constant 0 : index
    %get3A_131 = vector.load %arg4[%get3A_129, %get3A_130] : memref<1000x128xf32, #tpu.memory_space<vmem>>, vector<1000x128xf32>
    %concatenate3A = tpu.concatenate %get3A_20, %mul3A_121, %mul3A_123, %get3A_126, %get3A_14, %mul3A_128, %get3A_131 in 1 : vector<1000x128xf32>, vector<1000x128xf32>, vector<1000x128xf32>, vector<1000x128xf32>, vector<1000x128xf32>, vector<1000x128xf32>, vector<1000x128xf32> -> vector<1000x896xf32>
    %swap3A_132 = arith.constant 0 : index
    %swap3A_133 = arith.constant 0 : index
    %swap3A_134 = vector.load %arg11[%swap3A_132, %swap3A_133] : memref<1000x896xf32, #tpu.memory_space<vmem>>, vector<1000x896xf32>
    tpu.vector_store %arg11[%swap3A_132, %swap3A_133], %concatenate3A {strides = array<i32>} : memref<1000x896xf32, #tpu.memory_space<vmem>>, vector<1000x896xf32>,
    return
  }
  func.func @transform_0(%arg0: i32) -> (i32, i32) {
    %c0_i32 = arith.constant 0 : i32
    %c0_i32_0 = arith.constant 0 : i32
    return %arg0, %c0_i32 : i32, i32
  }
  func.func @transform_1(%arg0: i32) -> (i32, i32) {
    %c0_i32 = arith.constant 0 : i32
    %c0_i32_0 = arith.constant 0 : i32
    return %arg0, %c0_i32 : i32, i32
  }
  func.func @transform_2(%arg0: i32) -> (i32, i32) {
    %c0_i32 = arith.constant 0 : i32
    %c0_i32_0 = arith.constant 0 : i32
    return %arg0, %c0_i32 : i32, i32
  }
  func.func @transform_3(%arg0: i32) -> (i32, i32) {
    %c0_i32 = arith.constant 0 : i32
    %c0_i32_0 = arith.constant 0 : i32
    return %arg0, %c0_i32 : i32, i32
  }
  func.func @transform_4(%arg0: i32) -> (i32, i32) {
    %c0_i32 = arith.constant 0 : i32
    %c0_i32_0 = arith.constant 0 : i32
    return %arg0, %c0_i32 : i32, i32
  }
  func.func @transform_5(%arg0: i32) -> (i32, i32) {
    %c0_i32 = arith.constant 0 : i32
    %c0_i32_0 = arith.constant 0 : i32
    return %arg0, %c0_i32 : i32, i32
  }
  func.func @transform_6(%arg0: i32) -> (i32, i32) {
    %c0_i32 = arith.constant 0 : i32
    %c0_i32_0 = arith.constant 0 : i32
    return %arg0, %c0_i32 : i32, i32
  }
  func.func @transform_7(%arg0: i32) -> (i32, i32) {
    %c0_i32 = arith.constant 0 : i32
    %c0_i32_0 = arith.constant 0 : i32
    %c0_i32_1 = arith.constant 0 : i32
    return %c0_i32, %c0_i32_0 : i32, i32
  }
  func.func @transform_8(%arg0: i32) -> (i32, i32) {
    %c0_i32 = arith.constant 0 : i32
    %c0_i32_0 = arith.constant 0 : i32
    return %arg0, %c0_i32 : i32, i32
  }
  func.func @transform_9(%arg0: i32) -> (i32, i32) {
    %c0_i32 = arith.constant 0 : i32
    %c0_i32_0 = arith.constant 0 : i32
    return %arg0, %c0_i32 : i32, i32
  }
  func.func @transform_10(%arg0: i32) -> (i32, i32) {
    %c0_i32 = arith.constant 0 : i32
    %c0_i32_0 = arith.constant 0 : i32
    return %arg0, %c0_i32 : i32, i32
  }
}

module attributes {stable_mosaic.version = 14 : i64} {
  func.func @_np1_body(%arg0: i32, %arg1: memref<1000x896xf32, #tpu.memory_space<vmem>>, %arg2: memref<896x256xf32, #tpu.memory_space<vmem>>, %arg3: memref<1000x256xf32, #tpu.memory_space<vmem>>, %arg4: memref<8x256xf32, #tpu.memory_space<vmem>>, %arg5: memref<8x256xf32, #tpu.memory_space<vmem>>) attributes {dimension_semantics = [#tpu.dimension_semantics<arbitrary>], iteration_bounds = array<i64: 10>, scalar_prefetch = 0 : i64, scratch_operands = 1 : i64, tpu.core_type = #tpu.core_type<tc>, window_params = [{transform_indices = @transform_0, window_bounds = array<i64: 1000, 896>}, {pipeline_mode = #tpu.pipeline_mode<synchronous>, transform_indices = @transform_1, window_bounds = array<i64: 896, 256>}, {transform_indices = @transform_2, window_bounds = array<i64: 1000, 256>}, {pipeline_mode = #tpu.pipeline_mode<synchronous>, transform_indices = @transform_3, window_bounds = array<i64: 8, 256>}]} {
    %eq3A = arith.constant 0 : i32
    %eq3A_0 = arith.cmpi eq, %arg0, %eq3A : i32
    %convert_element_type3A = arith.extui %eq3A_0 : i1 to i32
    %cond3A = arith.constant 0 : i32
    %cond3A_1 = arith.cmpi ne, %convert_element_type3A, %cond3A : i32
    scf.if %cond3A_1 {
      %broadcast_in_dim3A_45 = arith.constant 0.000000e+00 : f32
      %broadcast_in_dim3A_46 = vector.broadcast %broadcast_in_dim3A_45 : f32 to vector<8x256xf32>
      %swap3A_47 = arith.constant 0 : index
      %swap3A_48 = arith.constant 0 : index
      %swap3A_49 = vector.load %arg5[%swap3A_47, %swap3A_48] : memref<8x256xf32, #tpu.memory_space<vmem>>, vector<8x256xf32>
      tpu.vector_store %arg5[%swap3A_47, %swap3A_48], %broadcast_in_dim3A_46 {strides = array<i32>} : memref<8x256xf32, #tpu.memory_space<vmem>>, vector<8x256xf32>,
    } else {
    }
    %get3A = arith.constant 0 : index
    %get3A_2 = arith.constant 0 : index
    %get3A_3 = vector.load %arg2[%get3A, %get3A_2] : memref<896x256xf32, #tpu.memory_space<vmem>>, vector<896x256xf32>
    %slice3A = vector.extract_strided_slice %get3A_3 {offsets = [0, 0], sizes = [128, 256], strides = [1, 1]} : vector<896x256xf32> to vector<128x256xf32>
    %slice3A_4 = vector.extract_strided_slice %get3A_3 {offsets = [128, 0], sizes = [128, 256], strides = [1, 1]} : vector<896x256xf32> to vector<128x256xf32>
    %slice3A_5 = vector.extract_strided_slice %get3A_3 {offsets = [256, 0], sizes = [128, 256], strides = [1, 1]} : vector<896x256xf32> to vector<128x256xf32>
    %slice3A_6 = vector.extract_strided_slice %get3A_3 {offsets = [384, 0], sizes = [128, 256], strides = [1, 1]} : vector<896x256xf32> to vector<128x256xf32>
    %slice3A_7 = vector.extract_strided_slice %get3A_3 {offsets = [512, 0], sizes = [128, 256], strides = [1, 1]} : vector<896x256xf32> to vector<128x256xf32>
    %slice3A_8 = vector.extract_strided_slice %get3A_3 {offsets = [640, 0], sizes = [128, 256], strides = [1, 1]} : vector<896x256xf32> to vector<128x256xf32>
    %slice3A_9 = vector.extract_strided_slice %get3A_3 {offsets = [768, 0], sizes = [128, 256], strides = [1, 1]} : vector<896x256xf32> to vector<128x256xf32>
    %add3A = arith.addf %slice3A_4, %slice3A_5 : vector<128x256xf32>
    %add3A_10 = arith.addf %add3A, %slice3A_6 : vector<128x256xf32>
    %add3A_11 = arith.addf %add3A_10, %slice3A_7 : vector<128x256xf32>
    %add3A_12 = arith.addf %slice3A_4, %slice3A_6 : vector<128x256xf32>
    %add3A_13 = arith.addf %slice3A_4, %slice3A_5 : vector<128x256xf32>
    %add3A_14 = arith.addf %slice3A_8, %slice3A_9 : vector<128x256xf32>
    %concatenate3A = tpu.concatenate %slice3A, %add3A_11, %add3A_12, %add3A_13, %slice3A_4, %add3A_14, %slice3A_8 in 0 : vector<128x256xf32>, vector<128x256xf32>, vector<128x256xf32>, vector<128x256xf32>, vector<128x256xf32>, vector<128x256xf32>, vector<128x256xf32> -> vector<896x256xf32>
    %get3A_15 = arith.constant 0 : index
    %get3A_16 = arith.constant 0 : index
    %get3A_17 = vector.load %arg1[%get3A_15, %get3A_16] : memref<1000x896xf32, #tpu.memory_space<vmem>>, vector<1000x896xf32>
    %dot_general3A = arith.constant dense<0.000000e+00> : vector<1000x256xf32>
    %dot_general3A_18 = tpu.matmul %get3A_17, %concatenate3A, %dot_general3A {dimension_numbers = #tpu.dot_dimension_numbers<[1], [0], [0], [1], [0, 0, 1, 1], [], []>, precision = #tpu.contract_precision<fp32>, transpose_lhs_hint = false} : vector<1000x896xf32>, vector<896x256xf32>, vector<1000x256xf32> -> vector<1000x256xf32>
    %get3A_19 = arith.constant 0 : index
    %get3A_20 = arith.constant 0 : index
    %get3A_21 = vector.load %arg5[%get3A_19, %get3A_20] : memref<8x256xf32, #tpu.memory_space<vmem>>, vector<1x256xf32>
    %reduce_sum3A = arith.constant dense<0.000000e+00> : vector<256xf32>
    %reduce_sum3A_22 = vector.multi_reduction <add>, %dot_general3A_18, %reduce_sum3A [0] : vector<1000x256xf32> to vector<256xf32>
    %broadcast_in_dim3A = vector.shape_cast %reduce_sum3A_22 : vector<256xf32> to vector<1x256xf32>
    %add3A_23 = arith.addf %get3A_21, %broadcast_in_dim3A : vector<1x256xf32>
    %swap3A = arith.constant 0 : index
    %swap3A_24 = arith.constant 0 : index
    %swap3A_25 = vector.load %arg5[%swap3A, %swap3A_24] : memref<8x256xf32, #tpu.memory_space<vmem>>, vector<1x256xf32>
    tpu.vector_store %arg5[%swap3A, %swap3A_24], %add3A_23 {strides = array<i32>} : memref<8x256xf32, #tpu.memory_space<vmem>>, vector<1x256xf32>,
    %get3A_26 = arith.constant 1 : index
    %get3A_27 = arith.constant 0 : index
    %get3A_28 = vector.load %arg5[%get3A_26, %get3A_27] : memref<8x256xf32, #tpu.memory_space<vmem>>, vector<1x256xf32>
    %mul3A = arith.mulf %dot_general3A_18, %dot_general3A_18 : vector<1000x256xf32>
    %reduce_sum3A_29 = arith.constant dense<0.000000e+00> : vector<256xf32>
    %reduce_sum3A_30 = vector.multi_reduction <add>, %mul3A, %reduce_sum3A_29 [0] : vector<1000x256xf32> to vector<256xf32>
    %broadcast_in_dim3A_31 = vector.shape_cast %reduce_sum3A_30 : vector<256xf32> to vector<1x256xf32>
    %add3A_32 = arith.addf %get3A_28, %broadcast_in_dim3A_31 : vector<1x256xf32>
    %swap3A_33 = arith.constant 1 : index
    %swap3A_34 = arith.constant 0 : index
    %swap3A_35 = vector.load %arg5[%swap3A_33, %swap3A_34] : memref<8x256xf32, #tpu.memory_space<vmem>>, vector<1x256xf32>
    tpu.vector_store %arg5[%swap3A_33, %swap3A_34], %add3A_32 {strides = array<i32>} : memref<8x256xf32, #tpu.memory_space<vmem>>, vector<1x256xf32>,
    %swap3A_36 = arith.constant 0 : index
    %swap3A_37 = arith.constant 0 : index
    %swap3A_38 = vector.load %arg3[%swap3A_36, %swap3A_37] : memref<1000x256xf32, #tpu.memory_space<vmem>>, vector<1000x256xf32>
    tpu.vector_store %arg3[%swap3A_36, %swap3A_37], %dot_general3A_18 {strides = array<i32>} : memref<1000x256xf32, #tpu.memory_space<vmem>>, vector<1000x256xf32>,
    %get3A_39 = arith.constant 0 : index
    %get3A_40 = arith.constant 0 : index
    %get3A_41 = vector.load %arg5[%get3A_39, %get3A_40] : memref<8x256xf32, #tpu.memory_space<vmem>>, vector<8x256xf32>
    %swap3A_42 = arith.constant 0 : index
    %swap3A_43 = arith.constant 0 : index
    %swap3A_44 = vector.load %arg4[%swap3A_42, %swap3A_43] : memref<8x256xf32, #tpu.memory_space<vmem>>, vector<8x256xf32>
    tpu.vector_store %arg4[%swap3A_42, %swap3A_43], %get3A_41 {strides = array<i32>} : memref<8x256xf32, #tpu.memory_space<vmem>>, vector<8x256xf32>,
    return
  }
  func.func @transform_0(%arg0: i32) -> (i32, i32) {
    %c0_i32 = arith.constant 0 : i32
    %c0_i32_0 = arith.constant 0 : i32
    return %arg0, %c0_i32 : i32, i32
  }
  func.func @transform_1(%arg0: i32) -> (i32, i32) {
    %c0_i32 = arith.constant 0 : i32
    %c0_i32_0 = arith.constant 0 : i32
    %c0_i32_1 = arith.constant 0 : i32
    return %c0_i32, %c0_i32_0 : i32, i32
  }
  func.func @transform_2(%arg0: i32) -> (i32, i32) {
    %c0_i32 = arith.constant 0 : i32
    %c0_i32_0 = arith.constant 0 : i32
    return %arg0, %c0_i32 : i32, i32
  }
  func.func @transform_3(%arg0: i32) -> (i32, i32) {
    %c0_i32 = arith.constant 0 : i32
    %c0_i32_0 = arith.constant 0 : i32
    %c0_i32_1 = arith.constant 0 : i32
    return %c0_i32, %c0_i32_0 : i32, i32
  }
}

module attributes {stable_mosaic.version = 14 : i64} {
  func.func @_np2_body(%arg0: i32, %arg1: memref<1000x256xf32, #tpu.memory_space<vmem>>, %arg2: memref<8x256xf32, #tpu.memory_space<vmem>>, %arg3: memref<1x256xf32, #tpu.memory_space<vmem>>, %arg4: memref<1x256xf32, #tpu.memory_space<vmem>>, %arg5: memref<256x128xf32, #tpu.memory_space<vmem>>, %arg6: memref<1000x128xf32, #tpu.memory_space<vmem>>, %arg7: memref<8x128xf32, #tpu.memory_space<vmem>>, %arg8: memref<8x128xf32, #tpu.memory_space<vmem>>) attributes {dimension_semantics = [#tpu.dimension_semantics<arbitrary>], iteration_bounds = array<i64: 10>, scalar_prefetch = 0 : i64, scratch_operands = 1 : i64, tpu.core_type = #tpu.core_type<tc>, window_params = [{transform_indices = @transform_0, window_bounds = array<i64: 1000, 256>}, {pipeline_mode = #tpu.pipeline_mode<synchronous>, transform_indices = @transform_1, window_bounds = array<i64: 8, 256>}, {pipeline_mode = #tpu.pipeline_mode<synchronous>, transform_indices = @transform_2, window_bounds = array<i64: 1, 256>}, {pipeline_mode = #tpu.pipeline_mode<synchronous>, transform_indices = @transform_3, window_bounds = array<i64: 1, 256>}, {pipeline_mode = #tpu.pipeline_mode<synchronous>, transform_indices = @transform_4, window_bounds = array<i64: 256, 128>}, {transform_indices = @transform_5, window_bounds = array<i64: 1000, 128>}, {pipeline_mode = #tpu.pipeline_mode<synchronous>, transform_indices = @transform_6, window_bounds = array<i64: 8, 128>}]} {
    %eq3A = arith.constant 0 : i32
    %eq3A_0 = arith.cmpi eq, %arg0, %eq3A : i32
    %convert_element_type3A = arith.extui %eq3A_0 : i1 to i32
    %cond3A = arith.constant 0 : i32
    %cond3A_1 = arith.cmpi ne, %convert_element_type3A, %cond3A : i32
    scf.if %cond3A_1 {
      %broadcast_in_dim3A_64 = arith.constant 0.000000e+00 : f32
      %broadcast_in_dim3A_65 = vector.broadcast %broadcast_in_dim3A_64 : f32 to vector<8x128xf32>
      %swap3A_66 = arith.constant 0 : index
      %swap3A_67 = arith.constant 0 : index
      %swap3A_68 = vector.load %arg8[%swap3A_66, %swap3A_67] : memref<8x128xf32, #tpu.memory_space<vmem>>, vector<8x128xf32>
      tpu.vector_store %arg8[%swap3A_66, %swap3A_67], %broadcast_in_dim3A_65 {strides = array<i32>} : memref<8x128xf32, #tpu.memory_space<vmem>>, vector<8x128xf32>,
    } else {
    }
    %get3A = arith.constant 0 : index
    %get3A_2 = arith.constant 0 : index
    %get3A_3 = vector.load %arg2[%get3A, %get3A_2] : memref<8x256xf32, #tpu.memory_space<vmem>>, vector<1x256xf32>
    %get3A_4 = arith.constant 1 : index
    %get3A_5 = arith.constant 0 : index
    %get3A_6 = vector.load %arg2[%get3A_4, %get3A_5] : memref<8x256xf32, #tpu.memory_space<vmem>>, vector<1x256xf32>
    %mul3A = arith.constant 9.99999974E-5 : f32
    %mul3A_7 = vector.broadcast %mul3A : f32 to vector<1x256xf32>
    %mul3A_8 = arith.mulf %get3A_3, %mul3A_7 : vector<1x256xf32>
    %mul3A_9 = arith.constant 9.99999974E-5 : f32
    %mul3A_10 = vector.broadcast %mul3A_9 : f32 to vector<1x256xf32>
    %mul3A_11 = arith.mulf %get3A_6, %mul3A_10 : vector<1x256xf32>
    %mul3A_12 = arith.mulf %mul3A_8, %mul3A_8 : vector<1x256xf32>
    %sub3A = arith.subf %mul3A_11, %mul3A_12 : vector<1x256xf32>
    %get3A_13 = arith.constant 0 : index
    %get3A_14 = arith.constant 0 : index
    %get3A_15 = vector.load %arg3[%get3A_13, %get3A_14] : memref<1x256xf32, #tpu.memory_space<vmem>>, vector<1x256xf32>
    %add3A = arith.constant 9.99999974E-6 : f32
    %add3A_16 = vector.broadcast %add3A : f32 to vector<1x256xf32>
    %add3A_17 = arith.addf %sub3A, %add3A_16 : vector<1x256xf32>
    %rsqrt3A = math.rsqrt %add3A_17 : vector<1x256xf32>
    %mul3A_18 = arith.mulf %get3A_15, %rsqrt3A : vector<1x256xf32>
    %get3A_19 = arith.constant 0 : index
    %get3A_20 = arith.constant 0 : index
    %get3A_21 = vector.load %arg4[%get3A_19, %get3A_20] : memref<1x256xf32, #tpu.memory_space<vmem>>, vector<1x256xf32>
    %mul3A_22 = arith.mulf %mul3A_8, %mul3A_18 : vector<1x256xf32>
    %sub3A_23 = arith.subf %get3A_21, %mul3A_22 : vector<1x256xf32>
    %get3A_24 = arith.constant 0 : index
    %get3A_25 = arith.constant 0 : index
    %get3A_26 = vector.load %arg1[%get3A_24, %get3A_25] : memref<1000x256xf32, #tpu.memory_space<vmem>>, vector<1000x256xf32>
    %mul3A_27 = vector.broadcast %mul3A_18 : vector<1x256xf32> to vector<1000x256xf32>
    %mul3A_28 = arith.mulf %get3A_26, %mul3A_27 : vector<1000x256xf32>
    %add3A_29 = vector.broadcast %sub3A_23 : vector<1x256xf32> to vector<1000x256xf32>
    %add3A_30 = arith.addf %mul3A_28, %add3A_29 : vector<1000x256xf32>
    %max3A = arith.constant 0.000000e+00 : f32
    %max3A_31 = vector.broadcast %max3A : f32 to vector<1000x256xf32>
    %max3A_32 = arith.maximumf %add3A_30, %max3A_31 : vector<1000x256xf32>
    %get3A_33 = arith.constant 0 : index
    %get3A_34 = arith.constant 0 : index
    %get3A_35 = vector.load %arg5[%get3A_33, %get3A_34] : memref<256x128xf32, #tpu.memory_space<vmem>>, vector<256x128xf32>
    %dot_general3A = arith.constant dense<0.000000e+00> : vector<1000x128xf32>
    %dot_general3A_36 = tpu.matmul %max3A_32, %get3A_35, %dot_general3A {dimension_numbers = #tpu.dot_dimension_numbers<[1], [0], [0], [1], [0, 0, 1, 1], [], []>, precision = #tpu.contract_precision<fp32>, transpose_lhs_hint = false} : vector<1000x256xf32>, vector<256x128xf32>, vector<1000x128xf32> -> vector<1000x128xf32>
    %get3A_37 = arith.constant 0 : index
    %get3A_38 = arith.constant 0 : index
    %get3A_39 = vector.load %arg8[%get3A_37, %get3A_38] : memref<8x128xf32, #tpu.memory_space<vmem>>, vector<1x128xf32>
    %reduce_sum3A = arith.constant dense<0.000000e+00> : vector<128xf32>
    %reduce_sum3A_40 = vector.multi_reduction <add>, %dot_general3A_36, %reduce_sum3A [0] : vector<1000x128xf32> to vector<128xf32>
    %broadcast_in_dim3A = vector.shape_cast %reduce_sum3A_40 : vector<128xf32> to vector<1x128xf32>
    %add3A_41 = arith.addf %get3A_39, %broadcast_in_dim3A : vector<1x128xf32>
    %swap3A = arith.constant 0 : index
    %swap3A_42 = arith.constant 0 : index
    %swap3A_43 = vector.load %arg8[%swap3A, %swap3A_42] : memref<8x128xf32, #tpu.memory_space<vmem>>, vector<1x128xf32>
    tpu.vector_store %arg8[%swap3A, %swap3A_42], %add3A_41 {strides = array<i32>} : memref<8x128xf32, #tpu.memory_space<vmem>>, vector<1x128xf32>,
    %get3A_44 = arith.constant 1 : index
    %get3A_45 = arith.constant 0 : index
    %get3A_46 = vector.load %arg8[%get3A_44, %get3A_45] : memref<8x128xf32, #tpu.memory_space<vmem>>, vector<1x128xf32>
    %mul3A_47 = arith.mulf %dot_general3A_36, %dot_general3A_36 : vector<1000x128xf32>
    %reduce_sum3A_48 = arith.constant dense<0.000000e+00> : vector<128xf32>
    %reduce_sum3A_49 = vector.multi_reduction <add>, %mul3A_47, %reduce_sum3A_48 [0] : vector<1000x128xf32> to vector<128xf32>
    %broadcast_in_dim3A_50 = vector.shape_cast %reduce_sum3A_49 : vector<128xf32> to vector<1x128xf32>
    %add3A_51 = arith.addf %get3A_46, %broadcast_in_dim3A_50 : vector<1x128xf32>
    %swap3A_52 = arith.constant 1 : index
    %swap3A_53 = arith.constant 0 : index
    %swap3A_54 = vector.load %arg8[%swap3A_52, %swap3A_53] : memref<8x128xf32, #tpu.memory_space<vmem>>, vector<1x128xf32>
    tpu.vector_store %arg8[%swap3A_52, %swap3A_53], %add3A_51 {strides = array<i32>} : memref<8x128xf32, #tpu.memory_space<vmem>>, vector<1x128xf32>,
    %swap3A_55 = arith.constant 0 : index
    %swap3A_56 = arith.constant 0 : index
    %swap3A_57 = vector.load %arg6[%swap3A_55, %swap3A_56] : memref<1000x128xf32, #tpu.memory_space<vmem>>, vector<1000x128xf32>
    tpu.vector_store %arg6[%swap3A_55, %swap3A_56], %dot_general3A_36 {strides = array<i32>} : memref<1000x128xf32, #tpu.memory_space<vmem>>, vector<1000x128xf32>,
    %get3A_58 = arith.constant 0 : index
    %get3A_59 = arith.constant 0 : index
    %get3A_60 = vector.load %arg8[%get3A_58, %get3A_59] : memref<8x128xf32, #tpu.memory_space<vmem>>, vector<8x128xf32>
    %swap3A_61 = arith.constant 0 : index
    %swap3A_62 = arith.constant 0 : index
    %swap3A_63 = vector.load %arg7[%swap3A_61, %swap3A_62] : memref<8x128xf32, #tpu.memory_space<vmem>>, vector<8x128xf32>
    tpu.vector_store %arg7[%swap3A_61, %swap3A_62], %get3A_60 {strides = array<i32>} : memref<8x128xf32, #tpu.memory_space<vmem>>, vector<8x128xf32>,
    return
  }
  func.func @transform_0(%arg0: i32) -> (i32, i32) {
    %c0_i32 = arith.constant 0 : i32
    %c0_i32_0 = arith.constant 0 : i32
    return %arg0, %c0_i32 : i32, i32
  }
  func.func @transform_1(%arg0: i32) -> (i32, i32) {
    %c0_i32 = arith.constant 0 : i32
    %c0_i32_0 = arith.constant 0 : i32
    %c0_i32_1 = arith.constant 0 : i32
    return %c0_i32, %c0_i32_0 : i32, i32
  }
  func.func @transform_2(%arg0: i32) -> (i32, i32) {
    %c0_i32 = arith.constant 0 : i32
    %c0_i32_0 = arith.constant 0 : i32
    %c0_i32_1 = arith.constant 0 : i32
    return %c0_i32, %c0_i32_0 : i32, i32
  }
  func.func @transform_3(%arg0: i32) -> (i32, i32) {
    %c0_i32 = arith.constant 0 : i32
    %c0_i32_0 = arith.constant 0 : i32
    %c0_i32_1 = arith.constant 0 : i32
    return %c0_i32, %c0_i32_0 : i32, i32
  }
  func.func @transform_4(%arg0: i32) -> (i32, i32) {
    %c0_i32 = arith.constant 0 : i32
    %c0_i32_0 = arith.constant 0 : i32
    %c0_i32_1 = arith.constant 0 : i32
    return %c0_i32, %c0_i32_0 : i32, i32
  }
  func.func @transform_5(%arg0: i32) -> (i32, i32) {
    %c0_i32 = arith.constant 0 : i32
    %c0_i32_0 = arith.constant 0 : i32
    return %arg0, %c0_i32 : i32, i32
  }
  func.func @transform_6(%arg0: i32) -> (i32, i32) {
    %c0_i32 = arith.constant 0 : i32
    %c0_i32_0 = arith.constant 0 : i32
    %c0_i32_1 = arith.constant 0 : i32
    return %c0_i32, %c0_i32_0 : i32, i32
  }
}

module attributes {stable_mosaic.version = 14 : i64} {
  func.func @_p3_body(%arg0: i32, %arg1: memref<1000x128xf32, #tpu.memory_space<vmem>>, %arg2: memref<8x128xf32, #tpu.memory_space<vmem>>, %arg3: memref<1x128xf32, #tpu.memory_space<vmem>>, %arg4: memref<1x128xf32, #tpu.memory_space<vmem>>, %arg5: memref<1000x128xf32, #tpu.memory_space<vmem>>) attributes {dimension_semantics = [#tpu.dimension_semantics<arbitrary>], iteration_bounds = array<i64: 10>, scalar_prefetch = 0 : i64, scratch_operands = 0 : i64, tpu.core_type = #tpu.core_type<tc>, window_params = [{transform_indices = @transform_0, window_bounds = array<i64: 1000, 128>}, {pipeline_mode = #tpu.pipeline_mode<synchronous>, transform_indices = @transform_1, window_bounds = array<i64: 8, 128>}, {pipeline_mode = #tpu.pipeline_mode<synchronous>, transform_indices = @transform_2, window_bounds = array<i64: 1, 128>}, {pipeline_mode = #tpu.pipeline_mode<synchronous>, transform_indices = @transform_3, window_bounds = array<i64: 1, 128>}, {transform_indices = @transform_4, window_bounds = array<i64: 1000, 128>}]} {
    %get3A = arith.constant 0 : index
    %get3A_0 = arith.constant 0 : index
    %get3A_1 = vector.load %arg2[%get3A, %get3A_0] : memref<8x128xf32, #tpu.memory_space<vmem>>, vector<1x128xf32>
    %get3A_2 = arith.constant 1 : index
    %get3A_3 = arith.constant 0 : index
    %get3A_4 = vector.load %arg2[%get3A_2, %get3A_3] : memref<8x128xf32, #tpu.memory_space<vmem>>, vector<1x128xf32>
    %mul3A = arith.constant 9.99999974E-5 : f32
    %mul3A_5 = vector.broadcast %mul3A : f32 to vector<1x128xf32>
    %mul3A_6 = arith.mulf %get3A_1, %mul3A_5 : vector<1x128xf32>
    %mul3A_7 = arith.constant 9.99999974E-5 : f32
    %mul3A_8 = vector.broadcast %mul3A_7 : f32 to vector<1x128xf32>
    %mul3A_9 = arith.mulf %get3A_4, %mul3A_8 : vector<1x128xf32>
    %mul3A_10 = arith.mulf %mul3A_6, %mul3A_6 : vector<1x128xf32>
    %sub3A = arith.subf %mul3A_9, %mul3A_10 : vector<1x128xf32>
    %get3A_11 = arith.constant 0 : index
    %get3A_12 = arith.constant 0 : index
    %get3A_13 = vector.load %arg3[%get3A_11, %get3A_12] : memref<1x128xf32, #tpu.memory_space<vmem>>, vector<1x128xf32>
    %add3A = arith.constant 9.99999974E-6 : f32
    %add3A_14 = vector.broadcast %add3A : f32 to vector<1x128xf32>
    %add3A_15 = arith.addf %sub3A, %add3A_14 : vector<1x128xf32>
    %rsqrt3A = math.rsqrt %add3A_15 : vector<1x128xf32>
    %mul3A_16 = arith.mulf %get3A_13, %rsqrt3A : vector<1x128xf32>
    %get3A_17 = arith.constant 0 : index
    %get3A_18 = arith.constant 0 : index
    %get3A_19 = vector.load %arg4[%get3A_17, %get3A_18] : memref<1x128xf32, #tpu.memory_space<vmem>>, vector<1x128xf32>
    %mul3A_20 = arith.mulf %mul3A_6, %mul3A_16 : vector<1x128xf32>
    %sub3A_21 = arith.subf %get3A_19, %mul3A_20 : vector<1x128xf32>
    %get3A_22 = arith.constant 0 : index
    %get3A_23 = arith.constant 0 : index
    %get3A_24 = vector.load %arg1[%get3A_22, %get3A_23] : memref<1000x128xf32, #tpu.memory_space<vmem>>, vector<1000x128xf32>
    %mul3A_25 = vector.broadcast %mul3A_16 : vector<1x128xf32> to vector<1000x128xf32>
    %mul3A_26 = arith.mulf %get3A_24, %mul3A_25 : vector<1000x128xf32>
    %add3A_27 = vector.broadcast %sub3A_21 : vector<1x128xf32> to vector<1000x128xf32>
    %add3A_28 = arith.addf %mul3A_26, %add3A_27 : vector<1000x128xf32>
    %max3A = arith.constant 0.000000e+00 : f32
    %max3A_29 = vector.broadcast %max3A : f32 to vector<1000x128xf32>
    %max3A_30 = arith.maximumf %add3A_28, %max3A_29 : vector<1000x128xf32>
    %swap3A = arith.constant 0 : index
    %swap3A_31 = arith.constant 0 : index
    %swap3A_32 = vector.load %arg5[%swap3A, %swap3A_31] : memref<1000x128xf32, #tpu.memory_space<vmem>>, vector<1000x128xf32>
    tpu.vector_store %arg5[%swap3A, %swap3A_31], %max3A_30 {strides = array<i32>} : memref<1000x128xf32, #tpu.memory_space<vmem>>, vector<1000x128xf32>,
    return
  }
  func.func @transform_0(%arg0: i32) -> (i32, i32) {
    %c0_i32 = arith.constant 0 : i32
    %c0_i32_0 = arith.constant 0 : i32
    return %arg0, %c0_i32 : i32, i32
  }
  func.func @transform_1(%arg0: i32) -> (i32, i32) {
    %c0_i32 = arith.constant 0 : i32
    %c0_i32_0 = arith.constant 0 : i32
    %c0_i32_1 = arith.constant 0 : i32
    return %c0_i32, %c0_i32_0 : i32, i32
  }
  func.func @transform_2(%arg0: i32) -> (i32, i32) {
    %c0_i32 = arith.constant 0 : i32
    %c0_i32_0 = arith.constant 0 : i32
    %c0_i32_1 = arith.constant 0 : i32
    return %c0_i32, %c0_i32_0 : i32, i32
  }
  func.func @transform_3(%arg0: i32) -> (i32, i32) {
    %c0_i32 = arith.constant 0 : i32
    %c0_i32_0 = arith.constant 0 : i32
    %c0_i32_1 = arith.constant 0 : i32
    return %c0_i32, %c0_i32_0 : i32, i32
  }
  func.func @transform_4(%arg0: i32) -> (i32, i32) {
    %c0_i32 = arith.constant 0 : i32
    %c0_i32_0 = arith.constant 0 : i32
    return %arg0, %c0_i32 : i32, i32
  }
}

module attributes {stable_mosaic.version = 14 : i64} {
  func.func @_ep1_body(%arg0: i32, %arg1: memref<2000x128xf32, #tpu.memory_space<vmem>>, %arg2: memref<2000x128xi32, #tpu.memory_space<vmem>>, %arg3: memref<2000x128xi32, #tpu.memory_space<vmem>>, %arg4: memref<896x256xf32, #tpu.memory_space<vmem>>, %arg5: memref<2000x128xi32, #tpu.memory_space<vmem>>, %arg6: memref<8x256xf32, #tpu.memory_space<vmem>>, %arg7: memref<8x256xf32, #tpu.memory_space<vmem>>) attributes {dimension_semantics = [#tpu.dimension_semantics<arbitrary>], iteration_bounds = array<i64: 160>, scalar_prefetch = 0 : i64, scratch_operands = 1 : i64, tpu.core_type = #tpu.core_type<tc>, window_params = [{transform_indices = @transform_0, window_bounds = array<i64: 2000, 128>}, {transform_indices = @transform_1, window_bounds = array<i64: 2000, 128>}, {transform_indices = @transform_2, window_bounds = array<i64: 2000, 128>}, {pipeline_mode = #tpu.pipeline_mode<synchronous>, transform_indices = @transform_3, window_bounds = array<i64: 896, 256>}, {transform_indices = @transform_4, window_bounds = array<i64: 2000, 128>}, {pipeline_mode = #tpu.pipeline_mode<synchronous>, transform_indices = @transform_5, window_bounds = array<i64: 8, 256>}]} {
    %eq3A = arith.constant 0 : i32
    %eq3A_0 = arith.cmpi eq, %arg0, %eq3A : i32
    %convert_element_type3A = arith.extui %eq3A_0 : i1 to i32
    %cond3A = arith.constant 0 : i32
    %cond3A_1 = arith.cmpi ne, %convert_element_type3A, %cond3A : i32
    scf.if %cond3A_1 {
      %broadcast_in_dim3A_98 = arith.constant 0.000000e+00 : f32
      %broadcast_in_dim3A_99 = vector.broadcast %broadcast_in_dim3A_98 : f32 to vector<8x256xf32>
      %swap3A_100 = arith.constant 0 : index
      %swap3A_101 = arith.constant 0 : index
      %swap3A_102 = vector.load %arg7[%swap3A_100, %swap3A_101] : memref<8x256xf32, #tpu.memory_space<vmem>>, vector<8x256xf32>
      tpu.vector_store %arg7[%swap3A_100, %swap3A_101], %broadcast_in_dim3A_99 {strides = array<i32>} : memref<8x256xf32, #tpu.memory_space<vmem>>, vector<8x256xf32>,
    } else {
    }
    %get3A = arith.constant 0 : index
    %get3A_2 = arith.constant 0 : index
    %get3A_3 = vector.load %arg4[%get3A, %get3A_2] : memref<896x256xf32, #tpu.memory_space<vmem>>, vector<896x256xf32>
    %slice3A = vector.extract_strided_slice %get3A_3 {offsets = [0, 0], sizes = [128, 256], strides = [1, 1]} : vector<896x256xf32> to vector<128x256xf32>
    %slice3A_4 = vector.extract_strided_slice %get3A_3 {offsets = [128, 0], sizes = [128, 256], strides = [1, 1]} : vector<896x256xf32> to vector<128x256xf32>
    %add3A = arith.addf %slice3A, %slice3A_4 : vector<128x256xf32>
    %get3A_5 = arith.constant 0 : index
    %get3A_6 = arith.constant 0 : index
    %get3A_7 = vector.load %arg1[%get3A_5, %get3A_6] : memref<2000x128xf32, #tpu.memory_space<vmem>>, vector<2000x128xf32>
    %dot_general3A = arith.constant dense<0.000000e+00> : vector<2000x256xf32>
    %dot_general3A_8 = tpu.matmul %get3A_7, %add3A, %dot_general3A {dimension_numbers = #tpu.dot_dimension_numbers<[1], [0], [0], [1], [0, 0, 1, 1], [], []>, transpose_lhs_hint = false} : vector<2000x128xf32>, vector<128x256xf32>, vector<2000x256xf32> -> vector<2000x256xf32>
    %get3A_9 = arith.constant 0 : index
    %get3A_10 = arith.constant 0 : index
    %get3A_11 = vector.load %arg2[%get3A_9, %get3A_10] : memref<2000x128xi32, #tpu.memory_space<vmem>>, vector<2000x128xi32>
    %shift_left3A = arith.constant 16 : i32
    %shift_left3A_12 = vector.broadcast %shift_left3A : i32 to vector<2000x128xi32>
    %shift_left3A_13 = arith.shli %get3A_11, %shift_left3A_12 : vector<2000x128xi32>
    %bitcast_convert_type3A = tpu.bitcast %shift_left3A_13 : vector<2000x128xi32> -> vector<2000x128xf32>
    %shift_right_arithmetic3A = arith.constant 16 : i32
    %shift_right_arithmetic3A_14 = vector.broadcast %shift_right_arithmetic3A : i32 to vector<2000x128xi32>
    %shift_right_arithmetic3A_15 = arith.shrsi %get3A_11, %shift_right_arithmetic3A_14 : vector<2000x128xi32>
    %shift_left3A_16 = arith.constant 16 : i32
    %shift_left3A_17 = vector.broadcast %shift_left3A_16 : i32 to vector<2000x128xi32>
    %shift_left3A_18 = arith.shli %shift_right_arithmetic3A_15, %shift_left3A_17 : vector<2000x128xi32>
    %bitcast_convert_type3A_19 = tpu.bitcast %shift_left3A_18 : vector<2000x128xi32> -> vector<2000x128xf32>
    %concatenate3A = tpu.concatenate %bitcast_convert_type3A, %bitcast_convert_type3A_19 in 1 : vector<2000x128xf32>, vector<2000x128xf32> -> vector<2000x256xf32>
    %add3A_20 = arith.addf %dot_general3A_8, %concatenate3A : vector<2000x256xf32>
    %get3A_21 = arith.constant 0 : index
    %get3A_22 = arith.constant 0 : index
    %get3A_23 = vector.load %arg3[%get3A_21, %get3A_22] : memref<2000x128xi32, #tpu.memory_space<vmem>>, vector<2000x128xi32>
    %shift_left3A_24 = arith.constant 16 : i32
    %shift_left3A_25 = vector.broadcast %shift_left3A_24 : i32 to vector<2000x128xi32>
    %shift_left3A_26 = arith.shli %get3A_23, %shift_left3A_25 : vector<2000x128xi32>
    %bitcast_convert_type3A_27 = tpu.bitcast %shift_left3A_26 : vector<2000x128xi32> -> vector<2000x128xf32>
    %shift_right_arithmetic3A_28 = arith.constant 16 : i32
    %shift_right_arithmetic3A_29 = vector.broadcast %shift_right_arithmetic3A_28 : i32 to vector<2000x128xi32>
    %shift_right_arithmetic3A_30 = arith.shrsi %get3A_23, %shift_right_arithmetic3A_29 : vector<2000x128xi32>
    %shift_left3A_31 = arith.constant 16 : i32
    %shift_left3A_32 = vector.broadcast %shift_left3A_31 : i32 to vector<2000x128xi32>
    %shift_left3A_33 = arith.shli %shift_right_arithmetic3A_30, %shift_left3A_32 : vector<2000x128xi32>
    %bitcast_convert_type3A_34 = tpu.bitcast %shift_left3A_33 : vector<2000x128xi32> -> vector<2000x128xf32>
    %concatenate3A_35 = tpu.concatenate %bitcast_convert_type3A_27, %bitcast_convert_type3A_34 in 1 : vector<2000x128xf32>, vector<2000x128xf32> -> vector<2000x256xf32>
    %add3A_36 = arith.addf %add3A_20, %concatenate3A_35 : vector<2000x256xf32>
    %get3A_37 = arith.constant 0 : index
    %get3A_38 = arith.constant 0 : index
    %get3A_39 = vector.load %arg7[%get3A_37, %get3A_38] : memref<8x256xf32, #tpu.memory_space<vmem>>, vector<1x256xf32>
    %reduce_sum3A = arith.constant dense<0.000000e+00> : vector<256xf32>
    %reduce_sum3A_40 = vector.multi_reduction <add>, %add3A_36, %reduce_sum3A [0] : vector<2000x256xf32> to vector<256xf32>
    %broadcast_in_dim3A = vector.shape_cast %reduce_sum3A_40 : vector<256xf32> to vector<1x256xf32>
    %add3A_41 = arith.addf %get3A_39, %broadcast_in_dim3A : vector<1x256xf32>
    %swap3A = arith.constant 0 : index
    %swap3A_42 = arith.constant 0 : index
    %swap3A_43 = vector.load %arg7[%swap3A, %swap3A_42] : memref<8x256xf32, #tpu.memory_space<vmem>>, vector<1x256xf32>
    tpu.vector_store %arg7[%swap3A, %swap3A_42], %add3A_41 {strides = array<i32>} : memref<8x256xf32, #tpu.memory_space<vmem>>, vector<1x256xf32>,
    %get3A_44 = arith.constant 1 : index
    %get3A_45 = arith.constant 0 : index
    %get3A_46 = vector.load %arg7[%get3A_44, %get3A_45] : memref<8x256xf32, #tpu.memory_space<vmem>>, vector<1x256xf32>
    %mul3A = arith.mulf %add3A_36, %add3A_36 : vector<2000x256xf32>
    %reduce_sum3A_47 = arith.constant dense<0.000000e+00> : vector<256xf32>
    %reduce_sum3A_48 = vector.multi_reduction <add>, %mul3A, %reduce_sum3A_47 [0] : vector<2000x256xf32> to vector<256xf32>
    %broadcast_in_dim3A_49 = vector.shape_cast %reduce_sum3A_48 : vector<256xf32> to vector<1x256xf32>
    %add3A_50 = arith.addf %get3A_46, %broadcast_in_dim3A_49 : vector<1x256xf32>
    %swap3A_51 = arith.constant 1 : index
    %swap3A_52 = arith.constant 0 : index
    %swap3A_53 = vector.load %arg7[%swap3A_51, %swap3A_52] : memref<8x256xf32, #tpu.memory_space<vmem>>, vector<1x256xf32>
    tpu.vector_store %arg7[%swap3A_51, %swap3A_52], %add3A_50 {strides = array<i32>} : memref<8x256xf32, #tpu.memory_space<vmem>>, vector<1x256xf32>,
    %slice3A_54 = vector.extract_strided_slice %add3A_36 {offsets = [0, 0], sizes = [2000, 128], strides = [1, 1]} : vector<2000x256xf32> to vector<2000x128xf32>
    %slice3A_55 = vector.extract_strided_slice %add3A_36 {offsets = [0, 128], sizes = [2000, 128], strides = [1, 1]} : vector<2000x256xf32> to vector<2000x128xf32>
    %bitcast_convert_type3A_56 = tpu.bitcast %slice3A_55 : vector<2000x128xf32> -> vector<2000x128xi32>
    %add3A_57 = arith.constant 32767 : i32
    %add3A_58 = vector.broadcast %add3A_57 : i32 to vector<2000x128xi32>
    %add3A_59 = arith.addi %bitcast_convert_type3A_56, %add3A_58 : vector<2000x128xi32>
    %shift_right_arithmetic3A_60 = arith.constant 16 : i32
    %shift_right_arithmetic3A_61 = vector.broadcast %shift_right_arithmetic3A_60 : i32 to vector<2000x128xi32>
    %shift_right_arithmetic3A_62 = arith.shrsi %bitcast_convert_type3A_56, %shift_right_arithmetic3A_61 : vector<2000x128xi32>
    %and3A = arith.constant 1 : i32
    %and3A_63 = vector.broadcast %and3A : i32 to vector<2000x128xi32>
    %and3A_64 = arith.andi %shift_right_arithmetic3A_62, %and3A_63 : vector<2000x128xi32>
    %add3A_65 = arith.addi %add3A_59, %and3A_64 : vector<2000x128xi32>
    %shift_right_arithmetic3A_66 = arith.constant 16 : i32
    %shift_right_arithmetic3A_67 = vector.broadcast %shift_right_arithmetic3A_66 : i32 to vector<2000x128xi32>
    %shift_right_arithmetic3A_68 = arith.shrsi %add3A_65, %shift_right_arithmetic3A_67 : vector<2000x128xi32>
    %shift_left3A_69 = arith.constant 16 : i32
    %shift_left3A_70 = vector.broadcast %shift_left3A_69 : i32 to vector<2000x128xi32>
    %shift_left3A_71 = arith.shli %shift_right_arithmetic3A_68, %shift_left3A_70 : vector<2000x128xi32>
    %bitcast_convert_type3A_72 = tpu.bitcast %slice3A_54 : vector<2000x128xf32> -> vector<2000x128xi32>
    %add3A_73 = arith.constant 32767 : i32
    %add3A_74 = vector.broadcast %add3A_73 : i32 to vector<2000x128xi32>
    %add3A_75 = arith.addi %bitcast_convert_type3A_72, %add3A_74 : vector<2000x128xi32>
    %shift_right_arithmetic3A_76 = arith.constant 16 : i32
    %shift_right_arithmetic3A_77 = vector.broadcast %shift_right_arithmetic3A_76 : i32 to vector<2000x128xi32>
    %shift_right_arithmetic3A_78 = arith.shrsi %bitcast_convert_type3A_72, %shift_right_arithmetic3A_77 : vector<2000x128xi32>
    %and3A_79 = arith.constant 1 : i32
    %and3A_80 = vector.broadcast %and3A_79 : i32 to vector<2000x128xi32>
    %and3A_81 = arith.andi %shift_right_arithmetic3A_78, %and3A_80 : vector<2000x128xi32>
    %add3A_82 = arith.addi %add3A_75, %and3A_81 : vector<2000x128xi32>
    %shift_right_arithmetic3A_83 = arith.constant 16 : i32
    %shift_right_arithmetic3A_84 = vector.broadcast %shift_right_arithmetic3A_83 : i32 to vector<2000x128xi32>
    %shift_right_arithmetic3A_85 = arith.shrsi %add3A_82, %shift_right_arithmetic3A_84 : vector<2000x128xi32>
    %and3A_86 = arith.constant 65535 : i32
    %and3A_87 = vector.broadcast %and3A_86 : i32 to vector<2000x128xi32>
    %and3A_88 = arith.andi %shift_right_arithmetic3A_85, %and3A_87 : vector<2000x128xi32>
    %or3A = arith.ori %shift_left3A_71, %and3A_88 : vector<2000x128xi32>
    %swap3A_89 = arith.constant 0 : index
    %swap3A_90 = arith.constant 0 : index
    %swap3A_91 = vector.load %arg5[%swap3A_89, %swap3A_90] : memref<2000x128xi32, #tpu.memory_space<vmem>>, vector<2000x128xi32>
    tpu.vector_store %arg5[%swap3A_89, %swap3A_90], %or3A {strides = array<i32>} : memref<2000x128xi32, #tpu.memory_space<vmem>>, vector<2000x128xi32>,
    %get3A_92 = arith.constant 0 : index
    %get3A_93 = arith.constant 0 : index
    %get3A_94 = vector.load %arg7[%get3A_92, %get3A_93] : memref<8x256xf32, #tpu.memory_space<vmem>>, vector<8x256xf32>
    %swap3A_95 = arith.constant 0 : index
    %swap3A_96 = arith.constant 0 : index
    %swap3A_97 = vector.load %arg6[%swap3A_95, %swap3A_96] : memref<8x256xf32, #tpu.memory_space<vmem>>, vector<8x256xf32>
    tpu.vector_store %arg6[%swap3A_95, %swap3A_96], %get3A_94 {strides = array<i32>} : memref<8x256xf32, #tpu.memory_space<vmem>>, vector<8x256xf32>,
    return
  }
  func.func @transform_0(%arg0: i32) -> (i32, i32) {
    %c0_i32 = arith.constant 0 : i32
    %c0_i32_0 = arith.constant 0 : i32
    return %arg0, %c0_i32 : i32, i32
  }
  func.func @transform_1(%arg0: i32) -> (i32, i32) {
    %c0_i32 = arith.constant 0 : i32
    %c0_i32_0 = arith.constant 0 : i32
    return %arg0, %c0_i32 : i32, i32
  }
  func.func @transform_2(%arg0: i32) -> (i32, i32) {
    %c0_i32 = arith.constant 0 : i32
    %c0_i32_0 = arith.constant 0 : i32
    return %arg0, %c0_i32 : i32, i32
  }
  func.func @transform_3(%arg0: i32) -> (i32, i32) {
    %c0_i32 = arith.constant 0 : i32
    %c0_i32_0 = arith.constant 0 : i32
    %c0_i32_1 = arith.constant 0 : i32
    return %c0_i32, %c0_i32_0 : i32, i32
  }
  func.func @transform_4(%arg0: i32) -> (i32, i32) {
    %c0_i32 = arith.constant 0 : i32
    %c0_i32_0 = arith.constant 0 : i32
    return %arg0, %c0_i32 : i32, i32
  }
  func.func @transform_5(%arg0: i32) -> (i32, i32) {
    %c0_i32 = arith.constant 0 : i32
    %c0_i32_0 = arith.constant 0 : i32
    %c0_i32_1 = arith.constant 0 : i32
    return %c0_i32, %c0_i32_0 : i32, i32
  }
}

module attributes {stable_mosaic.version = 14 : i64} {
  func.func @_ep2_body(%arg0: i32, %arg1: memref<2000x128xi32, #tpu.memory_space<vmem>>, %arg2: memref<8x256xf32, #tpu.memory_space<vmem>>, %arg3: memref<1x256xf32, #tpu.memory_space<vmem>>, %arg4: memref<1x256xf32, #tpu.memory_space<vmem>>, %arg5: memref<256x128xf32, #tpu.memory_space<vmem>>, %arg6: memref<2000x64xi32, #tpu.memory_space<vmem>>, %arg7: memref<8x128xf32, #tpu.memory_space<vmem>>, %arg8: memref<8x128xf32, #tpu.memory_space<vmem>>) attributes {dimension_semantics = [#tpu.dimension_semantics<arbitrary>], iteration_bounds = array<i64: 160>, scalar_prefetch = 0 : i64, scratch_operands = 1 : i64, tpu.core_type = #tpu.core_type<tc>, window_params = [{transform_indices = @transform_0, window_bounds = array<i64: 2000, 128>}, {pipeline_mode = #tpu.pipeline_mode<synchronous>, transform_indices = @transform_1, window_bounds = array<i64: 8, 256>}, {pipeline_mode = #tpu.pipeline_mode<synchronous>, transform_indices = @transform_2, window_bounds = array<i64: 1, 256>}, {pipeline_mode = #tpu.pipeline_mode<synchronous>, transform_indices = @transform_3, window_bounds = array<i64: 1, 256>}, {pipeline_mode = #tpu.pipeline_mode<synchronous>, transform_indices = @transform_4, window_bounds = array<i64: 256, 128>}, {transform_indices = @transform_5, window_bounds = array<i64: 2000, 64>}, {pipeline_mode = #tpu.pipeline_mode<synchronous>, transform_indices = @transform_6, window_bounds = array<i64: 8, 128>}]} {
    %eq3A = arith.constant 0 : i32
    %eq3A_0 = arith.cmpi eq, %arg0, %eq3A : i32
    %convert_element_type3A = arith.extui %eq3A_0 : i1 to i32
    %cond3A = arith.constant 0 : i32
    %cond3A_1 = arith.cmpi ne, %convert_element_type3A, %cond3A : i32
    scf.if %cond3A_1 {
      %broadcast_in_dim3A_106 = arith.constant 0.000000e+00 : f32
      %broadcast_in_dim3A_107 = vector.broadcast %broadcast_in_dim3A_106 : f32 to vector<8x128xf32>
      %swap3A_108 = arith.constant 0 : index
      %swap3A_109 = arith.constant 0 : index
      %swap3A_110 = vector.load %arg8[%swap3A_108, %swap3A_109] : memref<8x128xf32, #tpu.memory_space<vmem>>, vector<8x128xf32>
      tpu.vector_store %arg8[%swap3A_108, %swap3A_109], %broadcast_in_dim3A_107 {strides = array<i32>} : memref<8x128xf32, #tpu.memory_space<vmem>>, vector<8x128xf32>,
    } else {
    }
    %get3A = arith.constant 0 : index
    %get3A_2 = arith.constant 0 : index
    %get3A_3 = vector.load %arg1[%get3A, %get3A_2] : memref<2000x128xi32, #tpu.memory_space<vmem>>, vector<2000x128xi32>
    %shift_left3A = arith.constant 16 : i32
    %shift_left3A_4 = vector.broadcast %shift_left3A : i32 to vector<2000x128xi32>
    %shift_left3A_5 = arith.shli %get3A_3, %shift_left3A_4 : vector<2000x128xi32>
    %bitcast_convert_type3A = tpu.bitcast %shift_left3A_5 : vector<2000x128xi32> -> vector<2000x128xf32>
    %shift_right_arithmetic3A = arith.constant 16 : i32
    %shift_right_arithmetic3A_6 = vector.broadcast %shift_right_arithmetic3A : i32 to vector<2000x128xi32>
    %shift_right_arithmetic3A_7 = arith.shrsi %get3A_3, %shift_right_arithmetic3A_6 : vector<2000x128xi32>
    %shift_left3A_8 = arith.constant 16 : i32
    %shift_left3A_9 = vector.broadcast %shift_left3A_8 : i32 to vector<2000x128xi32>
    %shift_left3A_10 = arith.shli %shift_right_arithmetic3A_7, %shift_left3A_9 : vector<2000x128xi32>
    %bitcast_convert_type3A_11 = tpu.bitcast %shift_left3A_10 : vector<2000x128xi32> -> vector<2000x128xf32>
    %concatenate3A = tpu.concatenate %bitcast_convert_type3A, %bitcast_convert_type3A_11 in 1 : vector<2000x128xf32>, vector<2000x128xf32> -> vector<2000x256xf32>
    %get3A_12 = arith.constant 0 : index
    %get3A_13 = arith.constant 0 : index
    %get3A_14 = vector.load %arg2[%get3A_12, %get3A_13] : memref<8x256xf32, #tpu.memory_space<vmem>>, vector<1x256xf32>
    %get3A_15 = arith.constant 1 : index
    %get3A_16 = arith.constant 0 : index
    %get3A_17 = vector.load %arg2[%get3A_15, %get3A_16] : memref<8x256xf32, #tpu.memory_space<vmem>>, vector<1x256xf32>
    %mul3A = arith.constant 3.125000e-06 : f32
    %mul3A_18 = vector.broadcast %mul3A : f32 to vector<1x256xf32>
    %mul3A_19 = arith.mulf %get3A_14, %mul3A_18 : vector<1x256xf32>
    %mul3A_20 = arith.constant 3.125000e-06 : f32
    %mul3A_21 = vector.broadcast %mul3A_20 : f32 to vector<1x256xf32>
    %mul3A_22 = arith.mulf %get3A_17, %mul3A_21 : vector<1x256xf32>
    %mul3A_23 = arith.mulf %mul3A_19, %mul3A_19 : vector<1x256xf32>
    %sub3A = arith.subf %mul3A_22, %mul3A_23 : vector<1x256xf32>
    %get3A_24 = arith.constant 0 : index
    %get3A_25 = arith.constant 0 : index
    %get3A_26 = vector.load %arg3[%get3A_24, %get3A_25] : memref<1x256xf32, #tpu.memory_space<vmem>>, vector<1x256xf32>
    %add3A = arith.constant 9.99999974E-6 : f32
    %add3A_27 = vector.broadcast %add3A : f32 to vector<1x256xf32>
    %add3A_28 = arith.addf %sub3A, %add3A_27 : vector<1x256xf32>
    %rsqrt3A = math.rsqrt %add3A_28 : vector<1x256xf32>
    %mul3A_29 = arith.mulf %get3A_26, %rsqrt3A : vector<1x256xf32>
    %get3A_30 = arith.constant 0 : index
    %get3A_31 = arith.constant 0 : index
    %get3A_32 = vector.load %arg4[%get3A_30, %get3A_31] : memref<1x256xf32, #tpu.memory_space<vmem>>, vector<1x256xf32>
    %mul3A_33 = arith.mulf %mul3A_19, %mul3A_29 : vector<1x256xf32>
    %sub3A_34 = arith.subf %get3A_32, %mul3A_33 : vector<1x256xf32>
    %mul3A_35 = vector.broadcast %mul3A_29 : vector<1x256xf32> to vector<2000x256xf32>
    %mul3A_36 = arith.mulf %concatenate3A, %mul3A_35 : vector<2000x256xf32>
    %add3A_37 = vector.broadcast %sub3A_34 : vector<1x256xf32> to vector<2000x256xf32>
    %add3A_38 = arith.addf %mul3A_36, %add3A_37 : vector<2000x256xf32>
    %max3A = arith.constant 0.000000e+00 : f32
    %max3A_39 = vector.broadcast %max3A : f32 to vector<2000x256xf32>
    %max3A_40 = arith.maximumf %add3A_38, %max3A_39 : vector<2000x256xf32>
    %get3A_41 = arith.constant 0 : index
    %get3A_42 = arith.constant 0 : index
    %get3A_43 = vector.load %arg5[%get3A_41, %get3A_42] : memref<256x128xf32, #tpu.memory_space<vmem>>, vector<256x128xf32>
    %dot_general3A = arith.constant dense<0.000000e+00> : vector<2000x128xf32>
    %dot_general3A_44 = tpu.matmul %max3A_40, %get3A_43, %dot_general3A {dimension_numbers = #tpu.dot_dimension_numbers<[1], [0], [0], [1], [0, 0, 1, 1], [], []>, transpose_lhs_hint = false} : vector<2000x256xf32>, vector<256x128xf32>, vector<2000x128xf32> -> vector<2000x128xf32>
    %get3A_45 = arith.constant 0 : index
    %get3A_46 = arith.constant 0 : index
    %get3A_47 = vector.load %arg8[%get3A_45, %get3A_46] : memref<8x128xf32, #tpu.memory_space<vmem>>, vector<1x128xf32>
    %reduce_sum3A = arith.constant dense<0.000000e+00> : vector<128xf32>
    %reduce_sum3A_48 = vector.multi_reduction <add>, %dot_general3A_44, %reduce_sum3A [0] : vector<2000x128xf32> to vector<128xf32>
    %broadcast_in_dim3A = vector.shape_cast %reduce_sum3A_48 : vector<128xf32> to vector<1x128xf32>
    %add3A_49 = arith.addf %get3A_47, %broadcast_in_dim3A : vector<1x128xf32>
    %swap3A = arith.constant 0 : index
    %swap3A_50 = arith.constant 0 : index
    %swap3A_51 = vector.load %arg8[%swap3A, %swap3A_50] : memref<8x128xf32, #tpu.memory_space<vmem>>, vector<1x128xf32>
    tpu.vector_store %arg8[%swap3A, %swap3A_50], %add3A_49 {strides = array<i32>} : memref<8x128xf32, #tpu.memory_space<vmem>>, vector<1x128xf32>,
    %get3A_52 = arith.constant 1 : index
    %get3A_53 = arith.constant 0 : index
    %get3A_54 = vector.load %arg8[%get3A_52, %get3A_53] : memref<8x128xf32, #tpu.memory_space<vmem>>, vector<1x128xf32>
    %mul3A_55 = arith.mulf %dot_general3A_44, %dot_general3A_44 : vector<2000x128xf32>
    %reduce_sum3A_56 = arith.constant dense<0.000000e+00> : vector<128xf32>
    %reduce_sum3A_57 = vector.multi_reduction <add>, %mul3A_55, %reduce_sum3A_56 [0] : vector<2000x128xf32> to vector<128xf32>
    %broadcast_in_dim3A_58 = vector.shape_cast %reduce_sum3A_57 : vector<128xf32> to vector<1x128xf32>
    %add3A_59 = arith.addf %get3A_54, %broadcast_in_dim3A_58 : vector<1x128xf32>
    %swap3A_60 = arith.constant 1 : index
    %swap3A_61 = arith.constant 0 : index
    %swap3A_62 = vector.load %arg8[%swap3A_60, %swap3A_61] : memref<8x128xf32, #tpu.memory_space<vmem>>, vector<1x128xf32>
    tpu.vector_store %arg8[%swap3A_60, %swap3A_61], %add3A_59 {strides = array<i32>} : memref<8x128xf32, #tpu.memory_space<vmem>>, vector<1x128xf32>,
    %slice3A = vector.extract_strided_slice %dot_general3A_44 {offsets = [0, 0], sizes = [2000, 64], strides = [1, 1]} : vector<2000x128xf32> to vector<2000x64xf32>
    %slice3A_63 = vector.extract_strided_slice %dot_general3A_44 {offsets = [0, 64], sizes = [2000, 64], strides = [1, 1]} : vector<2000x128xf32> to vector<2000x64xf32>
    %bitcast_convert_type3A_64 = tpu.bitcast %slice3A_63 : vector<2000x64xf32> -> vector<2000x64xi32>
    %add3A_65 = arith.constant 32767 : i32
    %add3A_66 = vector.broadcast %add3A_65 : i32 to vector<2000x64xi32>
    %add3A_67 = arith.addi %bitcast_convert_type3A_64, %add3A_66 : vector<2000x64xi32>
    %shift_right_arithmetic3A_68 = arith.constant 16 : i32
    %shift_right_arithmetic3A_69 = vector.broadcast %shift_right_arithmetic3A_68 : i32 to vector<2000x64xi32>
    %shift_right_arithmetic3A_70 = arith.shrsi %bitcast_convert_type3A_64, %shift_right_arithmetic3A_69 : vector<2000x64xi32>
    %and3A = arith.constant 1 : i32
    %and3A_71 = vector.broadcast %and3A : i32 to vector<2000x64xi32>
    %and3A_72 = arith.andi %shift_right_arithmetic3A_70, %and3A_71 : vector<2000x64xi32>
    %add3A_73 = arith.addi %add3A_67, %and3A_72 : vector<2000x64xi32>
    %shift_right_arithmetic3A_74 = arith.constant 16 : i32
    %shift_right_arithmetic3A_75 = vector.broadcast %shift_right_arithmetic3A_74 : i32 to vector<2000x64xi32>
    %shift_right_arithmetic3A_76 = arith.shrsi %add3A_73, %shift_right_arithmetic3A_75 : vector<2000x64xi32>
    %shift_left3A_77 = arith.constant 16 : i32
    %shift_left3A_78 = vector.broadcast %shift_left3A_77 : i32 to vector<2000x64xi32>
    %shift_left3A_79 = arith.shli %shift_right_arithmetic3A_76, %shift_left3A_78 : vector<2000x64xi32>
    %bitcast_convert_type3A_80 = tpu.bitcast %slice3A : vector<2000x64xf32> -> vector<2000x64xi32>
    %add3A_81 = arith.constant 32767 : i32
    %add3A_82 = vector.broadcast %add3A_81 : i32 to vector<2000x64xi32>
    %add3A_83 = arith.addi %bitcast_convert_type3A_80, %add3A_82 : vector<2000x64xi32>
    %shift_right_arithmetic3A_84 = arith.constant 16 : i32
    %shift_right_arithmetic3A_85 = vector.broadcast %shift_right_arithmetic3A_84 : i32 to vector<2000x64xi32>
    %shift_right_arithmetic3A_86 = arith.shrsi %bitcast_convert_type3A_80, %shift_right_arithmetic3A_85 : vector<2000x64xi32>
    %and3A_87 = arith.constant 1 : i32
    %and3A_88 = vector.broadcast %and3A_87 : i32 to vector<2000x64xi32>
    %and3A_89 = arith.andi %shift_right_arithmetic3A_86, %and3A_88 : vector<2000x64xi32>
    %add3A_90 = arith.addi %add3A_83, %and3A_89 : vector<2000x64xi32>
    %shift_right_arithmetic3A_91 = arith.constant 16 : i32
    %shift_right_arithmetic3A_92 = vector.broadcast %shift_right_arithmetic3A_91 : i32 to vector<2000x64xi32>
    %shift_right_arithmetic3A_93 = arith.shrsi %add3A_90, %shift_right_arithmetic3A_92 : vector<2000x64xi32>
    %and3A_94 = arith.constant 65535 : i32
    %and3A_95 = vector.broadcast %and3A_94 : i32 to vector<2000x64xi32>
    %and3A_96 = arith.andi %shift_right_arithmetic3A_93, %and3A_95 : vector<2000x64xi32>
    %or3A = arith.ori %shift_left3A_79, %and3A_96 : vector<2000x64xi32>
    %swap3A_97 = arith.constant 0 : index
    %swap3A_98 = arith.constant 0 : index
    %swap3A_99 = vector.load %arg6[%swap3A_97, %swap3A_98] : memref<2000x64xi32, #tpu.memory_space<vmem>>, vector<2000x64xi32>
    tpu.vector_store %arg6[%swap3A_97, %swap3A_98], %or3A {strides = array<i32>} : memref<2000x64xi32, #tpu.memory_space<vmem>>, vector<2000x64xi32>,
    %get3A_100 = arith.constant 0 : index
    %get3A_101 = arith.constant 0 : index
    %get3A_102 = vector.load %arg8[%get3A_100, %get3A_101] : memref<8x128xf32, #tpu.memory_space<vmem>>, vector<8x128xf32>
    %swap3A_103 = arith.constant 0 : index
    %swap3A_104 = arith.constant 0 : index
    %swap3A_105 = vector.load %arg7[%swap3A_103, %swap3A_104] : memref<8x128xf32, #tpu.memory_space<vmem>>, vector<8x128xf32>
    tpu.vector_store %arg7[%swap3A_103, %swap3A_104], %get3A_102 {strides = array<i32>} : memref<8x128xf32, #tpu.memory_space<vmem>>, vector<8x128xf32>,
    return
  }
  func.func @transform_0(%arg0: i32) -> (i32, i32) {
    %c0_i32 = arith.constant 0 : i32
    %c0_i32_0 = arith.constant 0 : i32
    return %arg0, %c0_i32 : i32, i32
  }
  func.func @transform_1(%arg0: i32) -> (i32, i32) {
    %c0_i32 = arith.constant 0 : i32
    %c0_i32_0 = arith.constant 0 : i32
    %c0_i32_1 = arith.constant 0 : i32
    return %c0_i32, %c0_i32_0 : i32, i32
  }
  func.func @transform_2(%arg0: i32) -> (i32, i32) {
    %c0_i32 = arith.constant 0 : i32
    %c0_i32_0 = arith.constant 0 : i32
    %c0_i32_1 = arith.constant 0 : i32
    return %c0_i32, %c0_i32_0 : i32, i32
  }
  func.func @transform_3(%arg0: i32) -> (i32, i32) {
    %c0_i32 = arith.constant 0 : i32
    %c0_i32_0 = arith.constant 0 : i32
    %c0_i32_1 = arith.constant 0 : i32
    return %c0_i32, %c0_i32_0 : i32, i32
  }
  func.func @transform_4(%arg0: i32) -> (i32, i32) {
    %c0_i32 = arith.constant 0 : i32
    %c0_i32_0 = arith.constant 0 : i32
    %c0_i32_1 = arith.constant 0 : i32
    return %c0_i32, %c0_i32_0 : i32, i32
  }
  func.func @transform_5(%arg0: i32) -> (i32, i32) {
    %c0_i32 = arith.constant 0 : i32
    %c0_i32_0 = arith.constant 0 : i32
    return %arg0, %c0_i32 : i32, i32
  }
  func.func @transform_6(%arg0: i32) -> (i32, i32) {
    %c0_i32 = arith.constant 0 : i32
    %c0_i32_0 = arith.constant 0 : i32
    %c0_i32_1 = arith.constant 0 : i32
    return %c0_i32, %c0_i32_0 : i32, i32
  }
}

module attributes {stable_mosaic.version = 14 : i64} {
  func.func @_p3_body(%arg0: i32, %arg1: memref<2000x64xi32, #tpu.memory_space<vmem>>, %arg2: memref<8x128xf32, #tpu.memory_space<vmem>>, %arg3: memref<1x128xf32, #tpu.memory_space<vmem>>, %arg4: memref<1x128xf32, #tpu.memory_space<vmem>>, %arg5: memref<2000x128xf32, #tpu.memory_space<vmem>>) attributes {dimension_semantics = [#tpu.dimension_semantics<arbitrary>], iteration_bounds = array<i64: 160>, scalar_prefetch = 0 : i64, scratch_operands = 0 : i64, tpu.core_type = #tpu.core_type<tc>, window_params = [{transform_indices = @transform_0, window_bounds = array<i64: 2000, 64>}, {pipeline_mode = #tpu.pipeline_mode<synchronous>, transform_indices = @transform_1, window_bounds = array<i64: 8, 128>}, {pipeline_mode = #tpu.pipeline_mode<synchronous>, transform_indices = @transform_2, window_bounds = array<i64: 1, 128>}, {pipeline_mode = #tpu.pipeline_mode<synchronous>, transform_indices = @transform_3, window_bounds = array<i64: 1, 128>}, {transform_indices = @transform_4, window_bounds = array<i64: 2000, 128>}]} {
    %get3A = arith.constant 0 : index
    %get3A_0 = arith.constant 0 : index
    %get3A_1 = vector.load %arg1[%get3A, %get3A_0] : memref<2000x64xi32, #tpu.memory_space<vmem>>, vector<2000x64xi32>
    %shift_left3A = arith.constant 16 : i32
    %shift_left3A_2 = vector.broadcast %shift_left3A : i32 to vector<2000x64xi32>
    %shift_left3A_3 = arith.shli %get3A_1, %shift_left3A_2 : vector<2000x64xi32>
    %bitcast_convert_type3A = tpu.bitcast %shift_left3A_3 : vector<2000x64xi32> -> vector<2000x64xf32>
    %shift_right_arithmetic3A = arith.constant 16 : i32
    %shift_right_arithmetic3A_4 = vector.broadcast %shift_right_arithmetic3A : i32 to vector<2000x64xi32>
    %shift_right_arithmetic3A_5 = arith.shrsi %get3A_1, %shift_right_arithmetic3A_4 : vector<2000x64xi32>
    %shift_left3A_6 = arith.constant 16 : i32
    %shift_left3A_7 = vector.broadcast %shift_left3A_6 : i32 to vector<2000x64xi32>
    %shift_left3A_8 = arith.shli %shift_right_arithmetic3A_5, %shift_left3A_7 : vector<2000x64xi32>
    %bitcast_convert_type3A_9 = tpu.bitcast %shift_left3A_8 : vector<2000x64xi32> -> vector<2000x64xf32>
    %concatenate3A = tpu.concatenate %bitcast_convert_type3A, %bitcast_convert_type3A_9 in 1 : vector<2000x64xf32>, vector<2000x64xf32> -> vector<2000x128xf32>
    %get3A_10 = arith.constant 0 : index
    %get3A_11 = arith.constant 0 : index
    %get3A_12 = vector.load %arg2[%get3A_10, %get3A_11] : memref<8x128xf32, #tpu.memory_space<vmem>>, vector<1x128xf32>
    %get3A_13 = arith.constant 1 : index
    %get3A_14 = arith.constant 0 : index
    %get3A_15 = vector.load %arg2[%get3A_13, %get3A_14] : memref<8x128xf32, #tpu.memory_space<vmem>>, vector<1x128xf32>
    %mul3A = arith.constant 3.125000e-06 : f32
    %mul3A_16 = vector.broadcast %mul3A : f32 to vector<1x128xf32>
    %mul3A_17 = arith.mulf %get3A_12, %mul3A_16 : vector<1x128xf32>
    %mul3A_18 = arith.constant 3.125000e-06 : f32
    %mul3A_19 = vector.broadcast %mul3A_18 : f32 to vector<1x128xf32>
    %mul3A_20 = arith.mulf %get3A_15, %mul3A_19 : vector<1x128xf32>
    %mul3A_21 = arith.mulf %mul3A_17, %mul3A_17 : vector<1x128xf32>
    %sub3A = arith.subf %mul3A_20, %mul3A_21 : vector<1x128xf32>
    %get3A_22 = arith.constant 0 : index
    %get3A_23 = arith.constant 0 : index
    %get3A_24 = vector.load %arg3[%get3A_22, %get3A_23] : memref<1x128xf32, #tpu.memory_space<vmem>>, vector<1x128xf32>
    %add3A = arith.constant 9.99999974E-6 : f32
    %add3A_25 = vector.broadcast %add3A : f32 to vector<1x128xf32>
    %add3A_26 = arith.addf %sub3A, %add3A_25 : vector<1x128xf32>
    %rsqrt3A = math.rsqrt %add3A_26 : vector<1x128xf32>
    %mul3A_27 = arith.mulf %get3A_24, %rsqrt3A : vector<1x128xf32>
    %get3A_28 = arith.constant 0 : index
    %get3A_29 = arith.constant 0 : index
    %get3A_30 = vector.load %arg4[%get3A_28, %get3A_29] : memref<1x128xf32, #tpu.memory_space<vmem>>, vector<1x128xf32>
    %mul3A_31 = arith.mulf %mul3A_17, %mul3A_27 : vector<1x128xf32>
    %sub3A_32 = arith.subf %get3A_30, %mul3A_31 : vector<1x128xf32>
    %mul3A_33 = vector.broadcast %mul3A_27 : vector<1x128xf32> to vector<2000x128xf32>
    %mul3A_34 = arith.mulf %concatenate3A, %mul3A_33 : vector<2000x128xf32>
    %add3A_35 = vector.broadcast %sub3A_32 : vector<1x128xf32> to vector<2000x128xf32>
    %add3A_36 = arith.addf %mul3A_34, %add3A_35 : vector<2000x128xf32>
    %max3A = arith.constant 0.000000e+00 : f32
    %max3A_37 = vector.broadcast %max3A : f32 to vector<2000x128xf32>
    %max3A_38 = arith.maximumf %add3A_36, %max3A_37 : vector<2000x128xf32>
    %swap3A = arith.constant 0 : index
    %swap3A_39 = arith.constant 0 : index
    %swap3A_40 = vector.load %arg5[%swap3A, %swap3A_39] : memref<2000x128xf32, #tpu.memory_space<vmem>>, vector<2000x128xf32>
    tpu.vector_store %arg5[%swap3A, %swap3A_39], %max3A_38 {strides = array<i32>} : memref<2000x128xf32, #tpu.memory_space<vmem>>, vector<2000x128xf32>,
    return
  }
  func.func @transform_0(%arg0: i32) -> (i32, i32) {
    %c0_i32 = arith.constant 0 : i32
    %c0_i32_0 = arith.constant 0 : i32
    return %arg0, %c0_i32 : i32, i32
  }
  func.func @transform_1(%arg0: i32) -> (i32, i32) {
    %c0_i32 = arith.constant 0 : i32
    %c0_i32_0 = arith.constant 0 : i32
    %c0_i32_1 = arith.constant 0 : i32
    return %c0_i32, %c0_i32_0 : i32, i32
  }
  func.func @transform_2(%arg0: i32) -> (i32, i32) {
    %c0_i32 = arith.constant 0 : i32
    %c0_i32_0 = arith.constant 0 : i32
    %c0_i32_1 = arith.constant 0 : i32
    return %c0_i32, %c0_i32_0 : i32, i32
  }
  func.func @transform_3(%arg0: i32) -> (i32, i32) {
    %c0_i32 = arith.constant 0 : i32
    %c0_i32_0 = arith.constant 0 : i32
    %c0_i32_1 = arith.constant 0 : i32
    return %c0_i32, %c0_i32_0 : i32, i32
  }
  func.func @transform_4(%arg0: i32) -> (i32, i32) {
    %c0_i32 = arith.constant 0 : i32
    %c0_i32_0 = arith.constant 0 : i32
    return %arg0, %c0_i32 : i32, i32
  }
}

</mosaic_0001>

<sc_bundles>
// kernel: kernel.13.cloned.1.call-start
scs
__scs_entry_jumppad:
0x0: {  	(pc) =	sbr.rel $0x88, $3  }
0x1: {  	(tag) =	ssettag $0x0;
	lr =	simm.s32 $0x1  }
0x2: {  	[smem:$0x3F92] =	sst lr;
	_ =	strace $0xD0000000  }
0x3: {  	_ = 	snop  }
0x4: {  	_ = 	snop  }
0x5: {  	_ = 	snop  }
0x6: {  	_ = 	snop  }
0x7: {  	_ = 	snop  }
__scs_overlays_trampoline_lowered:
0x8: {  	[smem:$0x3FA1] =	sst s0  }
0x9: {  	[smem:$0x3FA2] =	sst s1  }
0xa: {  	[smem:$0x3FA3] =	sst s2  }
0xb: {  	[smem:$0x3FA4] =	sst s3  }
0xc: {  	[smem:$0x3FA5] =	sst s4  }
0xd: {  	[smem:$0x3FA6] =	sst s5  }
0xe: {  	[smem:$0x3FA7] =	sst s6  }
0xf: {  	[smem:$0x3FA8] =	sst s7  }
0x10: {  	[smem:$0x3FA9] =	sst s8  }
0x11: {  	[smem:$0x3FAA] =	sst s9;
	s0 =	simm.s32 @!p0 $0x0  }
0x12: {  	s1 =	sld [smem:$0x3F90];
	s0 =	simm.s32 @p0 $0x1  }
0x13: {  	[smem:$0x3FAB] =	sst s0;
	s0 =	simm.s32 @!p1 $0x0  }
0x14: {  	s2 =	sld [smem:$0x3F8F];
	s0 =	simm.s32 @p1 $0x1  }
0x15: {  	[smem:$0x3FAC] =	sst s0;
	s0 =	simm.s32 @!p2 $0x0  }
0x16: {  	s3 =	sld [smem:$0x3FDB];
	s0 =	simm.s32 @p2 $0x1  }
0x17: {  	s4 =	simm.s32 $0x1BF5;
	[smem:$0x3FAE] =	sst s0  }
0x18: {  	s0 =	sld [smem:$0x3F91];
	_ =	swait.ge [sflag:s4], $0x0  }
0x19: {  	s7 =	sld [smem:$0x3F92]  }
0x1a: {  	s8 =	sadd.s32 $0xFFFFE003, lr  }
0x1b: {  	s9 =	sadd.s32 $0xFFFFFEF7, lr;
	s5 =	simm.s32 $0xFFFFFFFF;
	p2 =	slt.u32 s8, $0xFFFFF086  }
0x1c: {  	p1 =	slt.u32 s9, $0xF7A;
	s5 =	simm.s32 @!p2 $0x0  }
0x1d: {  	s5 =	simm.s32 @p1 $0x1;
	p0 =	seq.s32 s7, s2  }
0x1e: {  	s7 =	smul.u32 @!p0 $0xF7A, s2;
	p2 =	seq.s32 @!p0 s5, $0x0  }
0x1f: {  	s9 =	smul.u32 $0xF7A, s1;
	s8 =	simm.s32 @!p0 $0x1BF5;
	p2 =	por !p2, p0  }
0x20: {  	[sflag:s8] =	ssyncset.s32 @!p0 $0xFFFFF086;
	s6 =	sadd.s32 @!p0 s3, s7;
	s7 =	simm.s32 @!p0 $0x108  }
0x21: {  	s3 =	sadd.s32 s3, s9;
	s6 =	sadd.s32 @!p0 $0x88, s6;
	s7 =	simm.s32 @p2 $0x1082  }
0x22: {  	[simem:s7], [sflag:s8] =	dma.local @!p0 [hbm:s6], $0xF7A  }
0x23: {  	s9 =	sor.u32 $0xD0000000, s2;
	s6 =	simm.s32 $0x108;
	_ =	swait.ge @!p0 [sflag:s8], $0x0  }
0x24: {  	s3 =	sadd.s32 $0x88, s3;
	s6 =	simm.s32 @!p1 $0x1082;
	[sflag:s4] =	ssyncset.s32 $0xFFFFF086  }
0x25: {  	[simem:s6], [sflag:s4] =	dma.local [hbm:s3], $0xF7A  }
0x26: {  	[smem:$0x3F92] =	sst s1;
	(tag) =	ssettag s2;
	_ =	strace s9  }
0x27: {  	s1 =	sld [smem:$0x3FA2]  }
0x28: {  	s2 =	sld [smem:$0x3FA3]  }
0x29: {  	s4 =	sld [smem:$0x3FA5]  }
0x2a: {  	p0 =	seq.s32 s5, $0x0;
	s5 =	sld [smem:$0x3FA6]  }
0x2b: {  	s6 =	sld [smem:$0x3FA7]  }
0x2c: {  	s7 =	sld [smem:$0x3FA8]  }
0x2d: {  	s3 =	simm.s32 $0x108;
	s8 =	sld [smem:$0x3FA9]  }
0x2e: {  	s3 =	simm.s32 @!p0 $0x1082;
	s9 =	sld [smem:$0x3FAA]  }
0x2f: {  	lr =	sadd.s32 s0, s3;
	s0 =	sld [smem:$0x3FA1]  }
0x30: {  	s3 =	sld [smem:$0x3FA4]  }
0x31: {  	[smem:$0x3FAD] =	sst s10  }
0x32: {  	s10 =	sld [smem:$0x3FAB];
	_ =	sdelay $0x3  }
0x33: {  	p0 =	seq.s32 s10, $0x1;
	s10 =	sld [smem:$0x3FAD];
	_ =	sdelay $0x3  }
0x34: {  	[smem:$0x3FAD] =	sst s10  }
0x35: {  	s10 =	sld [smem:$0x3FAC];
	_ =	sdelay $0x3  }
0x36: {  	p1 =	seq.s32 s10, $0x1;
	s10 =	sld [smem:$0x3FAD];
	_ =	sdelay $0x3  }
0x37: {  	[smem:$0x3FAD] =	sst s10  }
0x38: {  	s10 =	sld [smem:$0x3FAE]  }
0x39: {  	_ = 	snop;
	(pc) =	sbr.ind lr, $3  }
0x3a: {  	_ = 	snop  }
0x3b: {  	_ = 	snop  }
0x3c: {  	p2 =	seq.s32 s10, $0x1;
	s10 =	sld [smem:$0x3FAD]  }
0x3d: {  	_ =	shalt  }
0x3e: {  	_ =	shalt  }
0x3f: {  	_ =	shalt  }
0x40: {  	_ =	shalt  }
0x41: {  	_ =	shalt  }
0x42: {  	_ =	shalt  }
0x43: {  	_ =	shalt  }
0x44: {  	_ =	shalt  }
0x45: {  	_ =	shalt  }
0x46: {  	_ =	shalt  }
0x47: {  	_ =	shalt  }
0x48: {  	_ =	shalt  }
0x49: {  	_ =	shalt  }
0x4a: {  	_ =	shalt  }
0x4b: {  	_ =	shalt  }
0x4c: {  	_ =	shalt  }
0x4d: {  	_ =	shalt  }
0x4e: {  	_ =	shalt  }
0x4f: {  	_ =	shalt  }
0x50: {  	_ =	shalt  }
0x51: {  	_ =	shalt  }
0x52: {  	_ =	shalt  }
0x53: {  	_ =	shalt  }
0x54: {  	_ =	shalt  }
0x55: {  	_ =	shalt  }
0x56: {  	_ =	shalt  }
0x57: {  	_ =	shalt  }
0x58: {  	_ =	shalt  }
0x59: {  	_ =	shalt  }
0x5a: {  	_ =	shalt  }
0x5b: {  	_ =	shalt  }
0x5c: {  	_ =	shalt  }
0x5d: {  	_ =	shalt  }
0x5e: {  	_ =	shalt  }
0x5f: {  	_ =	shalt  }
0x60: {  	_ =	shalt  }
0x61: {  	_ =	shalt  }
0x62: {  	_ =	shalt  }
0x63: {  	_ =	shalt  }
0x64: {  	_ =	shalt  }
0x65: {  	_ =	shalt  }
0x66: {  	_ =	shalt  }
0x67: {  	_ =	shalt  }
0x68: {  	_ =	shalt  }
0x69: {  	_ =	shalt  }
0x6a: {  	_ =	shalt  }
0x6b: {  	_ =	shalt  }
0x6c: {  	_ =	shalt  }
0x6d: {  	_ =	shalt  }
0x6e: {  	_ =	shalt  }
0x6f: {  	_ =	shalt  }
0x70: {  	_ =	shalt  }
0x71: {  	_ =	shalt  }
0x72: {  	_ =	shalt  }
0x73: {  	_ =	shalt  }
0x74: {  	_ =	shalt  }
0x75: {  	_ =	shalt  }
0x76: {  	_ =	shalt  }
0x77: {  	_ =	shalt  }
0x78: {  	_ =	shalt  }
0x79: {  	_ =	shalt  }
0x7a: {  	_ =	shalt  }
0x7b: {  	_ =	shalt  }
0x7c: {  	_ =	shalt  }
0x7d: {  	_ =	shalt  }
0x7e: {  	_ =	shalt  }
0x7f: {  	_ =	shalt  }
0x80: {  	_ =	shalt  }
0x81: {  	_ =	shalt  }
0x82: {  	_ =	shalt  }
0x83: {  	_ =	shalt  }
0x84: {  	_ =	shalt  }
0x85: {  	_ =	shalt  }
0x86: {  	_ =	shalt  }
0x87: {  	_ =	shalt  }
.Lfunc_end0:
.L_simem_size_0:
called_computation_lowered:
.L_overlay_start_0:
0x88: {  	s2 =	sld [smem:$0x3FD9]  }
0x89: {  	s3 =	sld [smem:$0x3FFE];
	_ =	sdelay $0x1  }
0x8a: {  	s1 =	srdreg.scid  }
0x8b: {  	s0 =	sand.u32 $0x1, s1  }
0x8c: {  	s14 =	sshll.u32 s0, $0xA;
	s2 =	sadd.s32 s3, s2  }
0x8d: {  	s2 =	sadd.s32 s2, s14  }
0x8e: {  	[smem:$0x3FB9] =	sst s2  }
0x8f: {  	_ = 	snop  }
0x90: {  	s2 =	sld [smem:$0x3FD0];
	_ =	sdelay $0x2  }
0x91: {  	s4 =	simm.s32 $0xB;
	s5 =	simm.s32 $0x10;
	s15 =	sld [smem:$0x3FC8]  }
0x92: {  	[smem:s5], [sflag:s4] =	dma.local [hbm:s2], $0x1  }
0x93: {  	_ =	swait.eq [sflag:s4], $0x1  }
0x94: {  	[sflag:s4] =	ssyncset.done $0x0  }
0x95: {  	[sflag:s4] =	ssyncadd.s32 $0xFFFFFFFF  }
0x96: {  	s16 =	sld [smem:$0x10];
	(tm) =	ssettm $0x1  }
0x97: {  	s17 =	sld [smem:$0x3FFB];
	_ =	sdelay $0x3  }
0x98: {  	_ =	strace s17  }
0x99: {  	s4 =	sld [smem:$0x3FFC];
	_ =	sdelay $0x3  }
0x9a: {  	_ =	strace s4  }
0x9b: {  	s4 =	sld [smem:$0x3FFD];
	_ =	sdelay $0x3  }
0x9c: {  	_ =	strace s4  }
0x9d: {  	_ =	strace $0x8FFFFFFF  }
0x9e: {  	s18 =	sld [smem:$0x3FDB];
	_ =	sdelay $0x1  }
0x9f: {  	s19 =	simm.s32 $_scs_section_size  }
0xa0: {  	s6 =	simm.s32 $_size__tile_overlayer_lowered;
	s7 =	simm.s32 $_tile_overlayer_lowered  }
0xa1: {  	s22 =	simm.s32 $0x1BFF;
	s21 =	sshll.u32 s7, $0x1;
	s4 =	sadd.s32 s19, s18  }
0xa2: {  	s8 =	simm.s32 $0x0;
	s20 =	sshll.u32 s6, $0x1;
	s6 =	sadd.s32 s21, s4  }
0xa3: {  	[timem:s8], [sflag:s22] =	dma.local [hbm:s6], s20  }
0xa4: {  	_ =	swait.ge [sflag:s22], s20  }
0xa5: {  	s5 =	ssub.s32 $0x0, s20;
	[sflag:s22] =	ssyncset.done $0x0  }
0xa6: {  	[sflag:s22] =	ssyncadd.s32 s5;
	_ =	sdelay $0x1  }
0xa7: {  	s23 =	simm.s32 $0x1B8B  }
0xa8: {  	_ =	swait.ge [sflag:s23], $0x1  }
0xa9: {  	[sflag:s23] =	ssyncset.done $0x0  }
0xaa: {  	s25 =	simm.s32 $0x1B8E;
	s24 =	sld [smem:$0x3FFE];
	[sflag:s23] =	ssyncadd.s32 $0xFFFFFFFF  }
0xab: {  	s26 =	simm.s32 $execute0_lowered;
	[smem:$0x3FD2] =	sst s25  }
0xac: {  	s6 =	sshll.u32 s26, $0x1;
	_ =	strace $0x80000046;
	[dreg:$0x1] =	wrdreg $0xFFFFFFFF  }
0xad: {  	s28 =	simm.s32 $_size_execute0_lowered;
	s4 =	sadd.s32 s4, s6;
	[dreg:$0x0] =	wrdreg $0x0  }
0xae: {  	s6 =	sshll.u32 s28, $0x1;
	[dreg:$0x2] =	wrdreg s4  }
0xaf: {  	[dreg:$0x3] =	wrdreg s6  }
0xb0: {  	[dreg:$0x4] =	wrdreg $0xC0  }
0xb1: {  	_ =	task [dreg:s8], $0x5FFFF  }
0xb2: {  	[dreg:$0x1] =	wrdreg $0xFFFFFFFF  }
0xb3: {  	[dreg:$0x0] =	wrdreg $0x60  }
0xb4: {  	[dreg:$0x2] =	wrdreg s15  }
0xb5: {  	[dreg:$0x3] =	wrdreg s16  }
0xb6: {  	[dreg:$0x4] =	wrdreg s24  }
0xb7: {  	[dreg:$0x5] =	wrdreg $0x51000  }
0xb8: {  	[dreg:$0x6] =	wrdreg $0xA  }
0xb9: {  	_ =	task.clear_ibuf [dreg:s8], $0x7FFFF;
	_ =	strace $0x90000046  }
0xba: {  	s29 =	simm.s32 $0xA;
	_ =	strace $0x80000048  }
0xbb: {  	_ =	swait.ge [sflag:s29], $0x1  }
0xbc: {  	[sflag:s29] =	ssyncadd.s32 $0xFFFFFFFF  }
0xbd: {  	_ =	strace $0x90000048  }
0xbe: {  	_ =	sfence  }
0xbf: {  	s30 =	sld [smem:$0x0];
	_ =	sdelay $0x2  }
0xc0: {  	s31 =	sshll.u32 s1, $0xD;
	s1 =	sshrl.u32 s1, $0x2  }
0xc1: {  	s3 =	sand.u32 $0x4000, s31;
	s1 =	sadd.s32 s1, s30  }
0xc2: {  	s0 =	sor.u32 s3, s0;
	s1 =	sshll.u32 s1, $0x11  }
0xc3: {  	s0 =	sor.u32 s1, s0  }
0xc4: {  	s0 =	sadd.s32 $0x8F2B, s0  }
0xc5: {  	[sflag:s0] =	ssyncadd.remote.s32 $0x1  }
0xc6: {  	_ =	sfence.sel $0xFFFF  }
0xc7: {  	[dreg:$0x0] =	wrdreg $0xFFFFFFFF;
	(pc) =	sbr.abs _section_cstart, $3  }
0xc8: {  	[dreg:$0x1] =	wrdreg $0xFFFFFFFF  }
0xc9: {  	_ =	task.clear_ibuf [dreg:s8], $0x2FFFF;
	_ =	strace $0x9FFFFFFF  }
0xca: {  	(tm) =	ssettm $0x7FFFFFFF  }
0xcb: {  	_ =	shalt  }
tec
execute0_lowered:
.L_overlay_start_1:
0x0: {  	(tag) =	ssettag $0x1  }
0x1: {  	s11 =	rddreg [dreg:$0x0]  }
0x2: {  	s1 =	rddreg [dreg:$0x1]  }
0x3: {  	s12 =	rddreg [dreg:$0x2];
	s2 =	srdreg.scid  }
0x4: {  	s0 =	stileid.u32;
	s3 =	rddreg [dreg:$0x3];
	s4 =	simm.s32 $0x0  }
0x5: {  	s18 =	simm.s32 $0x44E00;
	s19 =	simm.s32 $0x80;
	s20 =	simm.s32 $0x2900  }
0x6: {  	s21 =	simm.s32 $0x1;
	s22 =	simm.s32 $0x3;
	s6 =	smul.u32 $0x50000, s0  }
0x7: {  	s23 =	simm.s32 $0x50;
	s24 =	simm.s32 $0x2;
	s13 =	smul.u32 $0x4E20, s0  }
0x8: {  	s25 =	simm.s32 $0x4;
	s9 =	sand.u32 $0x1, s2;
	s16 =	smul.u32 $0x4E200, s0  }
0x9: {  	[smem:$0x7FF] =	sst s4;
	s5 =	sadd.s32 $0x1A600, s12;
	s29 =	smul.u32 $0x2800, s0  }
0xa: {  	s26 =	sshll.u32 s0, $0x6;
	s10 =	smul.u32 $0x4E200, s9;
	s7 =	ssub.s32 $0x2, s9  }
0xb: {  	_ =	strace $0x80000047;
	p0 =	seq.s32 s9, $0x1;
	s8 =	sshrl.u32 s7, $0x1  }
0xc: {  	s6 =	sshrl.u32 s6, $0x2;
	s18 =	simm.s32 @!p0 $0x1CE00;
	s14 =	ssub.s32 s7, s8  }
0xd: {  	s15 =	sadd.s32 s13, s10;
	s17 =	sadd.s32 s6, s3;
	s6 =	sor.u32 $0x1C05, s26  }
0xe: {  	s8 =	sadd.s32 s11, s16;
	s13 =	sadd.s32 $0x4DD0, s13;
	s12 =	sadd.s32 s18, s12  }
0xf: {  	s18 =	simm.s32 $0x100;
	s26 =	simm.s32 $0x0;
	s28 =	sshrl.u32 s15, $0x3  }
0x10: {  	s10 =	sadd.s32 s10, s13;
	s9 =	smax.u32 s14, $0x1;
	s13 =	sshll.u32 s13, $0x4  }
0x11: {  	s12 =	sadd.s32 s12, s29;
	s30 =	sadd.s32 $0x50, s15;
	s14 =	sadd.s32 $0xA0, s15  }
0x12: {  	s16 =	sshrl.u32 s17, $0x3;
	s17 =	simm.s32 $0x5;
	s7 =	sadd.s32 s1, s28  }
0x13: {  	s10 =	sshrl.u32 s10, $0x3;
	s11 =	sadd.s32 s11, s13;
	s31 =	sshrl.u32 s30, $0x3  }
0x14: {  	s13 =	sadd.s32 $0xA00, s8;
	s10 =	sadd.s32 s1, s10;
	s15 =	sadd.s32 s31, s1  }
.LBB2_1:
0x15: {  	[spmem:s16], [sflag:s6] =	dma.local [hbm:s5], $0x2800  }
0x16: {  	_ =	swait.ge [sflag:s17], $0x2800  }
0x17: {  	[sflag:s17] =	ssyncset.done $0x0  }
0x18: {  	[sflag:s17] =	ssyncadd.s32 $0xFFFFD800  }
0x19: {  	[bflag:$0x0] =	sbarrier.arrive $0xFFFF  }
0x1a: {  	[tilespmem:s4], [sflag:$0x1] =	stream.linear.gather [hbm4b:s7+s4], $0x50, $0x38;
	[tilespmem:$0x19100] =	vst v63  }
0x1b: {  	_ = 	snop  }
0x1c: {  	[tilespmem:s18], [sflag:$0x3] =	stream.linear.gather [hbm4b:s8+s4], $0x2800, $0x38;
	[tilespmem:$0x19100] =	vst v63  }
0x1d: {  	s28 =	sadd.s32 $0x0, s15  }
0x1e: {  	[tilespmem:s19], [sflag:$0x2] =	stream.linear.gather [hbm4b:s28+s4], $0x50, $0x38;
	[tilespmem:$0x19100] =	vst v63  }
0x1f: {  	s28 =	sadd.s32 $0xFFFFFB00, s13  }
0x20: {  	[tilespmem:s20], [sflag:$0x4] =	stream.linear.gather [hbm4b:s28+s4], $0x2800, $0x38;
	[tilespmem:$0x19100] =	vst v63  }
0x21: {  	_ =	swait.ge [sflag:s21], $0x50  }
0x22: {  	[sflag:s21] =	ssyncset.done $0x0  }
0x23: {  	[sflag:s21] =	ssyncadd.s32 $0xFFFFFFB0  }
0x24: {  	_ =	swait.ge [sflag:s22], $0x2800  }
0x25: {  	[sflag:s22] =	ssyncset.done $0x0  }
0x26: {  	[sflag:s22] =	ssyncadd.s32 $0xFFFFD800  }
0x27: {  	[spmem:s3] =	stream.indirect.scatter.add.f32 [tilespmem:s18], [sflag:$0x5], $0x80, s4, s23, $0xb8;
	[tilespmem:$0x19100] =	vst v63  }
0x28: {  	_ =	swait.ge [sflag:s17], $0x2800  }
0x29: {  	s28 =	sshrl.u32 s14, $0x3;
	[sflag:s17] =	ssyncset.done $0x0  }
0x2a: {  	s28 =	sadd.s32 s1, s28;
	[sflag:s17] =	ssyncadd.s32 $0xFFFFD800  }
0x2b: {  	[tilespmem:s4], [sflag:$0x1] =	stream.linear.gather [hbm4b:s28+s4], $0x50, $0x38;
	[tilespmem:$0x19100] =	vst v63  }
0x2c: {  	_ = 	snop  }
0x2d: {  	[tilespmem:s18], [sflag:$0x3] =	stream.linear.gather [hbm4b:s13+s4], $0x2800, $0x38;
	[tilespmem:$0x19100] =	vst v63  }
0x2e: {  	_ =	swait.ge [sflag:s24], $0x50  }
0x2f: {  	[sflag:s24] =	ssyncset.done $0x0  }
0x30: {  	[sflag:s24] =	ssyncadd.s32 $0xFFFFFFB0  }
0x31: {  	_ =	swait.ge [sflag:s25], $0x2800  }
0x32: {  	[sflag:s25] =	ssyncset.done $0x0  }
0x33: {  	[sflag:s25] =	ssyncadd.s32 $0xFFFFD800  }
0x34: {  	[spmem:s3] =	stream.indirect.scatter.add.f32 [tilespmem:s20], [sflag:$0x5], $0x80, s19, s23, $0xb8;
	[tilespmem:$0x19100] =	vst v63  }
0x35: {  	s30 =	simm.s32 $0x14;
	s31 =	simm.s32 $0x28;
	_ =	swait.ge [sflag:s17], $0x2800  }
0x36: {  	s29 =	sadd.s32 $0xA0, s14;
	s28 =	sadd.s32 $0xA00, s13;
	[sflag:s17] =	ssyncset.done $0x0  }
.LBB2_2:
0x37: {  	s2 =	sadd.s32 s30, s15  }
0x38: {  	[sflag:s17] =	ssyncadd.s32 $0xFFFFD800;
	s30 =	smov.u32 s31;
	s0 =	sadd.s32 $0x14, s31  }
0x39: {  	[tilespmem:s19], [sflag:$0x2] =	stream.linear.gather [hbm4b:s2+s4], $0x50, $0x38;
	[tilespmem:$0x19100] =	vst v63  }
0x3a: {  	p0 =	sne.s32 s31, $0x99C;
	s2 =	sadd.s32 $0xFFFFFB00, s28  }
0x3b: {  	[tilespmem:s20], [sflag:$0x4] =	stream.linear.gather [hbm4b:s2+s4], $0x2800, $0x38;
	[tilespmem:$0x19100] =	vst v63  }
0x3c: {  	_ =	swait.ge [sflag:s21], $0x50  }
0x3d: {  	[sflag:s21] =	ssyncset.done $0x0  }
0x3e: {  	[sflag:s21] =	ssyncadd.s32 $0xFFFFFFB0  }
0x3f: {  	_ =	swait.ge [sflag:s22], $0x2800  }
0x40: {  	[sflag:s22] =	ssyncset.done $0x0  }
0x41: {  	[sflag:s22] =	ssyncadd.s32 $0xFFFFD800  }
0x42: {  	[spmem:s3] =	stream.indirect.scatter.add.f32 [tilespmem:s18], [sflag:$0x5], $0x80, s4, s23, $0xb8;
	[tilespmem:$0x19100] =	vst v63  }
0x43: {  	_ =	swait.ge [sflag:s17], $0x2800  }
0x44: {  	s2 =	sshrl.u32 s29, $0x3;
	[sflag:s17] =	ssyncset.done $0x0  }
0x45: {  	s2 =	sadd.s32 s1, s2;
	[sflag:s17] =	ssyncadd.s32 $0xFFFFD800  }
0x46: {  	[tilespmem:s4], [sflag:$0x1] =	stream.linear.gather [hbm4b:s2+s4], $0x50, $0x38;
	[tilespmem:$0x19100] =	vst v63  }
0x47: {  	_ = 	snop  }
0x48: {  	[tilespmem:s18], [sflag:$0x3] =	stream.linear.gather [hbm4b:s28+s4], $0x2800, $0x38;
	[tilespmem:$0x19100] =	vst v63  }
0x49: {  	_ =	swait.ge [sflag:s24], $0x50  }
0x4a: {  	[sflag:s24] =	ssyncset.done $0x0  }
0x4b: {  	[sflag:s24] =	ssyncadd.s32 $0xFFFFFFB0  }
0x4c: {  	_ =	swait.ge [sflag:s25], $0x2800  }
.Ltmp0:
0x4d: {  	[sflag:s25] =	ssyncset.done $0x0;
	(pc) =	sbr.rel @p0 .LBB2_2-.Ltmp0, $4  }
0x4e: {  	[sflag:s25] =	ssyncadd.s32 $0xFFFFD800  }
0x4f: {  	[spmem:s3] =	stream.indirect.scatter.add.f32 [tilespmem:s20], [sflag:$0x5], $0x80, s19, s23, $0xb8;
	[tilespmem:$0x19100] =	vst v63  }
0x50: {  	s31 =	smov.u32 s0;
	_ =	swait.ge [sflag:s17], $0x2800  }
0x51: {  	s29 =	sadd.s32 $0xA0, s29;
	s28 =	sadd.s32 $0xA00, s28;
	[sflag:s17] =	ssyncset.done $0x0  }
0x52: {  	s0 =	sadd.s32 s30, s15;
	[sflag:s17] =	ssyncadd.s32 $0xFFFFD800  }
0x53: {  	[tilespmem:s19], [sflag:$0x2] =	stream.linear.gather [hbm4b:s0+s4], $0x50, $0x38;
	[tilespmem:$0x19100] =	vst v63  }
0x54: {  	s30 =	sadd.s32 $0xFFFFFB00, s28  }
0x55: {  	[tilespmem:s20], [sflag:$0x4] =	stream.linear.gather [hbm4b:s30+s4], $0x2800, $0x38;
	[tilespmem:$0x19100] =	vst v63  }
0x56: {  	_ =	swait.ge [sflag:s21], $0x50  }
0x57: {  	[sflag:s21] =	ssyncset.done $0x0  }
0x58: {  	[sflag:s21] =	ssyncadd.s32 $0xFFFFFFB0  }
0x59: {  	_ =	swait.ge [sflag:s22], $0x2800  }
0x5a: {  	[sflag:s22] =	ssyncset.done $0x0  }
0x5b: {  	[sflag:s22] =	ssyncadd.s32 $0xFFFFD800  }
0x5c: {  	[spmem:s3] =	stream.indirect.scatter.add.f32 [tilespmem:s18], [sflag:$0x5], $0x80, s4, s23, $0xb8;
	[tilespmem:$0x19100] =	vst v63  }
0x5d: {  	_ =	swait.ge [sflag:s17], $0x2800  }
0x5e: {  	s31 =	sshrl.u32 s29, $0x3;
	[sflag:s17] =	ssyncset.done $0x0  }
0x5f: {  	s0 =	sadd.s32 s1, s31;
	[sflag:s17] =	ssyncadd.s32 $0xFFFFD800  }
0x60: {  	[tilespmem:s4], [sflag:$0x1] =	stream.linear.gather [hbm4b:s0+s4], $0x50, $0x38;
	[tilespmem:$0x19100] =	vst v63  }
0x61: {  	_ = 	snop  }
0x62: {  	[tilespmem:s18], [sflag:$0x3] =	stream.linear.gather [hbm4b:s28+s4], $0x2800, $0x38;
	[tilespmem:$0x19100] =	vst v63  }
0x63: {  	_ =	swait.ge [sflag:s24], $0x50  }
0x64: {  	[sflag:s24] =	ssyncset.done $0x0  }
0x65: {  	[sflag:s24] =	ssyncadd.s32 $0xFFFFFFB0  }
0x66: {  	_ =	swait.ge [sflag:s25], $0x2800  }
0x67: {  	[sflag:s25] =	ssyncset.done $0x0  }
0x68: {  	[sflag:s25] =	ssyncadd.s32 $0xFFFFD800  }
0x69: {  	[spmem:s3] =	stream.indirect.scatter.add.f32 [tilespmem:s20], [sflag:$0x5], $0x80, s19, s23, $0xb8;
	[tilespmem:$0x19100] =	vst v63  }
0x6a: {  	_ =	swait.ge [sflag:s17], $0x2800  }
0x6b: {  	[sflag:s17] =	ssyncset.done $0x0  }
0x6c: {  	[sflag:s17] =	ssyncadd.s32 $0xFFFFD800  }
0x6d: {  	[tilespmem:s19], [sflag:$0x2] =	stream.linear.gather [hbm4b:s10+s4], $0x50, $0x38;
	[tilespmem:$0x19100] =	vst v63  }
0x6e: {  	_ = 	snop  }
0x6f: {  	[tilespmem:s20], [sflag:$0x4] =	stream.linear.gather [hbm4b:s11+s4], $0x2800, $0x38;
	[tilespmem:$0x19100] =	vst v63  }
0x70: {  	_ =	swait.ge [sflag:s21], $0x50  }
0x71: {  	[sflag:s21] =	ssyncset.done $0x0  }
0x72: {  	[sflag:s21] =	ssyncadd.s32 $0xFFFFFFB0  }
0x73: {  	_ =	swait.ge [sflag:s22], $0x2800  }
0x74: {  	[sflag:s22] =	ssyncset.done $0x0  }
0x75: {  	[sflag:s22] =	ssyncadd.s32 $0xFFFFD800  }
0x76: {  	[spmem:s3] =	stream.indirect.scatter.add.f32 [tilespmem:s18], [sflag:$0x5], $0x80, s4, s23, $0xb8;
	[tilespmem:$0x19100] =	vst v63  }
0x77: {  	_ =	swait.ge [sflag:s17], $0x2800  }
0x78: {  	[sflag:s17] =	ssyncset.done $0x0  }
0x79: {  	[sflag:s17] =	ssyncadd.s32 $0xFFFFD800  }
0x7a: {  	_ =	swait.ge [sflag:s24], $0x50  }
0x7b: {  	[sflag:s24] =	ssyncset.done $0x0  }
0x7c: {  	[sflag:s24] =	ssyncadd.s32 $0xFFFFFFB0  }
0x7d: {  	_ =	swait.ge [sflag:s25], $0x2800  }
0x7e: {  	[sflag:s25] =	ssyncset.done $0x0  }
0x7f: {  	[sflag:s25] =	ssyncadd.s32 $0xFFFFD800  }
0x80: {  	[spmem:s3] =	stream.indirect.scatter.add.f32 [tilespmem:s20], [sflag:$0x5], $0x80, s19, s23, $0xb8;
	[tilespmem:$0x19100] =	vst v63  }
0x81: {  	_ =	swait.ge [sflag:s17], $0x2800  }
0x82: {  	s26 =	sadd.s32 $0x1, s26;
	[sflag:s17] =	ssyncset.done $0x0  }
0x83: {  	p0 =	sne.s32 s26, s9;
	[sflag:s17] =	ssyncadd.s32 $0xFFFFD800  }
.Ltmp1:
0x84: {  	[bflag:$0x0] =	sbarrier.arrive $0xFFFF;
	(pc) =	sbr.rel @p0 .LBB2_1-.Ltmp1, $4  }
0x85: {  	[hbm:s12], [sflag:s6] =	dma.local [spmem:s16], $0x2800  }
0x86: {  	_ =	swait.ge [sflag:s17], $0x2800  }
0x87: {  	[sflag:s17] =	ssyncset.done $0x0  }
0x88: {  	[sflag:s17] =	ssyncadd.s32 $0xFFFFD800  }
0x89: {  	_ =	sfence.sel $0x180000  }
0x8a: {  	[bflag:$0x0] =	sbarrier.arrive $0xFFFF  }
0x8b: {  	_ =	strace $0x90000047  }
0x8c: {  	s0 =	stileid.u32;
	[bflag:$0x2] =	sbarrier.arrive $0xFFFF  }
0x8d: {  	p0 =	sne.s32 s0, $0x0;
	s0 =	rddreg [dreg:$0x4]  }
0x8e: {  	s0 =	sadd.s32 @!p0 $0x100000, s0  }
0x8f: {  	[sflag:s0] =	ssyncadd.tile.s32 @!p0 $0x1;
	_ =	shalt  }
.Lfunc_end2:
_tile_overlayer_lowered:
.L_overlay_start_2:
0x90: {  	(tag) =	ssettag $0x2  }
0x91: {  	s0 =	rddreg [dreg:$0x0];
	s2 =	stileid.u32  }
0x92: {  	s1 =	rddreg [dreg:$0x1];
	p0 =	sne.s32 s2, $0x0  }
0x93: {  	s3 =	rddreg [dreg:$0x2];
	[bflag:$0x3] =	sbarrier.arrive $0xFFFF;
	s2 =	simm.s32 @!p0 $0x1C05  }
0x94: {  	[timem:s3], [sflag:s2] =	dma.local @!p0 [hbm:s0], s1  }
0x95: {  	s0 =	simm.s32 @!p0 $0x5  }
0x96: {  	_ =	swait.ge @!p0 [sflag:s0], s1  }
0x97: {  	s1 =	ssub.s32 @!p0 $0x0, s1;
	[sflag:s0] =	ssyncset.done @!p0 $0x0  }
0x98: {  	[sflag:s0] =	ssyncadd.s32 @!p0 s1  }
0x99: {  	[bflag:$0x3] =	sbarrier.arrive $0xFFFF  }
0x9a: {  	_ =	shalt  }

// kernel: kernel.16.cloned.1.call-start
scs
__scs_entry_jumppad:
0x0: {  	(pc) =	sbr.rel $0x88, $3  }
0x1: {  	(tag) =	ssettag $0x0;
	lr =	simm.s32 $0x1  }
0x2: {  	[smem:$0x3F92] =	sst lr;
	_ =	strace $0xD0000000  }
0x3: {  	_ = 	snop  }
0x4: {  	_ = 	snop  }
0x5: {  	_ = 	snop  }
0x6: {  	_ = 	snop  }
0x7: {  	_ = 	snop  }
__scs_overlays_trampoline_lowered:
0x8: {  	[smem:$0x3FA1] =	sst s0  }
0x9: {  	[smem:$0x3FA2] =	sst s1  }
0xa: {  	[smem:$0x3FA3] =	sst s2  }
0xb: {  	[smem:$0x3FA4] =	sst s3  }
0xc: {  	[smem:$0x3FA5] =	sst s4  }
0xd: {  	[smem:$0x3FA6] =	sst s5  }
0xe: {  	[smem:$0x3FA7] =	sst s6  }
0xf: {  	[smem:$0x3FA8] =	sst s7  }
0x10: {  	[smem:$0x3FA9] =	sst s8  }
0x11: {  	[smem:$0x3FAA] =	sst s9;
	s0 =	simm.s32 @!p0 $0x0  }
0x12: {  	s1 =	sld [smem:$0x3F90];
	s0 =	simm.s32 @p0 $0x1  }
0x13: {  	[smem:$0x3FAB] =	sst s0;
	s0 =	simm.s32 @!p1 $0x0  }
0x14: {  	s2 =	sld [smem:$0x3F8F];
	s0 =	simm.s32 @p1 $0x1  }
0x15: {  	[smem:$0x3FAC] =	sst s0;
	s0 =	simm.s32 @!p2 $0x0  }
0x16: {  	s3 =	sld [smem:$0x3FDB];
	s0 =	simm.s32 @p2 $0x1  }
0x17: {  	s4 =	simm.s32 $0x1BF5;
	[smem:$0x3FAE] =	sst s0  }
0x18: {  	s0 =	sld [smem:$0x3F91];
	_ =	swait.ge [sflag:s4], $0x0  }
0x19: {  	s7 =	sld [smem:$0x3F92]  }
0x1a: {  	s8 =	sadd.s32 $0xFFFFE003, lr  }
0x1b: {  	s9 =	sadd.s32 $0xFFFFFEF7, lr;
	s5 =	simm.s32 $0xFFFFFFFF;
	p2 =	slt.u32 s8, $0xFFFFF086  }
0x1c: {  	p1 =	slt.u32 s9, $0xF7A;
	s5 =	simm.s32 @!p2 $0x0  }
0x1d: {  	s5 =	simm.s32 @p1 $0x1;
	p0 =	seq.s32 s7, s2  }
0x1e: {  	s7 =	smul.u32 @!p0 $0xF7A, s2;
	p2 =	seq.s32 @!p0 s5, $0x0  }
0x1f: {  	s9 =	smul.u32 $0xF7A, s1;
	s8 =	simm.s32 @!p0 $0x1BF5;
	p2 =	por !p2, p0  }
0x20: {  	[sflag:s8] =	ssyncset.s32 @!p0 $0xFFFFF086;
	s6 =	sadd.s32 @!p0 s3, s7;
	s7 =	simm.s32 @!p0 $0x108  }
0x21: {  	s3 =	sadd.s32 s3, s9;
	s6 =	sadd.s32 @!p0 $0x88, s6;
	s7 =	simm.s32 @p2 $0x1082  }
0x22: {  	[simem:s7], [sflag:s8] =	dma.local @!p0 [hbm:s6], $0xF7A  }
0x23: {  	s9 =	sor.u32 $0xD0000000, s2;
	s6 =	simm.s32 $0x108;
	_ =	swait.ge @!p0 [sflag:s8], $0x0  }
0x24: {  	s3 =	sadd.s32 $0x88, s3;
	s6 =	simm.s32 @!p1 $0x1082;
	[sflag:s4] =	ssyncset.s32 $0xFFFFF086  }
0x25: {  	[simem:s6], [sflag:s4] =	dma.local [hbm:s3], $0xF7A  }
0x26: {  	[smem:$0x3F92] =	sst s1;
	(tag) =	ssettag s2;
	_ =	strace s9  }
0x27: {  	s1 =	sld [smem:$0x3FA2]  }
0x28: {  	s2 =	sld [smem:$0x3FA3]  }
0x29: {  	s4 =	sld [smem:$0x3FA5]  }
0x2a: {  	p0 =	seq.s32 s5, $0x0;
	s5 =	sld [smem:$0x3FA6]  }
0x2b: {  	s6 =	sld [smem:$0x3FA7]  }
0x2c: {  	s7 =	sld [smem:$0x3FA8]  }
0x2d: {  	s3 =	simm.s32 $0x108;
	s8 =	sld [smem:$0x3FA9]  }
0x2e: {  	s3 =	simm.s32 @!p0 $0x1082;
	s9 =	sld [smem:$0x3FAA]  }
0x2f: {  	lr =	sadd.s32 s0, s3;
	s0 =	sld [smem:$0x3FA1]  }
0x30: {  	s3 =	sld [smem:$0x3FA4]  }
0x31: {  	[smem:$0x3FAD] =	sst s10  }
0x32: {  	s10 =	sld [smem:$0x3FAB];
	_ =	sdelay $0x3  }
0x33: {  	p0 =	seq.s32 s10, $0x1;
	s10 =	sld [smem:$0x3FAD];
	_ =	sdelay $0x3  }
0x34: {  	[smem:$0x3FAD] =	sst s10  }
0x35: {  	s10 =	sld [smem:$0x3FAC];
	_ =	sdelay $0x3  }
0x36: {  	p1 =	seq.s32 s10, $0x1;
	s10 =	sld [smem:$0x3FAD];
	_ =	sdelay $0x3  }
0x37: {  	[smem:$0x3FAD] =	sst s10  }
0x38: {  	s10 =	sld [smem:$0x3FAE]  }
0x39: {  	_ = 	snop;
	(pc) =	sbr.ind lr, $3  }
0x3a: {  	_ = 	snop  }
0x3b: {  	_ = 	snop  }
0x3c: {  	p2 =	seq.s32 s10, $0x1;
	s10 =	sld [smem:$0x3FAD]  }
0x3d: {  	_ =	shalt  }
0x3e: {  	_ =	shalt  }
0x3f: {  	_ =	shalt  }
0x40: {  	_ =	shalt  }
0x41: {  	_ =	shalt  }
0x42: {  	_ =	shalt  }
0x43: {  	_ =	shalt  }
0x44: {  	_ =	shalt  }
0x45: {  	_ =	shalt  }
0x46: {  	_ =	shalt  }
0x47: {  	_ =	shalt  }
0x48: {  	_ =	shalt  }
0x49: {  	_ =	shalt  }
0x4a: {  	_ =	shalt  }
0x4b: {  	_ =	shalt  }
0x4c: {  	_ =	shalt  }
0x4d: {  	_ =	shalt  }
0x4e: {  	_ =	shalt  }
0x4f: {  	_ =	shalt  }
0x50: {  	_ =	shalt  }
0x51: {  	_ =	shalt  }
0x52: {  	_ =	shalt  }
0x53: {  	_ =	shalt  }
0x54: {  	_ =	shalt  }
0x55: {  	_ =	shalt  }
0x56: {  	_ =	shalt  }
0x57: {  	_ =	shalt  }
0x58: {  	_ =	shalt  }
0x59: {  	_ =	shalt  }
0x5a: {  	_ =	shalt  }
0x5b: {  	_ =	shalt  }
0x5c: {  	_ =	shalt  }
0x5d: {  	_ =	shalt  }
0x5e: {  	_ =	shalt  }
0x5f: {  	_ =	shalt  }
0x60: {  	_ =	shalt  }
0x61: {  	_ =	shalt  }
0x62: {  	_ =	shalt  }
0x63: {  	_ =	shalt  }
0x64: {  	_ =	shalt  }
0x65: {  	_ =	shalt  }
0x66: {  	_ =	shalt  }
0x67: {  	_ =	shalt  }
0x68: {  	_ =	shalt  }
0x69: {  	_ =	shalt  }
0x6a: {  	_ =	shalt  }
0x6b: {  	_ =	shalt  }
0x6c: {  	_ =	shalt  }
0x6d: {  	_ =	shalt  }
0x6e: {  	_ =	shalt  }
0x6f: {  	_ =	shalt  }
0x70: {  	_ =	shalt  }
0x71: {  	_ =	shalt  }
0x72: {  	_ =	shalt  }
0x73: {  	_ =	shalt  }
0x74: {  	_ =	shalt  }
0x75: {  	_ =	shalt  }
0x76: {  	_ =	shalt  }
0x77: {  	_ =	shalt  }
0x78: {  	_ =	shalt  }
0x79: {  	_ =	shalt  }
0x7a: {  	_ =	shalt  }
0x7b: {  	_ =	shalt  }
0x7c: {  	_ =	shalt  }
0x7d: {  	_ =	shalt  }
0x7e: {  	_ =	shalt  }
0x7f: {  	_ =	shalt  }
0x80: {  	_ =	shalt  }
0x81: {  	_ =	shalt  }
0x82: {  	_ =	shalt  }
0x83: {  	_ =	shalt  }
0x84: {  	_ =	shalt  }
0x85: {  	_ =	shalt  }
0x86: {  	_ =	shalt  }
0x87: {  	_ =	shalt  }
.Lfunc_end0:
.L_simem_size_0:
called_computation.1_lowered:
.L_overlay_start_0:
0x88: {  	s2 =	sld [smem:$0x3FD9]  }
0x89: {  	s3 =	sld [smem:$0x3FFE];
	_ =	sdelay $0x1  }
0x8a: {  	s1 =	srdreg.scid  }
0x8b: {  	s0 =	sand.u32 $0x1, s1  }
0x8c: {  	s17 =	sshll.u32 s0, $0xA;
	s2 =	sadd.s32 s3, s2  }
0x8d: {  	s2 =	sadd.s32 s2, s17  }
0x8e: {  	[smem:$0x3FB9] =	sst s2  }
0x8f: {  	_ = 	snop  }
0x90: {  	(tm) =	ssettm $0x1  }
0x91: {  	s18 =	sld [smem:$0x3FFB];
	_ =	sdelay $0x3  }
0x92: {  	_ =	strace s18  }
0x93: {  	s2 =	sld [smem:$0x3FFC];
	_ =	sdelay $0x3  }
0x94: {  	_ =	strace s2  }
0x95: {  	s2 =	sld [smem:$0x3FFD];
	_ =	sdelay $0x3  }
0x96: {  	_ =	strace s2  }
0x97: {  	_ =	strace $0x8FFFFFFF  }
0x98: {  	s19 =	sld [smem:$0x3FDB];
	_ =	sdelay $0x1  }
0x99: {  	s20 =	simm.s32 $_scs_section_size  }
0x9a: {  	s4 =	simm.s32 $_size__tile_overlayer_lowered;
	s5 =	simm.s32 $_tile_overlayer_lowered  }
0x9b: {  	s6 =	simm.s32 $0x1BFF;
	s21 =	sshll.u32 s5, $0x1;
	s3 =	sadd.s32 s20, s19  }
0x9c: {  	s22 =	simm.s32 $0x0;
	s4 =	sshll.u32 s4, $0x1;
	s5 =	sadd.s32 s21, s3  }
0x9d: {  	[timem:s22], [sflag:s6] =	dma.local [hbm:s5], s4  }
0x9e: {  	_ =	swait.ge [sflag:s6], s4  }
0x9f: {  	s4 =	ssub.s32 $0x0, s4;
	[sflag:s6] =	ssyncset.done $0x0  }
0xa0: {  	[sflag:s6] =	ssyncadd.s32 s4;
	_ =	sdelay $0x1  }
0xa1: {  	s23 =	simm.s32 $0x1B8B  }
0xa2: {  	_ =	swait.ge [sflag:s23], $0x1  }
0xa3: {  	[sflag:s23] =	ssyncset.done $0x0  }
0xa4: {  	[sflag:s23] =	ssyncadd.s32 $0xFFFFFFFF  }
0xa5: {  	s4 =	sld [smem:$0x0]  }
0xa6: {  	s5 =	sand.u32 $0xFFFFFFFE, s1  }
0xa7: {  	p0 =	sne.s32 s1, s5  }
0xa8: {  	s5 =	sshll.u32 @p0 s5, $0xE  }
0xa9: {  	s5 =	sadd.s32 @p0 $0x11B8D, s5;
	s6 =	sshll.u32 @p0 s4, $0x11  }
0xaa: {  	s5 =	sor.u32 @p0 s6, s5  }
0xab: {  	[sflag:s5] =	ssyncadd.remote.s32 @p0 $0x1;
	_ =	sdelay $0x1  }
0xac: {  	s5 =	simm.s32 @p0 $0x1B8D  }
0xad: {  	_ =	swait.eq @p0 [sflag:s5], $0x1  }
0xae: {  	[sflag:s5] =	ssyncadd.s32 @p0 $0xFFFFFFFF  }
0xaf: {  	s6 =	sshll.u32 @!p0 s1, $0xE  }
0xb0: {  	s6 =	sor.u32 @!p0 $0x4000, s6;
	s5 =	simm.s32 @!p0 $0x1B8D  }
0xb1: {  	s4 =	sshll.u32 @!p0 s4, $0x11;
	s6 =	sadd.s32 @!p0 $0x11B8D, s6;
	_ =	swait.eq @!p0 [sflag:s5], $0x1  }
0xb2: {  	s4 =	sor.u32 @!p0 s4, s6;
	[sflag:s5] =	ssyncadd.s32 @!p0 $0xFFFFFFFF  }
0xb3: {  	s25 =	simm.s32 $0x1B8E;
	s24 =	sld [smem:$0x3FFE];
	[sflag:s4] =	ssyncadd.remote.s32 @!p0 $0x1  }
0xb4: {  	s26 =	simm.s32 $execute0_lowered;
	[smem:$0x3FD2] =	sst s25  }
0xb5: {  	s5 =	sshll.u32 s26, $0x1;
	_ =	strace $0x80000049;
	[dreg:$0x1] =	wrdreg $0xFFFFFFFF  }
0xb6: {  	s28 =	simm.s32 $_size_execute0_lowered;
	s3 =	sadd.s32 s3, s5;
	[dreg:$0x0] =	wrdreg $0x0  }
0xb7: {  	s5 =	sshll.u32 s28, $0x1;
	[dreg:$0x2] =	wrdreg s3  }
0xb8: {  	[dreg:$0x3] =	wrdreg s5  }
0xb9: {  	[dreg:$0x4] =	wrdreg $0xC0  }
0xba: {  	_ =	task [dreg:s22], $0x5FFFF  }
0xbb: {  	[dreg:$0x1] =	wrdreg $0xFFFFFFFF  }
0xbc: {  	[dreg:$0x0] =	wrdreg $0x60  }
0xbd: {  	[dreg:$0x2] =	wrdreg s24  }
0xbe: {  	[dreg:$0x3] =	wrdreg $0x29000  }
0xbf: {  	[dreg:$0x4] =	wrdreg $0x9  }
0xc0: {  	_ =	task.clear_ibuf [dreg:s22], $0x5FFFF;
	_ =	strace $0x90000049  }
0xc1: {  	s29 =	simm.s32 $0x9;
	_ =	strace $0x8000004B  }
0xc2: {  	_ =	swait.ge [sflag:s29], $0x1  }
0xc3: {  	[sflag:s29] =	ssyncadd.s32 $0xFFFFFFFF  }
0xc4: {  	_ =	strace $0x9000004B  }
0xc5: {  	_ =	sfence  }
0xc6: {  	s30 =	sld [smem:$0x0];
	_ =	sdelay $0x2  }
0xc7: {  	s31 =	sshll.u32 s1, $0xD;
	s1 =	sshrl.u32 s1, $0x2  }
0xc8: {  	s4 =	sand.u32 $0x4000, s31;
	s1 =	sadd.s32 s1, s30  }
0xc9: {  	s0 =	sor.u32 s4, s0;
	s1 =	sshll.u32 s1, $0x11  }
0xca: {  	s0 =	sor.u32 s1, s0  }
0xcb: {  	s0 =	sadd.s32 $0x8F2B, s0  }
0xcc: {  	[sflag:s0] =	ssyncadd.remote.s32 $0x1  }
0xcd: {  	_ =	sfence.sel $0xFFFF  }
0xce: {  	[dreg:$0x0] =	wrdreg $0xFFFFFFFF;
	(pc) =	sbr.abs _section_cstart, $3  }
0xcf: {  	[dreg:$0x1] =	wrdreg $0xFFFFFFFF  }
0xd0: {  	_ =	task.clear_ibuf [dreg:s22], $0x2FFFF;
	_ =	strace $0x9FFFFFFF  }
0xd1: {  	(tm) =	ssettm $0x7FFFFFFF  }
tec
execute0_lowered:
.L_overlay_start_1:
0x0: {  	(tag) =	ssettag $0x1  }
0x1: {  	s10 =	rddreg [dreg:$0x0]  }
0x2: {  	s1 =	rddreg [dreg:$0x1]  }
0x3: {  	s0 =	rddreg [dreg:$0x2];
	s2 =	simm.s32 $0x0  }
0x4: {  	s5 =	srdreg.scid;
	s3 =	stileid.u32;
	s16 =	simm.s32 $0x80  }
0x5: {  	s17 =	simm.s32 $0x1;
	s18 =	simm.s32 $0x50;
	s19 =	simm.s32 $0x4  }
0x6: {  	s20 =	simm.s32 $0x2;
	s21 =	simm.s32 $0x0;
	[smem:$0x7FF] =	sst s2  }
0x7: {  	s4 =	sadd.s32 $0x6A00, s10;
	s8 =	sand.u32 $0x1, s5;
	s9 =	smul.u32 $0x50000, s3  }
0x8: {  	s5 =	sadd.s32 $0x1A600, s10;
	s6 =	sadd.s32 $0x6CE00, s10;
	s14 =	smul.u32 $0x2710, s3  }
0x9: {  	s13 =	sshll.u32 s3, $0x6;
	s31 =	smul.u32 $0x2800, s3;
	s7 =	ssub.s32 $0x2, s8  }
0xa: {  	_ =	strace $0x8000004A;
	s12 =	smul.u32 $0x27100, s8;
	s11 =	sshrl.u32 s7, $0x1  }
0xb: {  	p0 =	seq.s32 s8, $0x1;
	s9 =	sshrl.u32 s9, $0x2;
	s11 =	ssub.s32 s7, s11  }
0xc: {  	s15 =	sadd.s32 s9, s1;
	s7 =	sor.u32 $0x1C03, s13;
	s12 =	sadd.s32 s14, s12  }
0xd: {  	s13 =	simm.s32 $0x95400;
	s14 =	simm.s32 $0x3;
	s30 =	sshrl.u32 s12, $0x3  }
0xe: {  	s13 =	simm.s32 @!p0 $0x6D400;
	s9 =	smax.u32 s11, $0x1;
	s11 =	sadd.s32 $0xA0, s12  }
0xf: {  	s8 =	sadd.s32 s4, s30;
	s10 =	sadd.s32 s13, s10;
	s13 =	sshrl.u32 s15, $0x3  }
0x10: {  	s15 =	simm.s32 $0x100;
	s10 =	sadd.s32 s10, s31;
	s12 =	sadd.s32 $0xA, s8  }
.LBB2_1:
0x11: {  	[spmem:s13], [sflag:s7] =	dma.local [hbm:s5], $0x2800  }
0x12: {  	_ =	swait.ge [sflag:s14], $0x2800  }
0x13: {  	[sflag:s14] =	ssyncset.done $0x0  }
0x14: {  	[sflag:s14] =	ssyncadd.s32 $0xFFFFD800  }
0x15: {  	[tilespmem:s15], [sflag:$0x3] =	stream.linear.gather [hbm4b:s6+s2], $0x2800, $0x38;
	[tilespmem:$0x16900] =	vst v63  }
0x16: {  	_ =	swait.ge [sflag:s14], $0x2800  }
0x17: {  	[sflag:s14] =	ssyncset.done $0x0  }
0x18: {  	[sflag:s14] =	ssyncadd.s32 $0xFFFFD800  }
0x19: {  	[bflag:$0x0] =	sbarrier.arrive $0xFFFF  }
0x1a: {  	[tilespmem:s2], [sflag:$0x1] =	stream.linear.gather [hbm4b:s8+s2], $0x50, $0x38;
	[tilespmem:$0x16900] =	vst v63  }
0x1b: {  	s22 =	sadd.s32 $0x0, s12  }
0x1c: {  	[tilespmem:s16], [sflag:$0x2] =	stream.linear.gather [hbm4b:s22+s2], $0x50, $0x38;
	[tilespmem:$0x16900] =	vst v63  }
0x1d: {  	_ =	swait.ge [sflag:s17], $0x50  }
0x1e: {  	[sflag:s17] =	ssyncset.done $0x0  }
0x1f: {  	[sflag:s17] =	ssyncadd.s32 $0xFFFFFFB0  }
0x20: {  	[spmem:s1] =	stream.indirect.scatter.add.f32 [tilespmem:s15], [sflag:$0x4], $0x80, s2, s18, $0xb8;
	[tilespmem:$0x16900] =	vst v63  }
0x21: {  	_ =	swait.ge [sflag:s19], $0x2800  }
0x22: {  	s31 =	sshrl.u32 s11, $0x3;
	[sflag:s19] =	ssyncset.done $0x0  }
0x23: {  	s22 =	sadd.s32 s4, s31;
	[sflag:s19] =	ssyncadd.s32 $0xFFFFD800  }
0x24: {  	[tilespmem:s2], [sflag:$0x1] =	stream.linear.gather [hbm4b:s22+s2], $0x50, $0x38;
	[tilespmem:$0x16900] =	vst v63  }
0x25: {  	_ =	swait.ge [sflag:s20], $0x50  }
0x26: {  	[sflag:s20] =	ssyncset.done $0x0  }
0x27: {  	[sflag:s20] =	ssyncadd.s32 $0xFFFFFFB0  }
0x28: {  	[spmem:s1] =	stream.indirect.scatter.add.f32 [tilespmem:s15], [sflag:$0x3], $0x80, s16, s18, $0xb8;
	[tilespmem:$0x16900] =	vst v63  }
0x29: {  	s23 =	simm.s32 $0x14;
	_ =	swait.ge [sflag:s14], $0x2800  }
0x2a: {  	s24 =	simm.s32 $0x28;
	s22 =	sadd.s32 $0xA0, s11;
	[sflag:s14] =	ssyncset.done $0x0  }
.LBB2_2:
0x2b: {  	s25 =	sadd.s32 s23, s12  }
0x2c: {  	[sflag:s14] =	ssyncadd.s32 $0xFFFFD800;
	s23 =	smov.u32 s24;
	s26 =	sadd.s32 $0x14, s24  }
0x2d: {  	[tilespmem:s16], [sflag:$0x2] =	stream.linear.gather [hbm4b:s25+s2], $0x50, $0x38;
	[tilespmem:$0x16900] =	vst v63  }
0x2e: {  	p0 =	sne.s32 s24, $0x4C4;
	_ =	swait.ge [sflag:s17], $0x50  }
0x2f: {  	[sflag:s17] =	ssyncset.done $0x0  }
0x30: {  	[sflag:s17] =	ssyncadd.s32 $0xFFFFFFB0  }
0x31: {  	[spmem:s1] =	stream.indirect.scatter.add.f32 [tilespmem:s15], [sflag:$0x4], $0x80, s2, s18, $0xb8;
	[tilespmem:$0x16900] =	vst v63  }
0x32: {  	_ =	swait.ge [sflag:s19], $0x2800  }
0x33: {  	s24 =	sshrl.u32 s22, $0x3;
	[sflag:s19] =	ssyncset.done $0x0  }
0x34: {  	s24 =	sadd.s32 s4, s24;
	[sflag:s19] =	ssyncadd.s32 $0xFFFFD800  }
0x35: {  	[tilespmem:s2], [sflag:$0x1] =	stream.linear.gather [hbm4b:s24+s2], $0x50, $0x38;
	[tilespmem:$0x16900] =	vst v63  }
0x36: {  	_ =	swait.ge [sflag:s20], $0x50  }
.Ltmp0:
0x37: {  	[sflag:s20] =	ssyncset.done $0x0;
	(pc) =	sbr.rel @p0 .LBB2_2-.Ltmp0, $4  }
0x38: {  	[sflag:s20] =	ssyncadd.s32 $0xFFFFFFB0  }
0x39: {  	[spmem:s1] =	stream.indirect.scatter.add.f32 [tilespmem:s15], [sflag:$0x3], $0x80, s16, s18, $0xb8;
	[tilespmem:$0x16900] =	vst v63  }
0x3a: {  	_ =	swait.ge [sflag:s14], $0x2800  }
0x3b: {  	s22 =	sadd.s32 $0xA0, s22;
	s24 =	smov.u32 s26;
	[sflag:s14] =	ssyncset.done $0x0  }
0x3c: {  	s23 =	sadd.s32 s23, s12;
	[sflag:s14] =	ssyncadd.s32 $0xFFFFD800  }
0x3d: {  	[tilespmem:s16], [sflag:$0x2] =	stream.linear.gather [hbm4b:s23+s2], $0x50, $0x38;
	[tilespmem:$0x16900] =	vst v63  }
0x3e: {  	_ =	swait.ge [sflag:s17], $0x50  }
0x3f: {  	[sflag:s17] =	ssyncset.done $0x0  }
0x40: {  	[sflag:s17] =	ssyncadd.s32 $0xFFFFFFB0  }
0x41: {  	[spmem:s1] =	stream.indirect.scatter.add.f32 [tilespmem:s15], [sflag:$0x4], $0x80, s2, s18, $0xb8;
	[tilespmem:$0x16900] =	vst v63  }
0x42: {  	_ =	swait.ge [sflag:s19], $0x2800  }
0x43: {  	s22 =	sshrl.u32 s22, $0x3;
	[sflag:s19] =	ssyncset.done $0x0  }
0x44: {  	s22 =	sadd.s32 s4, s22;
	[sflag:s19] =	ssyncadd.s32 $0xFFFFD800  }
0x45: {  	[tilespmem:s2], [sflag:$0x1] =	stream.linear.gather [hbm4b:s22+s2], $0x50, $0x38;
	[tilespmem:$0x16900] =	vst v63  }
0x46: {  	_ =	swait.ge [sflag:s20], $0x50  }
0x47: {  	[sflag:s20] =	ssyncset.done $0x0  }
0x48: {  	[sflag:s20] =	ssyncadd.s32 $0xFFFFFFB0  }
0x49: {  	[spmem:s1] =	stream.indirect.scatter.add.f32 [tilespmem:s15], [sflag:$0x3], $0x80, s16, s18, $0xb8;
	[tilespmem:$0x16900] =	vst v63  }
0x4a: {  	_ =	swait.ge [sflag:s14], $0x2800  }
0x4b: {  	[sflag:s14] =	ssyncset.done $0x0  }
0x4c: {  	[sflag:s14] =	ssyncadd.s32 $0xFFFFD800  }
0x4d: {  	_ =	swait.ge [sflag:s17], $0x50  }
0x4e: {  	[sflag:s17] =	ssyncset.done $0x0  }
0x4f: {  	[sflag:s17] =	ssyncadd.s32 $0xFFFFFFB0  }
0x50: {  	[spmem:s1] =	stream.indirect.scatter.add.f32 [tilespmem:s15], [sflag:$0x4], $0x80, s2, s18, $0xb8;
	[tilespmem:$0x16900] =	vst v63  }
0x51: {  	_ =	swait.ge [sflag:s19], $0x2800  }
0x52: {  	s21 =	sadd.s32 $0x1, s21;
	[sflag:s19] =	ssyncset.done $0x0  }
0x53: {  	p0 =	sne.s32 s21, s9;
	[sflag:s19] =	ssyncadd.s32 $0xFFFFD800  }
.Ltmp1:
0x54: {  	[bflag:$0x0] =	sbarrier.arrive $0xFFFF;
	(pc) =	sbr.rel @p0 .LBB2_1-.Ltmp1, $4  }
0x55: {  	[hbm:s10], [sflag:s7] =	dma.local [spmem:s13], $0x2800  }
0x56: {  	_ =	swait.ge [sflag:s14], $0x2800  }
0x57: {  	[sflag:s14] =	ssyncset.done $0x0  }
0x58: {  	[sflag:s14] =	ssyncadd.s32 $0xFFFFD800  }
0x59: {  	_ =	sfence.sel $0x180000  }
0x5a: {  	[bflag:$0x0] =	sbarrier.arrive $0xFFFF  }
0x5b: {  	p0 =	sne.s32 s3, $0x0;
	_ =	strace $0x9000004A  }
0x5c: {  	s0 =	sadd.s32 @!p0 $0x100000, s0;
	[bflag:$0x2] =	sbarrier.arrive $0xFFFF  }
0x5d: {  	[sflag:s0] =	ssyncadd.tile.s32 @!p0 $0x1;
	_ =	shalt  }
.Lfunc_end2:
_tile_overlayer_lowered:
.L_overlay_start_2:
0x5e: {  	(tag) =	ssettag $0x2  }
0x5f: {  	s0 =	rddreg [dreg:$0x0];
	s2 =	stileid.u32  }
0x60: {  	s1 =	rddreg [dreg:$0x1];
	p0 =	sne.s32 s2, $0x0  }
0x61: {  	s3 =	rddreg [dreg:$0x2];
	[bflag:$0x3] =	sbarrier.arrive $0xFFFF;
	s2 =	simm.s32 @!p0 $0x1C03  }
0x62: {  	[timem:s3], [sflag:s2] =	dma.local @!p0 [hbm:s0], s1  }
0x63: {  	s0 =	simm.s32 @!p0 $0x3  }
0x64: {  	_ =	swait.ge @!p0 [sflag:s0], s1  }
0x65: {  	s1 =	ssub.s32 @!p0 $0x0, s1;
	[sflag:s0] =	ssyncset.done @!p0 $0x0  }
0x66: {  	[sflag:s0] =	ssyncadd.s32 @!p0 s1  }
0x67: {  	[bflag:$0x3] =	sbarrier.arrive $0xFFFF  }
0x68: {  	_ =	shalt  }

// kernel: kernel.19.cloned.1.call-start
scs
__scs_entry_jumppad:
0x0: {  	(pc) =	sbr.rel $0x88, $3  }
0x1: {  	(tag) =	ssettag $0x0;
	lr =	simm.s32 $0x1  }
0x2: {  	[smem:$0x3F92] =	sst lr;
	_ =	strace $0xD0000000  }
0x3: {  	_ = 	snop  }
0x4: {  	_ = 	snop  }
0x5: {  	_ = 	snop  }
0x6: {  	_ = 	snop  }
0x7: {  	_ = 	snop  }
__scs_overlays_trampoline_lowered:
0x8: {  	[smem:$0x3FA1] =	sst s0  }
0x9: {  	[smem:$0x3FA2] =	sst s1  }
0xa: {  	[smem:$0x3FA3] =	sst s2  }
0xb: {  	[smem:$0x3FA4] =	sst s3  }
0xc: {  	[smem:$0x3FA5] =	sst s4  }
0xd: {  	[smem:$0x3FA6] =	sst s5  }
0xe: {  	[smem:$0x3FA7] =	sst s6  }
0xf: {  	[smem:$0x3FA8] =	sst s7  }
0x10: {  	[smem:$0x3FA9] =	sst s8  }
0x11: {  	[smem:$0x3FAA] =	sst s9;
	s0 =	simm.s32 @!p0 $0x0  }
0x12: {  	s1 =	sld [smem:$0x3F90];
	s0 =	simm.s32 @p0 $0x1  }
0x13: {  	[smem:$0x3FAB] =	sst s0;
	s0 =	simm.s32 @!p1 $0x0  }
0x14: {  	s2 =	sld [smem:$0x3F8F];
	s0 =	simm.s32 @p1 $0x1  }
0x15: {  	[smem:$0x3FAC] =	sst s0;
	s0 =	simm.s32 @!p2 $0x0  }
0x16: {  	s3 =	sld [smem:$0x3FDB];
	s0 =	simm.s32 @p2 $0x1  }
0x17: {  	s4 =	simm.s32 $0x1BF5;
	[smem:$0x3FAE] =	sst s0  }
0x18: {  	s0 =	sld [smem:$0x3F91];
	_ =	swait.ge [sflag:s4], $0x0  }
0x19: {  	s7 =	sld [smem:$0x3F92]  }
0x1a: {  	s8 =	sadd.s32 $0xFFFFE003, lr  }
0x1b: {  	s9 =	sadd.s32 $0xFFFFFEF7, lr;
	s5 =	simm.s32 $0xFFFFFFFF;
	p2 =	slt.u32 s8, $0xFFFFF086  }
0x1c: {  	p1 =	slt.u32 s9, $0xF7A;
	s5 =	simm.s32 @!p2 $0x0  }
0x1d: {  	s5 =	simm.s32 @p1 $0x1;
	p0 =	seq.s32 s7, s2  }
0x1e: {  	s7 =	smul.u32 @!p0 $0xF7A, s2;
	p2 =	seq.s32 @!p0 s5, $0x0  }
0x1f: {  	s9 =	smul.u32 $0xF7A, s1;
	s8 =	simm.s32 @!p0 $0x1BF5;
	p2 =	por !p2, p0  }
0x20: {  	[sflag:s8] =	ssyncset.s32 @!p0 $0xFFFFF086;
	s6 =	sadd.s32 @!p0 s3, s7;
	s7 =	simm.s32 @!p0 $0x108  }
0x21: {  	s3 =	sadd.s32 s3, s9;
	s6 =	sadd.s32 @!p0 $0x88, s6;
	s7 =	simm.s32 @p2 $0x1082  }
0x22: {  	[simem:s7], [sflag:s8] =	dma.local @!p0 [hbm:s6], $0xF7A  }
0x23: {  	s9 =	sor.u32 $0xD0000000, s2;
	s6 =	simm.s32 $0x108;
	_ =	swait.ge @!p0 [sflag:s8], $0x0  }
0x24: {  	s3 =	sadd.s32 $0x88, s3;
	s6 =	simm.s32 @!p1 $0x1082;
	[sflag:s4] =	ssyncset.s32 $0xFFFFF086  }
0x25: {  	[simem:s6], [sflag:s4] =	dma.local [hbm:s3], $0xF7A  }
0x26: {  	[smem:$0x3F92] =	sst s1;
	(tag) =	ssettag s2;
	_ =	strace s9  }
0x27: {  	s1 =	sld [smem:$0x3FA2]  }
0x28: {  	s2 =	sld [smem:$0x3FA3]  }
0x29: {  	s4 =	sld [smem:$0x3FA5]  }
0x2a: {  	p0 =	seq.s32 s5, $0x0;
	s5 =	sld [smem:$0x3FA6]  }
0x2b: {  	s6 =	sld [smem:$0x3FA7]  }
0x2c: {  	s7 =	sld [smem:$0x3FA8]  }
0x2d: {  	s3 =	simm.s32 $0x108;
	s8 =	sld [smem:$0x3FA9]  }
0x2e: {  	s3 =	simm.s32 @!p0 $0x1082;
	s9 =	sld [smem:$0x3FAA]  }
0x2f: {  	lr =	sadd.s32 s0, s3;
	s0 =	sld [smem:$0x3FA1]  }
0x30: {  	s3 =	sld [smem:$0x3FA4]  }
0x31: {  	[smem:$0x3FAD] =	sst s10  }
0x32: {  	s10 =	sld [smem:$0x3FAB];
	_ =	sdelay $0x3  }
0x33: {  	p0 =	seq.s32 s10, $0x1;
	s10 =	sld [smem:$0x3FAD];
	_ =	sdelay $0x3  }
0x34: {  	[smem:$0x3FAD] =	sst s10  }
0x35: {  	s10 =	sld [smem:$0x3FAC];
	_ =	sdelay $0x3  }
0x36: {  	p1 =	seq.s32 s10, $0x1;
	s10 =	sld [smem:$0x3FAD];
	_ =	sdelay $0x3  }
0x37: {  	[smem:$0x3FAD] =	sst s10  }
0x38: {  	s10 =	sld [smem:$0x3FAE]  }
0x39: {  	_ = 	snop;
	(pc) =	sbr.ind lr, $3  }
0x3a: {  	_ = 	snop  }
0x3b: {  	_ = 	snop  }
0x3c: {  	p2 =	seq.s32 s10, $0x1;
	s10 =	sld [smem:$0x3FAD]  }
0x3d: {  	_ =	shalt  }
0x3e: {  	_ =	shalt  }
0x3f: {  	_ =	shalt  }
0x40: {  	_ =	shalt  }
0x41: {  	_ =	shalt  }
0x42: {  	_ =	shalt  }
0x43: {  	_ =	shalt  }
0x44: {  	_ =	shalt  }
0x45: {  	_ =	shalt  }
0x46: {  	_ =	shalt  }
0x47: {  	_ =	shalt  }
0x48: {  	_ =	shalt  }
0x49: {  	_ =	shalt  }
0x4a: {  	_ =	shalt  }
0x4b: {  	_ =	shalt  }
0x4c: {  	_ =	shalt  }
0x4d: {  	_ =	shalt  }
0x4e: {  	_ =	shalt  }
0x4f: {  	_ =	shalt  }
0x50: {  	_ =	shalt  }
0x51: {  	_ =	shalt  }
0x52: {  	_ =	shalt  }
0x53: {  	_ =	shalt  }
0x54: {  	_ =	shalt  }
0x55: {  	_ =	shalt  }
0x56: {  	_ =	shalt  }
0x57: {  	_ =	shalt  }
0x58: {  	_ =	shalt  }
0x59: {  	_ =	shalt  }
0x5a: {  	_ =	shalt  }
0x5b: {  	_ =	shalt  }
0x5c: {  	_ =	shalt  }
0x5d: {  	_ =	shalt  }
0x5e: {  	_ =	shalt  }
0x5f: {  	_ =	shalt  }
0x60: {  	_ =	shalt  }
0x61: {  	_ =	shalt  }
0x62: {  	_ =	shalt  }
0x63: {  	_ =	shalt  }
0x64: {  	_ =	shalt  }
0x65: {  	_ =	shalt  }
0x66: {  	_ =	shalt  }
0x67: {  	_ =	shalt  }
0x68: {  	_ =	shalt  }
0x69: {  	_ =	shalt  }
0x6a: {  	_ =	shalt  }
0x6b: {  	_ =	shalt  }
0x6c: {  	_ =	shalt  }
0x6d: {  	_ =	shalt  }
0x6e: {  	_ =	shalt  }
0x6f: {  	_ =	shalt  }
0x70: {  	_ =	shalt  }
0x71: {  	_ =	shalt  }
0x72: {  	_ =	shalt  }
0x73: {  	_ =	shalt  }
0x74: {  	_ =	shalt  }
0x75: {  	_ =	shalt  }
0x76: {  	_ =	shalt  }
0x77: {  	_ =	shalt  }
0x78: {  	_ =	shalt  }
0x79: {  	_ =	shalt  }
0x7a: {  	_ =	shalt  }
0x7b: {  	_ =	shalt  }
0x7c: {  	_ =	shalt  }
0x7d: {  	_ =	shalt  }
0x7e: {  	_ =	shalt  }
0x7f: {  	_ =	shalt  }
0x80: {  	_ =	shalt  }
0x81: {  	_ =	shalt  }
0x82: {  	_ =	shalt  }
0x83: {  	_ =	shalt  }
0x84: {  	_ =	shalt  }
0x85: {  	_ =	shalt  }
0x86: {  	_ =	shalt  }
0x87: {  	_ =	shalt  }
.Lfunc_end0:
.L_simem_size_0:
called_computation.2_lowered:
.L_overlay_start_0:
0x88: {  	s2 =	sld [smem:$0x3FD9]  }
0x89: {  	s3 =	sld [smem:$0x3FFE];
	_ =	sdelay $0x1  }
0x8a: {  	s1 =	srdreg.scid  }
0x8b: {  	s0 =	sand.u32 $0x1, s1  }
0x8c: {  	s15 =	sshll.u32 s0, $0xA;
	s2 =	sadd.s32 s3, s2  }
0x8d: {  	s2 =	sadd.s32 s2, s15  }
0x8e: {  	[smem:$0x3FB9] =	sst s2  }
0x8f: {  	_ = 	snop  }
0x90: {  	s2 =	sld [smem:$0x3FD0];
	_ =	sdelay $0x2  }
0x91: {  	s16 =	simm.s32 $0xB;
	s4 =	simm.s32 $0x10  }
0x92: {  	[smem:s4], [sflag:s16] =	dma.local [hbm:s2], $0x1  }
0x93: {  	_ =	swait.eq [sflag:s16], $0x1  }
0x94: {  	[sflag:s16] =	ssyncset.done $0x0  }
0x95: {  	[sflag:s16] =	ssyncadd.s32 $0xFFFFFFFF  }
0x96: {  	s17 =	sld [smem:$0x11];
	(tm) =	ssettm $0x1  }
0x97: {  	s18 =	sld [smem:$0x3FFB];
	_ =	sdelay $0x3  }
0x98: {  	_ =	strace s18  }
0x99: {  	s2 =	sld [smem:$0x3FFC];
	_ =	sdelay $0x3  }
0x9a: {  	_ =	strace s2  }
0x9b: {  	s2 =	sld [smem:$0x3FFD];
	_ =	sdelay $0x3  }
0x9c: {  	_ =	strace s2  }
0x9d: {  	_ =	strace $0x8FFFFFFF  }
0x9e: {  	s19 =	sld [smem:$0x3FDB];
	_ =	sdelay $0x1  }
0x9f: {  	s20 =	simm.s32 $_scs_section_size  }
0xa0: {  	s5 =	simm.s32 $_size__tile_overlayer_lowered;
	s6 =	simm.s32 $_tile_overlayer_lowered  }
0xa1: {  	s7 =	simm.s32 $0x1BFF;
	s21 =	sshll.u32 s6, $0x1;
	s4 =	sadd.s32 s20, s19  }
0xa2: {  	s22 =	simm.s32 $0x0;
	s5 =	sshll.u32 s5, $0x1;
	s6 =	sadd.s32 s21, s4  }
0xa3: {  	[timem:s22], [sflag:s7] =	dma.local [hbm:s6], s5  }
0xa4: {  	_ =	swait.ge [sflag:s7], s5  }
0xa5: {  	s5 =	ssub.s32 $0x0, s5;
	[sflag:s7] =	ssyncset.done $0x0  }
0xa6: {  	[sflag:s7] =	ssyncadd.s32 s5;
	_ =	sdelay $0x1  }
0xa7: {  	s23 =	simm.s32 $0x1B8B  }
0xa8: {  	_ =	swait.ge [sflag:s23], $0x1  }
0xa9: {  	[sflag:s23] =	ssyncset.done $0x0  }
0xaa: {  	[sflag:s23] =	ssyncadd.s32 $0xFFFFFFFF  }
0xab: {  	s5 =	sld [smem:$0x0]  }
0xac: {  	s6 =	sand.u32 $0xFFFFFFFE, s1  }
0xad: {  	p0 =	sne.s32 s1, s6  }
0xae: {  	s6 =	sshll.u32 @p0 s6, $0xE  }
0xaf: {  	s6 =	sadd.s32 @p0 $0x11B8D, s6;
	s7 =	sshll.u32 @p0 s5, $0x11  }
0xb0: {  	s6 =	sor.u32 @p0 s7, s6  }
0xb1: {  	[sflag:s6] =	ssyncadd.remote.s32 @p0 $0x1;
	_ =	sdelay $0x1  }
0xb2: {  	s6 =	simm.s32 @p0 $0x1B8D  }
0xb3: {  	_ =	swait.eq @p0 [sflag:s6], $0x1  }
0xb4: {  	[sflag:s6] =	ssyncadd.s32 @p0 $0xFFFFFFFF  }
0xb5: {  	s7 =	sshll.u32 @!p0 s1, $0xE  }
0xb6: {  	s7 =	sor.u32 @!p0 $0x4000, s7;
	s6 =	simm.s32 @!p0 $0x1B8D  }
0xb7: {  	s5 =	sshll.u32 @!p0 s5, $0x11;
	s7 =	sadd.s32 @!p0 $0x11B8D, s7;
	_ =	swait.eq @!p0 [sflag:s6], $0x1  }
0xb8: {  	s5 =	sor.u32 @!p0 s5, s7;
	[sflag:s6] =	ssyncadd.s32 @!p0 $0xFFFFFFFF  }
0xb9: {  	s25 =	simm.s32 $0x1B8E;
	s24 =	sld [smem:$0x3FFE];
	[sflag:s5] =	ssyncadd.remote.s32 @!p0 $0x1  }
0xba: {  	s26 =	simm.s32 $execute0_lowered;
	[smem:$0x3FD2] =	sst s25  }
0xbb: {  	s6 =	sshll.u32 s26, $0x1;
	_ =	strace $0x8000004C;
	[dreg:$0x1] =	wrdreg $0xFFFFFFFF  }
0xbc: {  	s28 =	simm.s32 $_size_execute0_lowered;
	s4 =	sadd.s32 s4, s6;
	[dreg:$0x0] =	wrdreg $0x0  }
0xbd: {  	s6 =	sshll.u32 s28, $0x1;
	[dreg:$0x2] =	wrdreg s4  }
0xbe: {  	[dreg:$0x3] =	wrdreg s6  }
0xbf: {  	[dreg:$0x4] =	wrdreg $0xC0  }
0xc0: {  	_ =	task [dreg:s22], $0x5FFFF  }
0xc1: {  	[dreg:$0x1] =	wrdreg $0xFFFFFFFF  }
0xc2: {  	[dreg:$0x0] =	wrdreg $0x60  }
0xc3: {  	[dreg:$0x2] =	wrdreg s17  }
0xc4: {  	[dreg:$0x3] =	wrdreg s24  }
0xc5: {  	[dreg:$0x4] =	wrdreg $0x7B000  }
0xc6: {  	[dreg:$0x5] =	wrdreg $0xA  }
0xc7: {  	_ =	task.clear_ibuf [dreg:s22], $0x6FFFF;
	_ =	strace $0x9000004C  }
0xc8: {  	s29 =	simm.s32 $0xA;
	_ =	strace $0x8000004E  }
0xc9: {  	_ =	swait.ge [sflag:s29], $0x1  }
0xca: {  	[sflag:s29] =	ssyncadd.s32 $0xFFFFFFFF  }
0xcb: {  	_ =	strace $0x9000004E  }
0xcc: {  	_ =	sfence  }
0xcd: {  	s30 =	sld [smem:$0x0];
	_ =	sdelay $0x2  }
0xce: {  	s31 =	sshll.u32 s1, $0xD;
	s1 =	sshrl.u32 s1, $0x2  }
0xcf: {  	s4 =	sand.u32 $0x4000, s31;
	s1 =	sadd.s32 s1, s30  }
0xd0: {  	s0 =	sor.u32 s4, s0;
	s1 =	sshll.u32 s1, $0x11  }
0xd1: {  	s0 =	sor.u32 s1, s0  }
0xd2: {  	s0 =	sadd.s32 $0x8F2B, s0  }
0xd3: {  	[sflag:s0] =	ssyncadd.remote.s32 $0x1  }
0xd4: {  	_ =	sfence.sel $0xFFFF  }
0xd5: {  	[dreg:$0x0] =	wrdreg $0xFFFFFFFF;
	(pc) =	sbr.abs _section_cstart, $3  }
0xd6: {  	[dreg:$0x1] =	wrdreg $0xFFFFFFFF  }
0xd7: {  	_ =	task.clear_ibuf [dreg:s22], $0x2FFFF;
	_ =	strace $0x9FFFFFFF  }
0xd8: {  	(tm) =	ssettm $0x7FFFFFFF  }
0xd9: {  	_ =	shalt  }
tec
execute0_lowered:
.L_overlay_start_1:
0x0: {  	(tag) =	ssettag $0x1  }
0x1: {  	s1 =	rddreg [dreg:$0x0]  }
0x2: {  	s0 =	rddreg [dreg:$0x1]  }
0x3: {  	s2 =	rddreg [dreg:$0x2];
	s4 =	simm.s32 $0x0;
	s3 =	srdreg.scid  }
0x4: {  	s11 =	stileid.u32;
	s16 =	simm.s32 $0xA;
	s17 =	simm.s32 $0x80  }
0x5: {  	s18 =	simm.s32 $0x100;
	s19 =	simm.s32 $0x180;
	s20 =	simm.s32 $0x1  }
0x6: {  	s28 =	simm.s32 $0x2B00;
	s29 =	simm.s32 $0x5;
	s30 =	simm.s32 $0x7  }
0x7: {  	s31 =	simm.s32 $0x3;
	[smem:$0x7FF] =	sst s4;
	s6 =	smul.u32 $0x50000, s11  }
0x8: {  	s5 =	sadd.s32 $0x6A00, s0;
	s3 =	sand.u32 $0x1, s3;
	s10 =	smul.u32 $0x4E20, s11  }
0x9: {  	s7 =	sadd.s32 $0x10800, s0;
	s8 =	sadd.s32 $0x1A600, s0;
	s26 =	smul.u32 $0x2800, s11  }
0xa: {  	s23 =	sshll.u32 s11, $0x6;
	s14 =	smul.u32 $0x9C4, s11;
	_ =	strace $0x8000004D  }
0xb: {  	[dreg:$0x4] =	wrdreg s8;
	s21 =	ssub.s32 $0x2, s3;
	s12 =	smul.u32 $0x2800, s3  }
0xc: {  	p0 =	seq.s32 s3, $0x1;
	s3 =	simm.s32 $0x6;
	s9 =	sshrl.u32 s21, $0x1  }
0xd: {  	s6 =	sshrl.u32 s6, $0x2;
	s10 =	sshrl.u32 s10, $0x3;
	s8 =	ssub.s32 s21, s9  }
0xe: {  	s22 =	sadd.s32 s6, s2;
	s6 =	sor.u32 $0x1C0A, s23;
	[dreg:$0xb] =	wrdreg s12  }
0xf: {  	s24 =	sadd.s32 s5, s10;
	s25 =	sadd.s32 s7, s10;
	s10 =	sadd.s32 $0xA, s10  }
0x10: {  	s12 =	simm.s32 $0xE5400;
	s21 =	simm.s32 $0x50;
	[dreg:$0x5] =	wrdreg s24  }
0x11: {  	s23 =	simm.s32 $0x4;
	[dreg:$0x6] =	wrdreg s25;
	s13 =	sadd.s32 s5, s10  }
0x12: {  	s12 =	simm.s32 @!p0 $0xBD400;
	s10 =	sadd.s32 s7, s10;
	s8 =	smax.u32 s8, $0x1  }
0x13: {  	s15 =	sshrl.u32 s22, $0x3;
	s22 =	simm.s32 $0x300;
	[dreg:$0x7] =	wrdreg s13  }
.Ltmp0:
0x14: {  	s24 =	simm.s32 $0x200;
	[dreg:$0x8] =	wrdreg s10;
	(pc) =	sbr.rel .LBB2_1-.Ltmp0, $4  }
0x15: {  	s25 =	simm.s32 $0x280;
	[dreg:$0x9] =	wrdreg s8;
	s0 =	sadd.s32 s12, s0  }
0x16: {  	s13 =	sadd.s32 s14, s7;
	s14 =	sadd.s32 s14, s5;
	s12 =	rddreg [dreg:$0xb]  }
0x17: {  	s7 =	simm.s32 $0x9;
	s8 =	simm.s32 $0x0;
	s0 =	sadd.s32 s0, s26  }
0x18: {  	s26 =	simm.s32 $0x2;
	v0 =	vmov s12;
	[dreg:$0xa] =	wrdreg s0;
	s0 =	simm.s32 $0x5300  }
.LBB2_6:
0x19: {  	s5 =	simm.s32 $0x8  }
0x1a: {  	_ =	swait.ge [sflag:s5], $0x2800  }
0x1b: {  	[sflag:s5] =	ssyncset.done $0x0  }
0x1c: {  	[sflag:s5] =	ssyncadd.s32 $0xFFFFD800  }
0x1d: {  	_ =	swait.ge [sflag:s7], $0x2800  }
0x1e: {  	[sflag:s7] =	ssyncset.done $0x0  }
0x1f: {  	[sflag:s7] =	ssyncadd.s32 $0xFFFFD800  }
0x20: {  	_ =	swait.ge [sflag:s30], $0x2800  }
0x21: {  	[sflag:s30] =	ssyncset.done $0x0  }
0x22: {  	[sflag:s30] =	ssyncadd.s32 $0xFFFFD800  }
0x23: {  	[bflag:$0x0] =	sbarrier.arrive $0xFFFF  }
0x24: {  	s11 =	rddreg [dreg:$0xa]  }
0x25: {  	[hbm:s11], [sflag:s6] =	dma.local [spmem:s15], $0x2800  }
0x26: {  	_ =	swait.ge [sflag:s16], $0x2800  }
0x27: {  	s8 =	sadd.s32 $0x1, s8;
	s12 =	rddreg [dreg:$0x9]  }
0x28: {  	p0 =	sne.s32 s8, s12  }
.Ltmp1:
0x29: {  	_ = 	snop;
	(pc) =	sbr.rel @!p0 .LBB2_7-.Ltmp1, $3  }
0x2a: {  	_ =	sdelay $0x1  }
0x2b: {  	[sflag:s16] =	ssyncset.done $0x0  }
0x2c: {  	[sflag:s16] =	ssyncadd.s32 $0xFFFFD800  }
.LBB2_1:
0x2d: {  	s5 =	rddreg [dreg:$0x4]  }
0x2e: {  	[spmem:s15], [sflag:s6] =	dma.local [hbm:s5], $0x2800  }
0x2f: {  	_ =	swait.ge [sflag:s16], $0x2800  }
0x30: {  	[sflag:s16] =	ssyncset.done $0x0  }
0x31: {  	[sflag:s16] =	ssyncadd.s32 $0xFFFFD800  }
0x32: {  	[bflag:$0x0] =	sbarrier.arrive $0xFFFF  }
0x33: {  	s9 =	rddreg [dreg:$0x5]  }
0x34: {  	[tilespmem:s4], [sflag:$0x1] =	stream.linear.gather [hbm4b:s9+s4], $0x50, $0x38;
	[tilespmem:$0x1BB00] =	vst v63  }
0x35: {  	s10 =	rddreg [dreg:$0x6]  }
0x36: {  	[tilespmem:s17], [sflag:$0x1] =	stream.linear.gather [hbm4b:s10+s4], $0x50, $0x38;
	[tilespmem:$0x1BB00] =	vst v63  }
.Ltmp2:
0x37: {  	_ = 	snop;
	(pc) =	sbr.rel .LBB2_2-.Ltmp2, $4  }
0x38: {  	s11 =	rddreg [dreg:$0x7]  }
0x39: {  	[tilespmem:s18], [sflag:$0x2] =	stream.linear.gather [hbm4b:s11+s4], $0x50, $0x38;
	[tilespmem:$0x1BB00] =	vst v63  }
0x3a: {  	s12 =	rddreg [dreg:$0x8];
	s9 =	simm.s32 $0x0;
	s10 =	simm.s32 $0x0  }
0x3b: {  	[tilespmem:s19], [sflag:$0x2] =	stream.linear.gather [hbm4b:s12+s4], $0x50, $0x38;
	[tilespmem:$0x1BB00] =	vst v63  }
.LBB2_5:
0x3c: {  	s11 =	sadd.s32 s9, s14  }
0x3d: {  	s12 =	sadd.s32 $0x14, s11  }
0x3e: {  	[tilespmem:s24], [sflag:$0x3] =	stream.linear.gather [hbm4b:s12+s4], $0x50, $0x38;
	[tilespmem:$0x1BB00] =	vst v63  }
0x3f: {  	s12 =	sadd.s32 s9, s13  }
0x40: {  	s5 =	sadd.s32 $0x14, s12  }
0x41: {  	[tilespmem:s25], [sflag:$0x3] =	stream.linear.gather [hbm4b:s5+s4], $0x50, $0x38;
	[tilespmem:$0x1BB00] =	vst v63  }
0x42: {  	_ =	swait.ge [sflag:s26], $0x50  }
0x43: {  	[sflag:s26] =	ssyncset.done $0x0  }
0x44: {  	[sflag:s26] =	ssyncadd.s32 $0xFFFFFFB0  }
0x45: {  	_ =	swait.ge [sflag:s26], $0x50  }
0x46: {  	[sflag:s26] =	ssyncset.done $0x0  }
0x47: {  	[sflag:s26] =	ssyncadd.s32 $0xFFFFFFB0  }
0x48: {  	v1 =	vld [tilespmem:$0x180]  }
0x49: {  	v2 =	vld [tilespmem:$0x190]  }
0x4a: {  	v3 =	vld [tilespmem:$0x1A0]  }
0x4b: {  	v4 =	vld [tilespmem:$0x1B0]  }
0x4c: {  	v5 =	vld [tilespmem:$0x1C0]  }
0x4d: {  	v1 =	vadd.s32 v0, v1  }
0x4e: {  	[tilespmem:$0x180] =	vst v1;
	v1 =	vadd.s32 v0, v2  }
0x4f: {  	[tilespmem:$0x190] =	vst v1;
	v1 =	vadd.s32 v0, v3  }
0x50: {  	[tilespmem:$0x1A0] =	vst v1;
	v1 =	vadd.s32 v0, v4  }
0x51: {  	[tilespmem:$0x1B0] =	vst v1;
	v1 =	vadd.s32 v0, v5  }
0x52: {  	[tilespmem:$0x1C0] =	vst v1  }
0x53: {  	[tilespmem:s28], [sflag:$0x5] =	stream.indirect.gather [hbm4b:s1+s21], $0x80, s19, s21, $0xb8;
	[tilespmem:$0x1BB00] =	vst v63  }
0x54: {  	_ =	swait.ge [sflag:s29], $0x2800  }
0x55: {  	[sflag:s29] =	ssyncset.done $0x0  }
0x56: {  	[sflag:s29] =	ssyncadd.s32 $0xFFFFD800  }
0x57: {  	[spmem:s2] =	stream.indirect.scatter.add.f32 [tilespmem:s28], [sflag:$0x8], $0x80, s18, s21, $0xb8;
	[tilespmem:$0x1BB00] =	vst v63  }
0x58: {  	_ =	swait.ge [sflag:s30], $0x2800  }
0x59: {  	[sflag:s30] =	ssyncset.done $0x0  }
0x5a: {  	s11 =	sadd.s32 $0x1E, s11;
	[sflag:s30] =	ssyncadd.s32 $0xFFFFD800  }
0x5b: {  	[tilespmem:s4], [sflag:$0x1] =	stream.linear.gather [hbm4b:s11+s4], $0x50, $0x38;
	[tilespmem:$0x1BB00] =	vst v63  }
0x5c: {  	s12 =	sadd.s32 $0x1E, s12  }
0x5d: {  	[tilespmem:s17], [sflag:$0x1] =	stream.linear.gather [hbm4b:s12+s4], $0x50, $0x38;
	[tilespmem:$0x1BB00] =	vst v63  }
0x5e: {  	_ =	swait.ge [sflag:s31], $0x50  }
0x5f: {  	[sflag:s31] =	ssyncset.done $0x0  }
0x60: {  	[sflag:s31] =	ssyncadd.s32 $0xFFFFFFB0  }
0x61: {  	_ =	swait.ge [sflag:s31], $0x50  }
0x62: {  	[sflag:s31] =	ssyncset.done $0x0  }
0x63: {  	[sflag:s31] =	ssyncadd.s32 $0xFFFFFFB0  }
0x64: {  	v1 =	vld [tilespmem:$0x280]  }
0x65: {  	v2 =	vld [tilespmem:$0x290]  }
0x66: {  	v3 =	vld [tilespmem:$0x2A0]  }
0x67: {  	v62 =	vld [tilespmem:$0x2B0]  }
0x68: {  	v63 =	vld [tilespmem:$0x2C0]  }
0x69: {  	v1 =	vadd.s32 v0, v1  }
0x6a: {  	[tilespmem:$0x280] =	vst v1;
	v1 =	vadd.s32 v0, v2  }
0x6b: {  	[tilespmem:$0x290] =	vst v1;
	v1 =	vadd.s32 v0, v3  }
0x6c: {  	[tilespmem:$0x2A0] =	vst v1;
	v1 =	vadd.s32 v0, v62  }
0x6d: {  	[tilespmem:$0x2B0] =	vst v1;
	v1 =	vadd.s32 v0, v63  }
0x6e: {  	[tilespmem:$0x2C0] =	vst v1  }
0x6f: {  	[tilespmem:s0], [sflag:$0x6] =	stream.indirect.gather [hbm4b:s1+s21], $0x80, s25, s21, $0xb8;
	[tilespmem:$0x1BB00] =	vst v63  }
0x70: {  	_ =	swait.ge [sflag:s3], $0x2800  }
0x71: {  	p0 =	sgt.u32 s10, $0x51;
	[sflag:s3] =	ssyncset.done $0x0  }
0x72: {  	s5 =	simm.s32 @!p0 $0x8;
	[sflag:s3] =	ssyncadd.s32 $0xFFFFD800  }
0x73: {  	[spmem:s2] =	stream.indirect.scatter.add.f32 [tilespmem:s0], [sflag:$0x9], $0x80, s24, s21, $0xb8;
	[tilespmem:$0x1BB00] =	vst v63  }
0x74: {  	_ =	swait.ge @!p0 [sflag:s5], $0x2800  }
0x75: {  	[sflag:s5] =	ssyncset.done @!p0 $0x0  }
0x76: {  	[sflag:s5] =	ssyncadd.s32 @!p0 $0xFFFFD800;
	s5 =	sadd.s32 @!p0 s9, s14  }
0x77: {  	s11 =	simm.s32 @!p0 $0x0;
	s12 =	simm.s32 @!p0 $0x100;
	s5 =	sadd.s32 @!p0 $0x28, s5  }
0x78: {  	[tilespmem:s12], [sflag:$0x2] =	stream.linear.gather @!p0 [hbm4b:s5+s11], $0x50, $0x38;
	[tilespmem:$0x1BB00] =	vst v63  }
0x79: {  	s5 =	sadd.s32 @!p0 s9, s13  }
0x7a: {  	s12 =	simm.s32 @!p0 $0x180;
	s9 =	sadd.s32 $0x1E, s9;
	s5 =	sadd.s32 @!p0 $0x28, s5  }
0x7b: {  	[tilespmem:s12], [sflag:$0x2] =	stream.linear.gather @!p0 [hbm4b:s5+s11], $0x50, $0x38;
	[tilespmem:$0x1BB00] =	vst v63  }
0x7c: {  	p0 =	sne.s32 s9, $0x9D8  }
.Ltmp3:
0x7d: {  	_ = 	snop;
	(pc) =	sbr.rel @!p0 .LBB2_6-.Ltmp3, $2  }
0x7e: {  	_ =	sdelay $0x2  }
0x7f: {  	s10 =	sadd.s32 $0x1, s10  }
.LBB2_2:
0x80: {  	_ =	swait.ge [sflag:s20], $0x50  }
0x81: {  	[sflag:s20] =	ssyncset.done $0x0  }
0x82: {  	[sflag:s20] =	ssyncadd.s32 $0xFFFFFFB0  }
0x83: {  	_ =	swait.ge [sflag:s20], $0x50  }
0x84: {  	[sflag:s20] =	ssyncset.done $0x0  }
0x85: {  	[sflag:s20] =	ssyncadd.s32 $0xFFFFFFB0  }
0x86: {  	v1 =	vld [tilespmem:$0x80]  }
0x87: {  	v2 =	vld [tilespmem:$0x90]  }
0x88: {  	v3 =	vld [tilespmem:$0xA0]  }
0x89: {  	v4 =	vld [tilespmem:$0xB0]  }
0x8a: {  	v5 =	vld [tilespmem:$0xC0]  }
0x8b: {  	v1 =	vadd.s32 v0, v1  }
0x8c: {  	[tilespmem:$0x80] =	vst v1;
	v1 =	vadd.s32 v0, v2  }
0x8d: {  	[tilespmem:$0x90] =	vst v1;
	v1 =	vadd.s32 v0, v3  }
0x8e: {  	[tilespmem:$0xA0] =	vst v1;
	v1 =	vadd.s32 v0, v4  }
0x8f: {  	[tilespmem:$0xB0] =	vst v1;
	v1 =	vadd.s32 v0, v5  }
0x90: {  	p0 =	seq.s32 s10, $0x0;
	[tilespmem:$0xC0] =	vst v1  }
0x91: {  	[tilespmem:s22], [sflag:$0x4] =	stream.indirect.gather [hbm4b:s1+s21], $0x80, s17, s21, $0xb8;
	[tilespmem:$0x1BB00] =	vst v63  }
.Ltmp4:
0x92: {  	_ = 	snop;
	(pc) =	sbr.rel @p0 .LBB2_5-.Ltmp4, $4  }
0x93: {  	_ =	swait.ge [sflag:s23], $0x2800  }
0x94: {  	[sflag:s23] =	ssyncset.done $0x0  }
0x95: {  	[sflag:s23] =	ssyncadd.s32 $0xFFFFD800  }
0x96: {  	[spmem:s2] =	stream.indirect.scatter.add.f32 [tilespmem:s22], [sflag:$0x7], $0x80, s4, s21, $0xb8;
	[tilespmem:$0x1BB00] =	vst v63  }
0x97: {  	p0 =	seq.s32 s10, $0x53  }
.Ltmp5:
0x98: {  	_ = 	snop;
	(pc) =	sbr.rel @p0 .LBB2_6-.Ltmp5, $1  }
0x99: {  	_ =	sdelay $0x3  }
.Ltmp6:
0x9a: {  	(pc) =	sbr.rel .LBB2_5-.Ltmp6, $4  }
0x9b: {  	_ = 	snop  }
0x9c: {  	_ =	swait.ge [sflag:s7], $0x2800  }
0x9d: {  	[sflag:s7] =	ssyncset.done $0x0  }
0x9e: {  	[sflag:s7] =	ssyncadd.s32 $0xFFFFD800  }
.LBB2_7:
0x9f: {  	_ =	sfence.sel $0x180000  }
0xa0: {  	[bflag:$0x0] =	sbarrier.arrive $0xFFFF  }
0xa1: {  	_ =	strace $0x9000004D  }
0xa2: {  	s0 =	stileid.u32;
	[bflag:$0x2] =	sbarrier.arrive $0xFFFF  }
0xa3: {  	p0 =	sne.s32 s0, $0x0;
	s0 =	rddreg [dreg:$0x3]  }
0xa4: {  	s0 =	sadd.s32 @!p0 $0x100000, s0  }
0xa5: {  	[sflag:s0] =	ssyncadd.tile.s32 @!p0 $0x1;
	_ =	shalt  }
.Lfunc_end2:
_tile_overlayer_lowered:
.L_overlay_start_2:
0xa6: {  	(tag) =	ssettag $0x2  }
0xa7: {  	s0 =	rddreg [dreg:$0x0];
	s2 =	stileid.u32  }
0xa8: {  	s1 =	rddreg [dreg:$0x1];
	p0 =	sne.s32 s2, $0x0  }
0xa9: {  	s3 =	rddreg [dreg:$0x2];
	[bflag:$0x3] =	sbarrier.arrive $0xFFFF;
	s2 =	simm.s32 @!p0 $0x1C0A  }
0xaa: {  	[timem:s3], [sflag:s2] =	dma.local @!p0 [hbm:s0], s1  }
0xab: {  	s0 =	simm.s32 @!p0 $0xA  }
0xac: {  	_ =	swait.ge @!p0 [sflag:s0], s1  }
0xad: {  	s1 =	ssub.s32 @!p0 $0x0, s1;
	[sflag:s0] =	ssyncset.done @!p0 $0x0  }
0xae: {  	[sflag:s0] =	ssyncadd.s32 @!p0 s1  }
0xaf: {  	[bflag:$0x3] =	sbarrier.arrive $0xFFFF  }
0xb0: {  	_ =	shalt  }

// kernel: kernel.22.cloned.1.call-start
scs
__scs_entry_jumppad:
0x0: {  	(pc) =	sbr.rel $0x88, $3  }
0x1: {  	(tag) =	ssettag $0x0;
	lr =	simm.s32 $0x1  }
0x2: {  	[smem:$0x3F92] =	sst lr;
	_ =	strace $0xD0000000  }
0x3: {  	_ = 	snop  }
0x4: {  	_ = 	snop  }
0x5: {  	_ = 	snop  }
0x6: {  	_ = 	snop  }
0x7: {  	_ = 	snop  }
__scs_overlays_trampoline_lowered:
0x8: {  	[smem:$0x3FA1] =	sst s0  }
0x9: {  	[smem:$0x3FA2] =	sst s1  }
0xa: {  	[smem:$0x3FA3] =	sst s2  }
0xb: {  	[smem:$0x3FA4] =	sst s3  }
0xc: {  	[smem:$0x3FA5] =	sst s4  }
0xd: {  	[smem:$0x3FA6] =	sst s5  }
0xe: {  	[smem:$0x3FA7] =	sst s6  }
0xf: {  	[smem:$0x3FA8] =	sst s7  }
0x10: {  	[smem:$0x3FA9] =	sst s8  }
0x11: {  	[smem:$0x3FAA] =	sst s9;
	s0 =	simm.s32 @!p0 $0x0  }
0x12: {  	s1 =	sld [smem:$0x3F90];
	s0 =	simm.s32 @p0 $0x1  }
0x13: {  	[smem:$0x3FAB] =	sst s0;
	s0 =	simm.s32 @!p1 $0x0  }
0x14: {  	s2 =	sld [smem:$0x3F8F];
	s0 =	simm.s32 @p1 $0x1  }
0x15: {  	[smem:$0x3FAC] =	sst s0;
	s0 =	simm.s32 @!p2 $0x0  }
0x16: {  	s3 =	sld [smem:$0x3FDB];
	s0 =	simm.s32 @p2 $0x1  }
0x17: {  	s4 =	simm.s32 $0x1BF5;
	[smem:$0x3FAE] =	sst s0  }
0x18: {  	s0 =	sld [smem:$0x3F91];
	_ =	swait.ge [sflag:s4], $0x0  }
0x19: {  	s7 =	sld [smem:$0x3F92]  }
0x1a: {  	s8 =	sadd.s32 $0xFFFFE003, lr  }
0x1b: {  	s9 =	sadd.s32 $0xFFFFFEF7, lr;
	s5 =	simm.s32 $0xFFFFFFFF;
	p2 =	slt.u32 s8, $0xFFFFF086  }
0x1c: {  	p1 =	slt.u32 s9, $0xF7A;
	s5 =	simm.s32 @!p2 $0x0  }
0x1d: {  	s5 =	simm.s32 @p1 $0x1;
	p0 =	seq.s32 s7, s2  }
0x1e: {  	s7 =	smul.u32 @!p0 $0xF7A, s2;
	p2 =	seq.s32 @!p0 s5, $0x0  }
0x1f: {  	s9 =	smul.u32 $0xF7A, s1;
	s8 =	simm.s32 @!p0 $0x1BF5;
	p2 =	por !p2, p0  }
0x20: {  	[sflag:s8] =	ssyncset.s32 @!p0 $0xFFFFF086;
	s6 =	sadd.s32 @!p0 s3, s7;
	s7 =	simm.s32 @!p0 $0x108  }
0x21: {  	s3 =	sadd.s32 s3, s9;
	s6 =	sadd.s32 @!p0 $0x88, s6;
	s7 =	simm.s32 @p2 $0x1082  }
0x22: {  	[simem:s7], [sflag:s8] =	dma.local @!p0 [hbm:s6], $0xF7A  }
0x23: {  	s9 =	sor.u32 $0xD0000000, s2;
	s6 =	simm.s32 $0x108;
	_ =	swait.ge @!p0 [sflag:s8], $0x0  }
0x24: {  	s3 =	sadd.s32 $0x88, s3;
	s6 =	simm.s32 @!p1 $0x1082;
	[sflag:s4] =	ssyncset.s32 $0xFFFFF086  }
0x25: {  	[simem:s6], [sflag:s4] =	dma.local [hbm:s3], $0xF7A  }
0x26: {  	[smem:$0x3F92] =	sst s1;
	(tag) =	ssettag s2;
	_ =	strace s9  }
0x27: {  	s1 =	sld [smem:$0x3FA2]  }
0x28: {  	s2 =	sld [smem:$0x3FA3]  }
0x29: {  	s4 =	sld [smem:$0x3FA5]  }
0x2a: {  	p0 =	seq.s32 s5, $0x0;
	s5 =	sld [smem:$0x3FA6]  }
0x2b: {  	s6 =	sld [smem:$0x3FA7]  }
0x2c: {  	s7 =	sld [smem:$0x3FA8]  }
0x2d: {  	s3 =	simm.s32 $0x108;
	s8 =	sld [smem:$0x3FA9]  }
0x2e: {  	s3 =	simm.s32 @!p0 $0x1082;
	s9 =	sld [smem:$0x3FAA]  }
0x2f: {  	lr =	sadd.s32 s0, s3;
	s0 =	sld [smem:$0x3FA1]  }
0x30: {  	s3 =	sld [smem:$0x3FA4]  }
0x31: {  	[smem:$0x3FAD] =	sst s10  }
0x32: {  	s10 =	sld [smem:$0x3FAB];
	_ =	sdelay $0x3  }
0x33: {  	p0 =	seq.s32 s10, $0x1;
	s10 =	sld [smem:$0x3FAD];
	_ =	sdelay $0x3  }
0x34: {  	[smem:$0x3FAD] =	sst s10  }
0x35: {  	s10 =	sld [smem:$0x3FAC];
	_ =	sdelay $0x3  }
0x36: {  	p1 =	seq.s32 s10, $0x1;
	s10 =	sld [smem:$0x3FAD];
	_ =	sdelay $0x3  }
0x37: {  	[smem:$0x3FAD] =	sst s10  }
0x38: {  	s10 =	sld [smem:$0x3FAE]  }
0x39: {  	_ = 	snop;
	(pc) =	sbr.ind lr, $3  }
0x3a: {  	_ = 	snop  }
0x3b: {  	_ = 	snop  }
0x3c: {  	p2 =	seq.s32 s10, $0x1;
	s10 =	sld [smem:$0x3FAD]  }
0x3d: {  	_ =	shalt  }
0x3e: {  	_ =	shalt  }
0x3f: {  	_ =	shalt  }
0x40: {  	_ =	shalt  }
0x41: {  	_ =	shalt  }
0x42: {  	_ =	shalt  }
0x43: {  	_ =	shalt  }
0x44: {  	_ =	shalt  }
0x45: {  	_ =	shalt  }
0x46: {  	_ =	shalt  }
0x47: {  	_ =	shalt  }
0x48: {  	_ =	shalt  }
0x49: {  	_ =	shalt  }
0x4a: {  	_ =	shalt  }
0x4b: {  	_ =	shalt  }
0x4c: {  	_ =	shalt  }
0x4d: {  	_ =	shalt  }
0x4e: {  	_ =	shalt  }
0x4f: {  	_ =	shalt  }
0x50: {  	_ =	shalt  }
0x51: {  	_ =	shalt  }
0x52: {  	_ =	shalt  }
0x53: {  	_ =	shalt  }
0x54: {  	_ =	shalt  }
0x55: {  	_ =	shalt  }
0x56: {  	_ =	shalt  }
0x57: {  	_ =	shalt  }
0x58: {  	_ =	shalt  }
0x59: {  	_ =	shalt  }
0x5a: {  	_ =	shalt  }
0x5b: {  	_ =	shalt  }
0x5c: {  	_ =	shalt  }
0x5d: {  	_ =	shalt  }
0x5e: {  	_ =	shalt  }
0x5f: {  	_ =	shalt  }
0x60: {  	_ =	shalt  }
0x61: {  	_ =	shalt  }
0x62: {  	_ =	shalt  }
0x63: {  	_ =	shalt  }
0x64: {  	_ =	shalt  }
0x65: {  	_ =	shalt  }
0x66: {  	_ =	shalt  }
0x67: {  	_ =	shalt  }
0x68: {  	_ =	shalt  }
0x69: {  	_ =	shalt  }
0x6a: {  	_ =	shalt  }
0x6b: {  	_ =	shalt  }
0x6c: {  	_ =	shalt  }
0x6d: {  	_ =	shalt  }
0x6e: {  	_ =	shalt  }
0x6f: {  	_ =	shalt  }
0x70: {  	_ =	shalt  }
0x71: {  	_ =	shalt  }
0x72: {  	_ =	shalt  }
0x73: {  	_ =	shalt  }
0x74: {  	_ =	shalt  }
0x75: {  	_ =	shalt  }
0x76: {  	_ =	shalt  }
0x77: {  	_ =	shalt  }
0x78: {  	_ =	shalt  }
0x79: {  	_ =	shalt  }
0x7a: {  	_ =	shalt  }
0x7b: {  	_ =	shalt  }
0x7c: {  	_ =	shalt  }
0x7d: {  	_ =	shalt  }
0x7e: {  	_ =	shalt  }
0x7f: {  	_ =	shalt  }
0x80: {  	_ =	shalt  }
0x81: {  	_ =	shalt  }
0x82: {  	_ =	shalt  }
0x83: {  	_ =	shalt  }
0x84: {  	_ =	shalt  }
0x85: {  	_ =	shalt  }
0x86: {  	_ =	shalt  }
0x87: {  	_ =	shalt  }
.Lfunc_end0:
.L_simem_size_0:
called_computation.3_lowered:
.L_overlay_start_0:
0x88: {  	s2 =	sld [smem:$0x3FD9]  }
0x89: {  	s3 =	sld [smem:$0x3FFE];
	_ =	sdelay $0x1  }
0x8a: {  	s1 =	srdreg.scid  }
0x8b: {  	s0 =	sand.u32 $0x1, s1  }
0x8c: {  	s16 =	sshll.u32 s0, $0xA;
	s2 =	sadd.s32 s3, s2  }
0x8d: {  	s2 =	sadd.s32 s2, s16  }
0x8e: {  	[smem:$0x3FB9] =	sst s2  }
0x8f: {  	_ = 	snop  }
0x90: {  	(tm) =	ssettm $0x1  }
0x91: {  	s17 =	sld [smem:$0x3FFB];
	_ =	sdelay $0x3  }
0x92: {  	_ =	strace s17  }
0x93: {  	s2 =	sld [smem:$0x3FFC];
	_ =	sdelay $0x3  }
0x94: {  	_ =	strace s2  }
0x95: {  	s2 =	sld [smem:$0x3FFD];
	_ =	sdelay $0x3  }
0x96: {  	_ =	strace s2  }
0x97: {  	_ =	strace $0x8FFFFFFF  }
0x98: {  	s18 =	sld [smem:$0x3FDB];
	_ =	sdelay $0x1  }
0x99: {  	s19 =	simm.s32 $_scs_section_size  }
0x9a: {  	s4 =	simm.s32 $_size__tile_overlayer_lowered;
	s5 =	simm.s32 $_tile_overlayer_lowered  }
0x9b: {  	s22 =	simm.s32 $0x1BFF;
	s21 =	sshll.u32 s5, $0x1;
	s2 =	sadd.s32 s19, s18  }
0x9c: {  	s6 =	simm.s32 $0x0;
	s20 =	sshll.u32 s4, $0x1;
	s4 =	sadd.s32 s21, s2  }
0x9d: {  	[timem:s6], [sflag:s22] =	dma.local [hbm:s4], s20  }
0x9e: {  	_ =	swait.ge [sflag:s22], s20  }
0x9f: {  	s3 =	ssub.s32 $0x0, s20;
	[sflag:s22] =	ssyncset.done $0x0  }
0xa0: {  	[sflag:s22] =	ssyncadd.s32 s3;
	_ =	sdelay $0x1  }
0xa1: {  	s23 =	simm.s32 $0x1B8B  }
0xa2: {  	_ =	swait.ge [sflag:s23], $0x1  }
0xa3: {  	[sflag:s23] =	ssyncset.done $0x0  }
0xa4: {  	s25 =	simm.s32 $0x1B8E;
	s24 =	sld [smem:$0x3FFE];
	[sflag:s23] =	ssyncadd.s32 $0xFFFFFFFF  }
0xa5: {  	s26 =	simm.s32 $execute0_lowered;
	[smem:$0x3FD2] =	sst s25  }
0xa6: {  	s4 =	sshll.u32 s26, $0x1;
	_ =	strace $0x8000004F;
	[dreg:$0x1] =	wrdreg $0xFFFFFFFF  }
0xa7: {  	s28 =	simm.s32 $_size_execute0_lowered;
	s2 =	sadd.s32 s2, s4;
	[dreg:$0x0] =	wrdreg $0x0  }
0xa8: {  	s4 =	sshll.u32 s28, $0x1;
	[dreg:$0x2] =	wrdreg s2  }
0xa9: {  	[dreg:$0x3] =	wrdreg s4  }
0xaa: {  	[dreg:$0x4] =	wrdreg $0xC0  }
0xab: {  	_ =	task [dreg:s6], $0x5FFFF  }
0xac: {  	[dreg:$0x1] =	wrdreg $0xFFFFFFFF  }
0xad: {  	[dreg:$0x0] =	wrdreg $0x60  }
0xae: {  	[dreg:$0x2] =	wrdreg s24  }
0xaf: {  	[dreg:$0x3] =	wrdreg $0x9  }
0xb0: {  	_ =	task.clear_ibuf [dreg:s6], $0x4FFFF;
	_ =	strace $0x9000004F  }
0xb1: {  	s29 =	simm.s32 $0x9;
	_ =	strace $0x80000051  }
0xb2: {  	_ =	swait.ge [sflag:s29], $0x1  }
0xb3: {  	[sflag:s29] =	ssyncadd.s32 $0xFFFFFFFF  }
0xb4: {  	_ =	strace $0x90000051  }
0xb5: {  	_ =	sfence  }
0xb6: {  	s30 =	sld [smem:$0x0];
	_ =	sdelay $0x2  }
0xb7: {  	s31 =	sshll.u32 s1, $0xD;
	s1 =	sshrl.u32 s1, $0x2  }
0xb8: {  	s3 =	sand.u32 $0x4000, s31;
	s1 =	sadd.s32 s1, s30  }
0xb9: {  	s0 =	sor.u32 s3, s0;
	s1 =	sshll.u32 s1, $0x11  }
0xba: {  	s0 =	sor.u32 s1, s0  }
0xbb: {  	s0 =	sadd.s32 $0x8F2B, s0  }
0xbc: {  	[sflag:s0] =	ssyncadd.remote.s32 $0x1  }
0xbd: {  	_ =	sfence.sel $0xFFFF  }
0xbe: {  	[dreg:$0x0] =	wrdreg $0xFFFFFFFF;
	(pc) =	sbr.abs _section_cstart, $3  }
0xbf: {  	[dreg:$0x1] =	wrdreg $0xFFFFFFFF  }
0xc0: {  	_ =	task.clear_ibuf [dreg:s6], $0x2FFFF;
	_ =	strace $0x9FFFFFFF  }
0xc1: {  	(tm) =	ssettm $0x7FFFFFFF  }
tec
execute0_lowered:
.L_overlay_start_1:
0x0: {  	(tag) =	ssettag $0x1  }
0x1: {  	s0 =	rddreg [dreg:$0x0]  }
0x2: {  	s2 =	simm.s32 $0x0;
	s9 =	stileid.u32;
	s1 =	srdreg.scid  }
0x3: {  	s19 =	simm.s32 $0x200;
	s20 =	simm.s32 $0x2A00;
	s23 =	simm.s32 $0x3  }
0x4: {  	s24 =	simm.s32 $0x6;
	[smem:$0x7FF] =	sst s2;
	s3 =	sadd.s32 $0x1A600, s0  }
0x5: {  	s1 =	sand.u32 $0x1, s1;
	s5 =	sshll.u32 s9, $0x1;
	s7 =	smul.u32 $0x4E200, s9  }
0x6: {  	s4 =	sadd.s32 $0x41800, s0;
	s6 =	sadd.s32 $0x10800, s0;
	s9 =	smul.u32 $0x4E20, s9  }
0x7: {  	_ =	strace $0x80000050;
	s8 =	sor.u32 s1, s5;
	s11 =	smul.u32 $0x2710, s1  }
0x8: {  	s5 =	sadd.s32 $0x6A00, s0;
	s25 =	ssub.s32 $0x2, s1;
	s1 =	smul.u32 $0x27100, s1  }
0x9: {  	s8 =	smul.u32 $0x2710, s8;
	s0 =	sadd.s32 s7, s0;
	s10 =	sshrl.u32 s25, $0x1  }
0xa: {  	s7 =	ssub.s32 s25, s10;
	s9 =	sadd.s32 s11, s9;
	s0 =	sadd.s32 s1, s0  }
0xb: {  	s25 =	simm.s32 $0x5;
	s8 =	sshrl.u32 s8, $0x3;
	s30 =	sadd.s32 $0xF0, s9  }
0xc: {  	s7 =	smax.u32 s7, $0x1;
	s12 =	sadd.s32 $0x68A00, s0;
	s13 =	sadd.s32 $0x54AA00, s0  }
0xd: {  	s16 =	sadd.s32 $0xA0, s9;
	s26 =	sadd.s32 s5, s8;
	[dreg:$0x6] =	wrdreg s7  }
0xe: {  	s28 =	sadd.s32 s6, s8;
	s8 =	sadd.s32 $0xA, s8;
	[dreg:$0x2] =	wrdreg s26  }
0xf: {  	s31 =	sshrl.u32 s30, $0x3;
	[dreg:$0x3] =	wrdreg s28;
	s29 =	sadd.s32 s5, s8  }
0x10: {  	s8 =	sadd.s32 s6, s8;
	s14 =	sadd.s32 s31, s6;
	[dreg:$0x4] =	wrdreg s29  }
0x11: {  	s15 =	sadd.s32 s31, s5;
	s26 =	simm.s32 $0x0;
	[dreg:$0x5] =	wrdreg s8  }
.LBB2_1:
0x12: {  	s0 =	rddreg [dreg:$0x2]  }
0x13: {  	[tilespmem:s2], [sflag:$0x1] =	stream.linear.gather [hbm4b:s0+s2], $0x50, $0x38;
	[tilespmem:$0xA200] =	vst v63  }
0x14: {  	s21 =	rddreg [dreg:$0x3];
	s1 =	simm.s32 $0x80;
	s22 =	simm.s32 $0x1  }
0x15: {  	[tilespmem:s1], [sflag:$0x1] =	stream.linear.gather [hbm4b:s21+s2], $0x50, $0x38;
	[tilespmem:$0xA200] =	vst v63  }
0x16: {  	_ =	swait.ge [sflag:s22], $0x50  }
0x17: {  	[sflag:s22] =	ssyncset.done $0x0  }
0x18: {  	[sflag:s22] =	ssyncadd.s32 $0xFFFFFFB0  }
0x19: {  	_ =	swait.ge [sflag:s22], $0x50  }
0x1a: {  	[sflag:s22] =	ssyncset.done $0x0  }
0x1b: {  	s7 =	simm.s32 $0x50;
	[sflag:s22] =	ssyncadd.s32 $0xFFFFFFB0  }
0x1c: {  	[tilespmem:s19], [sflag:$0x3] =	stream.indirect.gather [hbm4b:s3+s7], $0x80, s2, s7, $0xb8;
	[tilespmem:$0xA200] =	vst v63  }
0x1d: {  	_ = 	snop  }
0x1e: {  	[tilespmem:s20], [sflag:$0x3] =	stream.indirect.gather [hbm4b:s4+s7], $0x80, s1, s7, $0xb8;
	[tilespmem:$0xA200] =	vst v63  }
0x1f: {  	s9 =	simm.s32 $0x100;
	s8 =	rddreg [dreg:$0x4]  }
0x20: {  	[tilespmem:s9], [sflag:$0x2] =	stream.linear.gather [hbm4b:s8+s2], $0x50, $0x38;
	[tilespmem:$0xA200] =	vst v63  }
0x21: {  	s11 =	simm.s32 $0x180;
	s10 =	rddreg [dreg:$0x5]  }
0x22: {  	[tilespmem:s11], [sflag:$0x2] =	stream.linear.gather [hbm4b:s10+s2], $0x50, $0x38;
	[tilespmem:$0xA200] =	vst v63  }
0x23: {  	_ =	swait.ge [sflag:s23], $0x2800  }
0x24: {  	[sflag:s23] =	ssyncset.done $0x0  }
0x25: {  	[sflag:s23] =	ssyncadd.s32 $0xFFFFD800  }
0x26: {  	_ =	swait.ge [sflag:s23], $0x2800  }
0x27: {  	p0 =	por $0x0, $0x0;
	[sflag:s23] =	ssyncset.done $0x0  }
0x28: {  	s0 =	simm.s32 @!p0 $0x2;
	[sflag:s23] =	ssyncadd.s32 $0xFFFFD800  }
0x29: {  	_ =	swait.ge @!p0 [sflag:s0], $0x50  }
0x2a: {  	[sflag:s0] =	ssyncset.done @!p0 $0x0  }
0x2b: {  	[sflag:s0] =	ssyncadd.s32 @!p0 $0xFFFFFFB0  }
0x2c: {  	p1 =	por @!p0 $0x1, $0x1;
	_ =	swait.ge @!p0 [sflag:s0], $0x50  }
0x2d: {  	p1 =	por p1, p0;
	[sflag:s0] =	ssyncset.done @!p0 $0x0  }
0x2e: {  	[sflag:s0] =	ssyncadd.s32 @!p0 $0xFFFFFFB0;
	s0 =	simm.s32 @!p1 $0x6  }
0x2f: {  	_ =	swait.ge @!p1 [sflag:s0], $0x2800  }
0x30: {  	[sflag:s0] =	ssyncset.done @!p1 $0x0  }
0x31: {  	[sflag:s0] =	ssyncadd.s32 @!p1 $0xFFFFD800  }
0x32: {  	_ =	swait.ge @!p1 [sflag:s0], $0x2800  }
0x33: {  	s1 =	simm.s32 @!p0 $0x5200;
	[sflag:s0] =	ssyncset.done @!p1 $0x0  }
0x34: {  	s7 =	simm.s32 @!p0 $0x100;
	[sflag:s0] =	ssyncadd.s32 @!p1 $0xFFFFD800;
	s0 =	simm.s32 @!p0 $0x50  }
0x35: {  	[tilespmem:s1], [sflag:$0x4] =	stream.indirect.gather @!p0 [hbm4b:s3+s0], $0x80, s7, s0, $0xb8;
	[tilespmem:$0xA200] =	vst v63  }
0x36: {  	s21 =	simm.s32 @!p0 $0x7A00;
	s8 =	simm.s32 @!p0 $0x180;
	s7 =	sshrl.u32 @!p0 s16, $0x3  }
0x37: {  	[tilespmem:s21], [sflag:$0x4] =	stream.indirect.gather @!p0 [hbm4b:s4+s0], $0x80, s8, s0, $0xb8;
	[tilespmem:$0xA200] =	vst v63  }
0x38: {  	s22 =	simm.s32 @!p0 $0x0;
	s8 =	sadd.s32 @!p0 s5, s7  }
0x39: {  	[tilespmem:s22], [sflag:$0x1] =	stream.linear.gather @!p0 [hbm4b:s8+s22], $0x50, $0x38;
	[tilespmem:$0xA200] =	vst v63  }
0x3a: {  	s7 =	sadd.s32 @!p0 s6, s7;
	s8 =	simm.s32 @!p0 $0x80  }
0x3b: {  	[tilespmem:s8], [sflag:$0x1] =	stream.linear.gather @!p0 [hbm4b:s7+s22], $0x50, $0x38;
	[tilespmem:$0xA200] =	vst v63  }
0x3c: {  	s17 =	sadd.s32 $0x0, s12  }
0x3d: {  	[hbm4b:s17+s2] =	stream.linear.scatter [tilespmem:s19], [sflag:$0x5], $0x2800, $0x38;
	[tilespmem:$0xA200] =	vst v63  }
0x3e: {  	s18 =	sadd.s32 $0x0, s13;
	s9 =	simm.s32 @!p0 $0x4  }
0x3f: {  	[hbm4b:s18+s2] =	stream.linear.scatter [tilespmem:s20], [sflag:$0x5], $0x2800, $0x38;
	[tilespmem:$0xA200] =	vst v63  }
0x40: {  	_ =	swait.ge @!p0 [sflag:s9], $0x2800  }
0x41: {  	[sflag:s9] =	ssyncset.done @!p0 $0x0  }
0x42: {  	[sflag:s9] =	ssyncadd.s32 @!p0 $0xFFFFD800  }
0x43: {  	_ =	swait.ge @!p0 [sflag:s9], $0x2800  }
0x44: {  	[sflag:s9] =	ssyncset.done @!p0 $0x0  }
0x45: {  	s7 =	simm.s32 @!p0 $0x1;
	[sflag:s9] =	ssyncadd.s32 @!p0 $0xFFFFD800  }
0x46: {  	_ =	swait.ge @!p0 [sflag:s7], $0x50  }
0x47: {  	[sflag:s7] =	ssyncset.done @!p0 $0x0  }
0x48: {  	[sflag:s7] =	ssyncadd.s32 @!p0 $0xFFFFFFB0  }
0x49: {  	_ =	swait.ge @!p0 [sflag:s7], $0x50  }
0x4a: {  	[sflag:s7] =	ssyncset.done @!p0 $0x0  }
0x4b: {  	[sflag:s7] =	ssyncadd.s32 @!p0 $0xFFFFFFB0;
	s7 =	simm.s32 @!p0 $0x5  }
0x4c: {  	_ =	swait.ge @!p0 [sflag:s7], $0x2800  }
0x4d: {  	[sflag:s7] =	ssyncset.done @!p0 $0x0  }
0x4e: {  	[sflag:s7] =	ssyncadd.s32 @!p0 $0xFFFFD800  }
0x4f: {  	_ =	swait.ge @!p0 [sflag:s7], $0x2800  }
0x50: {  	[sflag:s7] =	ssyncset.done @!p0 $0x0  }
0x51: {  	p1 =	por @!p0 $0x0, $0x0;
	[sflag:s7] =	ssyncadd.s32 @!p0 $0xFFFFD800;
	s7 =	simm.s32 @!p0 $0x200  }
0x52: {  	[tilespmem:s7], [sflag:$0x3] =	stream.indirect.gather @!p0 [hbm4b:s3+s0], $0x80, s22, s0, $0xb8;
	[tilespmem:$0xA200] =	vst v63  }
0x53: {  	s28 =	simm.s32 $0xA00;
	p1 =	por p1, p0;
	s7 =	simm.s32 @!p0 $0x2A00  }
0x54: {  	[tilespmem:s7], [sflag:$0x3] =	stream.indirect.gather @!p0 [hbm4b:s4+s0], $0x80, s8, s0, $0xb8;
	[tilespmem:$0xA200] =	vst v63  }
0x55: {  	s29 =	simm.s32 $0x3;
	s0 =	simm.s32 @!p1 $0x0;
	s7 =	simm.s32 @!p1 $0x100  }
0x56: {  	[tilespmem:s7], [sflag:$0x2] =	stream.linear.gather @!p1 [hbm4b:s15+s0], $0x50, $0x38;
	[tilespmem:$0xA200] =	vst v63  }
0x57: {  	s30 =	sadd.s32 $0xA0, s16;
	s8 =	simm.s32 @!p1 $0x180;
	s7 =	sadd.s32 @!p0 $0x0, s12  }
0x58: {  	[tilespmem:s8], [sflag:$0x2] =	stream.linear.gather @!p1 [hbm4b:s14+s0], $0x50, $0x38;
	[tilespmem:$0xA200] =	vst v63  }
0x59: {  	s31 =	simm.s32 $0x1;
	s7 =	sadd.s32 @!p0 $0x500, s7;
	s0 =	sadd.s32 @!p0 $0x0, s13  }
0x5a: {  	[hbm4b:s7+s22] =	stream.linear.scatter @!p0 [tilespmem:s1], [sflag:$0x6], $0x2800, $0x38;
	[tilespmem:$0xA200] =	vst v63  }
0x5b: {  	s7 =	sadd.s32 @!p0 $0x500, s0;
	s0 =	sadd.s32 $0x14, s14;
	s1 =	sadd.s32 $0x14, s15  }
.LBB2_2:
0x5c: {  	[hbm4b:s7+s22] =	stream.linear.scatter @!p0 [tilespmem:s21], [sflag:$0x6], $0x2800, $0x38;
	[tilespmem:$0xA200] =	vst v63  }
0x5d: {  	s10 =	smov.u32 s28;
	s28 =	sadd.s32 $0xA00, s28;
	_ =	swait.ge [sflag:s23], $0x2800  }
0x5e: {  	p1 =	sne.s32 s28, $0x27600;
	[sflag:s23] =	ssyncset.done $0x0  }
0x5f: {  	[sflag:s23] =	ssyncadd.s32 $0xFFFFD800  }
0x60: {  	_ =	swait.ge [sflag:s23], $0x2800  }
0x61: {  	p0 =	sgt.u32 s29, $0x7C;
	[sflag:s23] =	ssyncset.done $0x0  }
0x62: {  	s9 =	simm.s32 @!p0 $0x2;
	p3 =	seq.s32 @!p0 s10, $0x0;
	[sflag:s23] =	ssyncadd.s32 $0xFFFFD800  }
0x63: {  	s7 =	sshrl.u32 @!p0 s30, $0x3;
	p2 =	sgt.u32 @!p0 s31, $0x3C;
	_ =	swait.ge @!p0 [sflag:s9], $0x50  }
0x64: {  	s17 =	sadd.s32 @!p0 s5, s7;
	s18 =	sadd.s32 @!p0 s6, s7;
	[sflag:s9] =	ssyncset.done @!p0 $0x0  }
0x65: {  	s11 =	sadd.s32 @!p0 s10, s13;
	s7 =	sadd.s32 @!p0 s10, s12;
	[sflag:s9] =	ssyncadd.s32 @!p0 $0xFFFFFFB0  }
0x66: {  	s8 =	sadd.s32 @!p0 $0x500, s7;
	s7 =	sadd.s32 @!p0 $0x500, s11;
	_ =	swait.ge @!p0 [sflag:s9], $0x50  }
0x67: {  	p3 =	por p3, p0;
	[sflag:s9] =	ssyncset.done @!p0 $0x0  }
0x68: {  	s11 =	simm.s32 @!p3 $0x6;
	[sflag:s9] =	ssyncadd.s32 @!p0 $0xFFFFFFB0  }
0x69: {  	_ =	swait.ge @!p3 [sflag:s11], $0x2800  }
0x6a: {  	[sflag:s11] =	ssyncset.done @!p3 $0x0  }
0x6b: {  	[sflag:s11] =	ssyncadd.s32 @!p3 $0xFFFFD800  }
0x6c: {  	_ =	swait.ge @!p3 [sflag:s11], $0x2800  }
0x6d: {  	s9 =	simm.s32 @!p0 $0x5200;
	[sflag:s11] =	ssyncset.done @!p3 $0x0  }
0x6e: {  	s21 =	simm.s32 @!p0 $0x100;
	[sflag:s11] =	ssyncadd.s32 @!p3 $0xFFFFD800;
	s11 =	simm.s32 @!p0 $0x50  }
0x6f: {  	[tilespmem:s9], [sflag:$0x4] =	stream.indirect.gather @!p0 [hbm4b:s3+s11], $0x80, s21, s11, $0xb8;
	[tilespmem:$0xA200] =	vst v63  }
0x70: {  	s22 =	simm.s32 @!p0 $0x180;
	s21 =	simm.s32 @!p0 $0x7A00  }
0x71: {  	[tilespmem:s21], [sflag:$0x4] =	stream.indirect.gather @!p0 [hbm4b:s4+s11], $0x80, s22, s11, $0xb8;
	[tilespmem:$0xA200] =	vst v63  }
0x72: {  	s22 =	simm.s32 @!p0 $0x0  }
0x73: {  	[tilespmem:s22], [sflag:$0x1] =	stream.linear.gather @!p0 [hbm4b:s17+s22], $0x50, $0x38;
	[tilespmem:$0xA200] =	vst v63  }
0x74: {  	s17 =	simm.s32 @!p0 $0x80  }
0x75: {  	[tilespmem:s17], [sflag:$0x1] =	stream.linear.gather @!p0 [hbm4b:s18+s22], $0x50, $0x38;
	[tilespmem:$0xA200] =	vst v63  }
0x76: {  	s18 =	sadd.s32 s10, s12  }
0x77: {  	[hbm4b:s18+s2] =	stream.linear.scatter [tilespmem:s19], [sflag:$0x5], $0x2800, $0x38;
	[tilespmem:$0xA200] =	vst v63  }
0x78: {  	s10 =	sadd.s32 s10, s13;
	s18 =	simm.s32 @!p0 $0x4  }
0x79: {  	[hbm4b:s10+s2] =	stream.linear.scatter [tilespmem:s20], [sflag:$0x5], $0x2800, $0x38;
	[tilespmem:$0xA200] =	vst v63  }
0x7a: {  	_ =	swait.ge @!p0 [sflag:s18], $0x2800  }
0x7b: {  	[sflag:s18] =	ssyncset.done @!p0 $0x0  }
0x7c: {  	[sflag:s18] =	ssyncadd.s32 @!p0 $0xFFFFD800  }
0x7d: {  	_ =	swait.ge @!p0 [sflag:s18], $0x2800  }
0x7e: {  	[sflag:s18] =	ssyncset.done @!p0 $0x0  }
0x7f: {  	s10 =	simm.s32 @!p0 $0x1;
	[sflag:s18] =	ssyncadd.s32 @!p0 $0xFFFFD800  }
0x80: {  	_ =	swait.ge @!p0 [sflag:s10], $0x50  }
0x81: {  	[sflag:s10] =	ssyncset.done @!p0 $0x0  }
0x82: {  	[sflag:s10] =	ssyncadd.s32 @!p0 $0xFFFFFFB0  }
0x83: {  	_ =	swait.ge @!p0 [sflag:s10], $0x50  }
0x84: {  	[sflag:s10] =	ssyncset.done @!p0 $0x0  }
0x85: {  	[sflag:s10] =	ssyncadd.s32 @!p0 $0xFFFFFFB0;
	s10 =	simm.s32 @!p0 $0x5  }
0x86: {  	_ =	swait.ge @!p0 [sflag:s10], $0x2800  }
0x87: {  	[sflag:s10] =	ssyncset.done @!p0 $0x0  }
0x88: {  	[sflag:s10] =	ssyncadd.s32 @!p0 $0xFFFFD800  }
0x89: {  	_ =	swait.ge @!p0 [sflag:s10], $0x2800  }
0x8a: {  	[sflag:s10] =	ssyncset.done @!p0 $0x0  }
0x8b: {  	[sflag:s10] =	ssyncadd.s32 @!p0 $0xFFFFD800;
	s10 =	simm.s32 @!p0 $0x200  }
0x8c: {  	[tilespmem:s10], [sflag:$0x3] =	stream.indirect.gather @!p0 [hbm4b:s3+s11], $0x80, s22, s11, $0xb8;
	[tilespmem:$0xA200] =	vst v63  }
0x8d: {  	p2 =	por p2, p0;
	s10 =	simm.s32 @!p0 $0x2A00  }
0x8e: {  	[tilespmem:s10], [sflag:$0x3] =	stream.indirect.gather @!p0 [hbm4b:s4+s11], $0x80, s17, s11, $0xb8;
	[tilespmem:$0xA200] =	vst v63  }
0x8f: {  	s10 =	simm.s32 @!p2 $0x0;
	s11 =	simm.s32 @!p2 $0x100  }
0x90: {  	[tilespmem:s11], [sflag:$0x2] =	stream.linear.gather @!p2 [hbm4b:s1+s10], $0x50, $0x38;
	[tilespmem:$0xA200] =	vst v63  }
.Ltmp0:
0x91: {  	s11 =	simm.s32 @!p2 $0x180;
	(pc) =	sbr.rel @p1 .LBB2_2-.Ltmp0, $4  }
0x92: {  	[tilespmem:s11], [sflag:$0x2] =	stream.linear.gather @!p2 [hbm4b:s0+s10], $0x50, $0x38;
	[tilespmem:$0xA200] =	vst v63  }
0x93: {  	s29 =	sadd.s32 $0x2, s29;
	s30 =	sadd.s32 $0xA0, s30  }
0x94: {  	[hbm4b:s8+s22] =	stream.linear.scatter @!p0 [tilespmem:s9], [sflag:$0x6], $0x2800, $0x38;
	[tilespmem:$0xA200] =	vst v63  }
0x95: {  	s31 =	sadd.s32 $0x1, s31;
	s1 =	sadd.s32 $0x14, s1;
	s0 =	sadd.s32 $0x14, s0  }
0x96: {  	[hbm4b:s7+s22] =	stream.linear.scatter @!p0 [tilespmem:s21], [sflag:$0x6], $0x2800, $0x38;
	[tilespmem:$0xA200] =	vst v63  }
0x97: {  	_ =	swait.ge [sflag:s24], $0x2800  }
0x98: {  	[sflag:s24] =	ssyncset.done $0x0  }
0x99: {  	[sflag:s24] =	ssyncadd.s32 $0xFFFFD800  }
0x9a: {  	_ =	swait.ge [sflag:s24], $0x2800  }
0x9b: {  	[sflag:s24] =	ssyncset.done $0x0  }
0x9c: {  	[sflag:s24] =	ssyncadd.s32 $0xFFFFD800  }
0x9d: {  	_ =	swait.ge [sflag:s25], $0x2800  }
0x9e: {  	[sflag:s25] =	ssyncset.done $0x0  }
0x9f: {  	[sflag:s25] =	ssyncadd.s32 $0xFFFFD800  }
0xa0: {  	_ =	swait.ge [sflag:s25], $0x2800  }
0xa1: {  	s26 =	sadd.s32 $0x1, s26;
	s0 =	rddreg [dreg:$0x6]  }
0xa2: {  	p0 =	sne.s32 s26, s0  }
.Ltmp1:
0xa3: {  	_ = 	snop;
	(pc) =	sbr.rel @p0 .LBB2_1-.Ltmp1, $3  }
0xa4: {  	_ =	sdelay $0x1  }
0xa5: {  	[sflag:s25] =	ssyncset.done $0x0  }
0xa6: {  	[sflag:s25] =	ssyncadd.s32 $0xFFFFD800  }
0xa7: {  	_ =	sfence.sel $0x180000  }
0xa8: {  	[bflag:$0x0] =	sbarrier.arrive $0xFFFF  }
0xa9: {  	_ =	strace $0x90000050  }
0xaa: {  	s0 =	stileid.u32;
	[bflag:$0x2] =	sbarrier.arrive $0xFFFF  }
0xab: {  	p0 =	sne.s32 s0, $0x0;
	s0 =	rddreg [dreg:$0x1]  }
0xac: {  	s0 =	sadd.s32 @!p0 $0x100000, s0  }
0xad: {  	[sflag:s0] =	ssyncadd.tile.s32 @!p0 $0x1;
	_ =	shalt  }
.Lfunc_end2:
_tile_overlayer_lowered:
.L_overlay_start_2:
0xae: {  	(tag) =	ssettag $0x2  }
0xaf: {  	s0 =	rddreg [dreg:$0x0];
	s2 =	stileid.u32  }
0xb0: {  	s1 =	rddreg [dreg:$0x1];
	p0 =	sne.s32 s2, $0x0  }
0xb1: {  	s3 =	rddreg [dreg:$0x2];
	[bflag:$0x3] =	sbarrier.arrive $0xFFFF;
	s2 =	simm.s32 @!p0 $0x1C07  }
0xb2: {  	[timem:s3], [sflag:s2] =	dma.local @!p0 [hbm:s0], s1  }
0xb3: {  	s0 =	simm.s32 @!p0 $0x7  }
0xb4: {  	_ =	swait.ge @!p0 [sflag:s0], s1  }
0xb5: {  	s1 =	ssub.s32 @!p0 $0x0, s1;
	[sflag:s0] =	ssyncset.done @!p0 $0x0  }
0xb6: {  	[sflag:s0] =	ssyncadd.s32 @!p0 s1  }
0xb7: {  	[bflag:$0x3] =	sbarrier.arrive $0xFFFF  }
0xb8: {  	_ =	shalt  }

</sc_bundles>
